<compile_context>
chip_gen: v7x
topology: tpu7x:2x2x1
jax: 0.10.2.dev20260603
libtpu: 0.0.44.dev20260713+nightly
codegen_flags: <defaults>
</compile_context>

<pallas_src>
import functools

import jax
import jax.numpy as jnp
from jax import lax
from jax.experimental import pallas as pl
from jax.experimental.pallas import tpu as pltpu
from jax.experimental.pallas import tpu_sc as plsc

B, W, R, M = 256, 4, 8, 8192
NC, NS, L = 2, 16, 16
NW = NC * NS

F_SC = 64
ROWS = F_SC // NW
B_TC = B - F_SC
BB = 16

_mesh = plsc.VectorSubcoreMesh(core_axis_name="c", subcore_axis_name="s")


@functools.partial(
    pl.kernel,
    mesh=_mesh,
    out_type=jax.ShapeDtypeStruct((F_SC, M), jnp.float32),
    scratch_types=[
        pltpu.VMEM((W, M), jnp.float32),
        pltpu.VMEM((R, M), jnp.float32),
        pltpu.VMEM((M,), jnp.float32),
        pltpu.VMEM((R, L), jnp.float32),
        pltpu.VMEM((M,), jnp.float32),
    ],
)
def _freeness_sc(ww_hbm, fgb_hbm, rw_hbm, prev_hbm, out_hbm,
                 ww_v, rw_v, prev_v, fgb_v, out_v):
    wid = lax.axis_index("s") * NC + lax.axis_index("c")
    base = wid * ROWS
    for j in range(ROWS):
        b = base + j
        pltpu.sync_copy(ww_hbm.at[b], ww_v)
        pltpu.sync_copy(rw_hbm.at[b], rw_v)
        pltpu.sync_copy(prev_hbm.at[b], prev_v)
        pltpu.sync_copy(fgb_hbm.at[b], fgb_v)
        fg = [fgb_v[r] for r in range(R)]

        def body(i, carry):
            sl = pl.ds(i * L, L)
            prev = prev_v[sl]
            keep = (1.0 - ww_v[0, sl]) * (1.0 - ww_v[1, sl])
            keep = keep * (1.0 - ww_v[2, sl]) * (1.0 - ww_v[3, sl])
            usage = prev + (1.0 - prev) * (1.0 - keep)
            phi = 1.0 - fg[0] * rw_v[0, sl]
            for r in range(1, R):
                phi = phi * (1.0 - fg[r] * rw_v[r, sl])
            out_v[sl] = usage * phi
            return carry

        lax.fori_loop(0, M // L, body, 0)
        pltpu.sync_copy(out_v, out_hbm.at[b])


def _freeness_tc(fg_ref, ww_ref, rw_ref, prev_ref, out_ref):
    for b in range(BB):
        prev = prev_ref[b]
        keep = 1.0 - ww_ref[b, 0]
        for w in range(1, W):
            keep = keep * (1.0 - ww_ref[b, w])
        usage = prev + (1.0 - prev) * (1.0 - keep)
        phi = 1.0 - fg_ref[b, 0] * rw_ref[b, 0]
        for r in range(1, R):
            phi = phi * (1.0 - fg_ref[b, r] * rw_ref[b, r])
        out_ref[b] = usage * phi


def kernel(write_weights, free_gate, read_weights, prev_usage):
    fgb = jnp.broadcast_to(free_gate[:F_SC, :, None], (F_SC, R, L))
    out_sc = _freeness_sc(write_weights, fgb, read_weights, prev_usage)

    off = F_SC // BB
    out_tc = pl.pallas_call(
        _freeness_tc,
        grid=(B_TC // BB,),
        in_specs=[
            pl.BlockSpec((BB, R), lambda i: (i + off, 0),
                         memory_space=pltpu.SMEM),
            pl.BlockSpec((BB, W, M), lambda i: (i + off, 0, 0)),
            pl.BlockSpec((BB, R, M), lambda i: (i + off, 0, 0)),
            pl.BlockSpec((BB, M), lambda i: (i + off, 0)),
        ],
        out_specs=pl.BlockSpec((BB, M), lambda i: (i, 0)),
        out_shape=jax.ShapeDtypeStruct((B_TC, M), jnp.float32),
    )(free_gate, write_weights, read_weights, prev_usage)

    return jnp.concatenate([out_sc, out_tc], axis=0)

# --- scband reference (transcript-rebuilt; emitter-appended) ---
"""Pipeline reference for scband-freeness-72894184947911 (READ-ONLY COPY).

The authoritative reference and input builder live on the scoring server;
editing this copy changes nothing except your own understanding.
"""

import jax, jax.numpy as jnp
import numpy as np


def setup_inputs(seed: int = 0) -> dict:
    key = jax.random.key(seed)
    k1, k2, k3, k4 = jax.random.split(key, 4)
    B, W, R, M = 256, 4, 8, 8192
    return {
        "write_weights": jax.random.uniform(k1, (B, W, M), dtype=jnp.float32),
        "free_gate": jax.random.uniform(k2, (B, R), dtype=jnp.float32),
        "read_weights": jax.random.uniform(k3, (B, R, M), dtype=jnp.float32),
        "prev_usage": jax.random.uniform(k4, (B, M), dtype=jnp.float32),
    }


def reference(write_weights, free_gate, read_weights, prev_usage):
    # Freeness.__call__
    write_weights = jax.lax.stop_gradient(write_weights)
    # _usage_after_write: combine write heads, increase usage toward 1
    ww_combined = 1.0 - jnp.prod(1.0 - write_weights, axis=1)
    usage = prev_usage + (1.0 - prev_usage) * ww_combined
    # _usage_after_read: free locations read with free_gate ~ 1
    fg = jnp.expand_dims(free_gate, -1)
    free_read_weights = fg * read_weights
    phi = jnp.prod(1.0 - free_read_weights, axis=1)
    usage = usage * phi
    return usage

if __name__ == "__main__":
    import jax
    _d = setup_inputs()
    print(jax.jit(kernel)(*tuple(_d.values())))

</pallas_src>

<mosaic_0001>
#map = affine_map<(d0, d1) -> (0, 0, 0)>
#map1 = affine_map<(d0, d1) -> (0, 0)>
module attributes {stable_mosaic.version = 14 : i64} {
  func.func @_freeness_sc(%arg0: i32, %arg1: i32, %arg2: memref<256x4x8192xf32, #tpu.memory_space<hbm>>, %arg3: memref<64x8x16xf32, #tpu.memory_space<hbm>>, %arg4: memref<256x8x8192xf32, #tpu.memory_space<hbm>>, %arg5: memref<256x8192xf32, #tpu.memory_space<hbm>>, %arg6: memref<64x8192xf32, #tpu.memory_space<hbm>>, %arg7: memref<4x8192xf32, #tpu.memory_space<vmem>>, %arg8: memref<8x8192xf32, #tpu.memory_space<vmem>>, %arg9: memref<8192xf32, #tpu.memory_space<vmem>>, %arg10: memref<8x16xf32, #tpu.memory_space<vmem>>, %arg11: memref<8192xf32, #tpu.memory_space<vmem>>) attributes {dimension_semantics = [#tpu.dimension_semantics<core_parallel>, #tpu.dimension_semantics<subcore_parallel>], iteration_bounds = array<i64: 2, 16>, scalar_prefetch = 0 : i64, scratch_operands = 5 : i64, tpu.core_type = #tpu.core_type<sc_vector_subcore>, window_params = [{transform_indices = #map}, {transform_indices = #map}, {transform_indices = #map}, {transform_indices = #map1}, {transform_indices = #map1}]} {
    %mul3A = arith.constant 2 : i32
    %mul3A_0 = arith.muli %arg1, %mul3A : i32
    %add3A = arith.addi %mul3A_0, %arg0 : i32
    %mul3A_1 = arith.constant 2 : i32
    %mul3A_2 = arith.muli %add3A, %mul3A_1 : i32
    %add3A_3 = arith.constant 0 : i32
    %add3A_4 = arith.addi %mul3A_2, %add3A_3 : i32
    "tpu.region"() ({
      %run_scoped3A = tpu.sem_alloc : memref<!tpu.dma_semaphore, #tpu.memory_space<semaphore_mem>>
      %dma_start3A = arith.constant 0 : i32
      %dma_start3A_97 = arith.constant 0 : i32
      %dma_start3A_98 = tpu.memref_slice %arg2[%add3A_4, %dma_start3A, %dma_start3A_97] : memref<256x4x8192xf32, #tpu.memory_space<hbm>> -> memref<1x4x8192xf32, #tpu.memory_space<hbm>>
      %dma_start3A_99 = tpu.memref_squeeze %dma_start3A_98 : memref<1x4x8192xf32, #tpu.memory_space<hbm>> -> memref<4x8192xf32, #tpu.memory_space<hbm>>
      %dma_start3A_100 = arith.constant 0 : i32
      %dma_start3A_101 = arith.constant 0 : i32
      %dma_start3A_102 = tpu.memref_slice %arg2[%add3A_4, %dma_start3A_100, %dma_start3A_101] : memref<256x4x8192xf32, #tpu.memory_space<hbm>> -> memref<1x4x8192xf32, #tpu.memory_space<hbm>>
      %dma_start3A_103 = tpu.memref_squeeze %dma_start3A_102 : memref<1x4x8192xf32, #tpu.memory_space<hbm>> -> memref<4x8192xf32, #tpu.memory_space<hbm>>
      tpu.enqueue_dma source(%dma_start3A_103 : memref<4x8192xf32, #tpu.memory_space<hbm>>) target(%arg7 : memref<4x8192xf32, #tpu.memory_space<vmem>>) target_semaphore(%run_scoped3A : memref<!tpu.dma_semaphore, #tpu.memory_space<semaphore_mem>>)
      %dma_wait3A = arith.constant 0 : i32
      %dma_wait3A_104 = arith.constant 0 : i32
      %dma_wait3A_105 = tpu.memref_slice %arg2[%add3A_4, %dma_wait3A, %dma_wait3A_104] : memref<256x4x8192xf32, #tpu.memory_space<hbm>> -> memref<1x4x8192xf32, #tpu.memory_space<hbm>>
      %dma_wait3A_106 = tpu.memref_squeeze %dma_wait3A_105 : memref<1x4x8192xf32, #tpu.memory_space<hbm>> -> memref<4x8192xf32, #tpu.memory_space<hbm>>
      %dma_wait3A_107 = arith.constant 0 : i32
      %dma_wait3A_108 = arith.constant 0 : i32
      %dma_wait3A_109 = tpu.memref_slice %arg2[%add3A_4, %dma_wait3A_107, %dma_wait3A_108] : memref<256x4x8192xf32, #tpu.memory_space<hbm>> -> memref<1x4x8192xf32, #tpu.memory_space<hbm>>
      %dma_wait3A_110 = tpu.memref_squeeze %dma_wait3A_109 : memref<1x4x8192xf32, #tpu.memory_space<hbm>> -> memref<4x8192xf32, #tpu.memory_space<hbm>>
      tpu.wait_dma2 semaphore(%run_scoped3A : memref<!tpu.dma_semaphore, #tpu.memory_space<semaphore_mem>>) src(%dma_wait3A_110 : memref<4x8192xf32, #tpu.memory_space<hbm>>) dst(%arg7 : memref<4x8192xf32, #tpu.memory_space<vmem>>)
      tpu.yield
    }) : () -> ()
    "tpu.region"() ({
      %run_scoped3A = tpu.sem_alloc : memref<!tpu.dma_semaphore, #tpu.memory_space<semaphore_mem>>
      %dma_start3A = arith.constant 0 : i32
      %dma_start3A_97 = arith.constant 0 : i32
      %dma_start3A_98 = tpu.memref_slice %arg4[%add3A_4, %dma_start3A, %dma_start3A_97] : memref<256x8x8192xf32, #tpu.memory_space<hbm>> -> memref<1x8x8192xf32, #tpu.memory_space<hbm>>
      %dma_start3A_99 = tpu.memref_squeeze %dma_start3A_98 : memref<1x8x8192xf32, #tpu.memory_space<hbm>> -> memref<8x8192xf32, #tpu.memory_space<hbm>>
      %dma_start3A_100 = arith.constant 0 : i32
      %dma_start3A_101 = arith.constant 0 : i32
      %dma_start3A_102 = tpu.memref_slice %arg4[%add3A_4, %dma_start3A_100, %dma_start3A_101] : memref<256x8x8192xf32, #tpu.memory_space<hbm>> -> memref<1x8x8192xf32, #tpu.memory_space<hbm>>
      %dma_start3A_103 = tpu.memref_squeeze %dma_start3A_102 : memref<1x8x8192xf32, #tpu.memory_space<hbm>> -> memref<8x8192xf32, #tpu.memory_space<hbm>>
      tpu.enqueue_dma source(%dma_start3A_103 : memref<8x8192xf32, #tpu.memory_space<hbm>>) target(%arg8 : memref<8x8192xf32, #tpu.memory_space<vmem>>) target_semaphore(%run_scoped3A : memref<!tpu.dma_semaphore, #tpu.memory_space<semaphore_mem>>)
      %dma_wait3A = arith.constant 0 : i32
      %dma_wait3A_104 = arith.constant 0 : i32
      %dma_wait3A_105 = tpu.memref_slice %arg4[%add3A_4, %dma_wait3A, %dma_wait3A_104] : memref<256x8x8192xf32, #tpu.memory_space<hbm>> -> memref<1x8x8192xf32, #tpu.memory_space<hbm>>
      %dma_wait3A_106 = tpu.memref_squeeze %dma_wait3A_105 : memref<1x8x8192xf32, #tpu.memory_space<hbm>> -> memref<8x8192xf32, #tpu.memory_space<hbm>>
      %dma_wait3A_107 = arith.constant 0 : i32
      %dma_wait3A_108 = arith.constant 0 : i32
      %dma_wait3A_109 = tpu.memref_slice %arg4[%add3A_4, %dma_wait3A_107, %dma_wait3A_108] : memref<256x8x8192xf32, #tpu.memory_space<hbm>> -> memref<1x8x8192xf32, #tpu.memory_space<hbm>>
      %dma_wait3A_110 = tpu.memref_squeeze %dma_wait3A_109 : memref<1x8x8192xf32, #tpu.memory_space<hbm>> -> memref<8x8192xf32, #tpu.memory_space<hbm>>
      tpu.wait_dma2 semaphore(%run_scoped3A : memref<!tpu.dma_semaphore, #tpu.memory_space<semaphore_mem>>) src(%dma_wait3A_110 : memref<8x8192xf32, #tpu.memory_space<hbm>>) dst(%arg8 : memref<8x8192xf32, #tpu.memory_space<vmem>>)
      tpu.yield
    }) : () -> ()
    "tpu.region"() ({
      %run_scoped3A = tpu.sem_alloc : memref<!tpu.dma_semaphore, #tpu.memory_space<semaphore_mem>>
      %dma_start3A = arith.constant 0 : i32
      %dma_start3A_97 = tpu.memref_slice %arg5[%add3A_4, %dma_start3A] : memref<256x8192xf32, #tpu.memory_space<hbm>> -> memref<1x8192xf32, #tpu.memory_space<hbm>>
      %dma_start3A_98 = tpu.memref_squeeze %dma_start3A_97 : memref<1x8192xf32, #tpu.memory_space<hbm>> -> memref<8192xf32, #tpu.memory_space<hbm>>
      %dma_start3A_99 = arith.constant 0 : i32
      %dma_start3A_100 = tpu.memref_slice %arg5[%add3A_4, %dma_start3A_99] : memref<256x8192xf32, #tpu.memory_space<hbm>> -> memref<1x8192xf32, #tpu.memory_space<hbm>>
      %dma_start3A_101 = tpu.memref_squeeze %dma_start3A_100 : memref<1x8192xf32, #tpu.memory_space<hbm>> -> memref<8192xf32, #tpu.memory_space<hbm>>
      tpu.enqueue_dma source(%dma_start3A_101 : memref<8192xf32, #tpu.memory_space<hbm>>) target(%arg9 : memref<8192xf32, #tpu.memory_space<vmem>>) target_semaphore(%run_scoped3A : memref<!tpu.dma_semaphore, #tpu.memory_space<semaphore_mem>>)
      %dma_wait3A = arith.constant 0 : i32
      %dma_wait3A_102 = tpu.memref_slice %arg5[%add3A_4, %dma_wait3A] : memref<256x8192xf32, #tpu.memory_space<hbm>> -> memref<1x8192xf32, #tpu.memory_space<hbm>>
      %dma_wait3A_103 = tpu.memref_squeeze %dma_wait3A_102 : memref<1x8192xf32, #tpu.memory_space<hbm>> -> memref<8192xf32, #tpu.memory_space<hbm>>
      %dma_wait3A_104 = arith.constant 0 : i32
      %dma_wait3A_105 = tpu.memref_slice %arg5[%add3A_4, %dma_wait3A_104] : memref<256x8192xf32, #tpu.memory_space<hbm>> -> memref<1x8192xf32, #tpu.memory_space<hbm>>
      %dma_wait3A_106 = tpu.memref_squeeze %dma_wait3A_105 : memref<1x8192xf32, #tpu.memory_space<hbm>> -> memref<8192xf32, #tpu.memory_space<hbm>>
      tpu.wait_dma2 semaphore(%run_scoped3A : memref<!tpu.dma_semaphore, #tpu.memory_space<semaphore_mem>>) src(%dma_wait3A_106 : memref<8192xf32, #tpu.memory_space<hbm>>) dst(%arg9 : memref<8192xf32, #tpu.memory_space<vmem>>)
      tpu.yield
    }) : () -> ()
    "tpu.region"() ({
      %run_scoped3A = tpu.sem_alloc : memref<!tpu.dma_semaphore, #tpu.memory_space<semaphore_mem>>
      %dma_start3A = arith.constant 0 : i32
      %dma_start3A_97 = arith.constant 0 : i32
      %dma_start3A_98 = tpu.memref_slice %arg3[%add3A_4, %dma_start3A, %dma_start3A_97] : memref<64x8x16xf32, #tpu.memory_space<hbm>> -> memref<1x8x16xf32, #tpu.memory_space<hbm>>
      %dma_start3A_99 = tpu.memref_squeeze %dma_start3A_98 : memref<1x8x16xf32, #tpu.memory_space<hbm>> -> memref<8x16xf32, #tpu.memory_space<hbm>>
      %dma_start3A_100 = arith.constant 0 : i32
      %dma_start3A_101 = arith.constant 0 : i32
      %dma_start3A_102 = tpu.memref_slice %arg3[%add3A_4, %dma_start3A_100, %dma_start3A_101] : memref<64x8x16xf32, #tpu.memory_space<hbm>> -> memref<1x8x16xf32, #tpu.memory_space<hbm>>
      %dma_start3A_103 = tpu.memref_squeeze %dma_start3A_102 : memref<1x8x16xf32, #tpu.memory_space<hbm>> -> memref<8x16xf32, #tpu.memory_space<hbm>>
      tpu.enqueue_dma source(%dma_start3A_103 : memref<8x16xf32, #tpu.memory_space<hbm>>) target(%arg10 : memref<8x16xf32, #tpu.memory_space<vmem>>) target_semaphore(%run_scoped3A : memref<!tpu.dma_semaphore, #tpu.memory_space<semaphore_mem>>)
      %dma_wait3A = arith.constant 0 : i32
      %dma_wait3A_104 = arith.constant 0 : i32
      %dma_wait3A_105 = tpu.memref_slice %arg3[%add3A_4, %dma_wait3A, %dma_wait3A_104] : memref<64x8x16xf32, #tpu.memory_space<hbm>> -> memref<1x8x16xf32, #tpu.memory_space<hbm>>
      %dma_wait3A_106 = tpu.memref_squeeze %dma_wait3A_105 : memref<1x8x16xf32, #tpu.memory_space<hbm>> -> memref<8x16xf32, #tpu.memory_space<hbm>>
      %dma_wait3A_107 = arith.constant 0 : i32
      %dma_wait3A_108 = arith.constant 0 : i32
      %dma_wait3A_109 = tpu.memref_slice %arg3[%add3A_4, %dma_wait3A_107, %dma_wait3A_108] : memref<64x8x16xf32, #tpu.memory_space<hbm>> -> memref<1x8x16xf32, #tpu.memory_space<hbm>>
      %dma_wait3A_110 = tpu.memref_squeeze %dma_wait3A_109 : memref<1x8x16xf32, #tpu.memory_space<hbm>> -> memref<8x16xf32, #tpu.memory_space<hbm>>
      tpu.wait_dma2 semaphore(%run_scoped3A : memref<!tpu.dma_semaphore, #tpu.memory_space<semaphore_mem>>) src(%dma_wait3A_110 : memref<8x16xf32, #tpu.memory_space<hbm>>) dst(%arg10 : memref<8x16xf32, #tpu.memory_space<vmem>>)
      tpu.yield
    }) : () -> ()
    %get3A = arith.constant 0 : i32
    %get3A_5 = arith.index_cast %get3A : i32 to index
    %get3A_6 = arith.constant 0 : index
    %get3A_7 = tpu.vector_load %arg10[%get3A_5, %get3A_6] {strides = array<i32>} : memref<8x16xf32, #tpu.memory_space<vmem>>, vector<1x16xf32>,
    %get3A_8 = vector.shape_cast %get3A_7 : vector<1x16xf32> to vector<16xf32>
    %get3A_9 = arith.constant 1 : i32
    %get3A_10 = arith.index_cast %get3A_9 : i32 to index
    %get3A_11 = arith.constant 0 : index
    %get3A_12 = tpu.vector_load %arg10[%get3A_10, %get3A_11] {strides = array<i32>} : memref<8x16xf32, #tpu.memory_space<vmem>>, vector<1x16xf32>,
    %get3A_13 = vector.shape_cast %get3A_12 : vector<1x16xf32> to vector<16xf32>
    %get3A_14 = arith.constant 2 : i32
    %get3A_15 = arith.index_cast %get3A_14 : i32 to index
    %get3A_16 = arith.constant 0 : index
    %get3A_17 = tpu.vector_load %arg10[%get3A_15, %get3A_16] {strides = array<i32>} : memref<8x16xf32, #tpu.memory_space<vmem>>, vector<1x16xf32>,
    %get3A_18 = vector.shape_cast %get3A_17 : vector<1x16xf32> to vector<16xf32>
    %get3A_19 = arith.constant 3 : i32
    %get3A_20 = arith.index_cast %get3A_19 : i32 to index
    %get3A_21 = arith.constant 0 : index
    %get3A_22 = tpu.vector_load %arg10[%get3A_20, %get3A_21] {strides = array<i32>} : memref<8x16xf32, #tpu.memory_space<vmem>>, vector<1x16xf32>,
    %get3A_23 = vector.shape_cast %get3A_22 : vector<1x16xf32> to vector<16xf32>
    %get3A_24 = arith.constant 4 : i32
    %get3A_25 = arith.index_cast %get3A_24 : i32 to index
    %get3A_26 = arith.constant 0 : index
    %get3A_27 = tpu.vector_load %arg10[%get3A_25, %get3A_26] {strides = array<i32>} : memref<8x16xf32, #tpu.memory_space<vmem>>, vector<1x16xf32>,
    %get3A_28 = vector.shape_cast %get3A_27 : vector<1x16xf32> to vector<16xf32>
    %get3A_29 = arith.constant 5 : i32
    %get3A_30 = arith.index_cast %get3A_29 : i32 to index
    %get3A_31 = arith.constant 0 : index
    %get3A_32 = tpu.vector_load %arg10[%get3A_30, %get3A_31] {strides = array<i32>} : memref<8x16xf32, #tpu.memory_space<vmem>>, vector<1x16xf32>,
    %get3A_33 = vector.shape_cast %get3A_32 : vector<1x16xf32> to vector<16xf32>
    %get3A_34 = arith.constant 6 : i32
    %get3A_35 = arith.index_cast %get3A_34 : i32 to index
    %get3A_36 = arith.constant 0 : index
    %get3A_37 = tpu.vector_load %arg10[%get3A_35, %get3A_36] {strides = array<i32>} : memref<8x16xf32, #tpu.memory_space<vmem>>, vector<1x16xf32>,
    %get3A_38 = vector.shape_cast %get3A_37 : vector<1x16xf32> to vector<16xf32>
    %get3A_39 = arith.constant 7 : i32
    %get3A_40 = arith.index_cast %get3A_39 : i32 to index
    %get3A_41 = arith.constant 0 : index
    %get3A_42 = tpu.vector_load %arg10[%get3A_40, %get3A_41] {strides = array<i32>} : memref<8x16xf32, #tpu.memory_space<vmem>>, vector<1x16xf32>,
    %get3A_43 = vector.shape_cast %get3A_42 : vector<1x16xf32> to vector<16xf32>
    %scan3A = arith.constant 0 : i32
    %scan3A_44 = arith.constant 0 : i32
    %scan3A_45 = arith.constant 512 : i32
    %scan3A_46 = arith.addi %scan3A_44, %scan3A_45 : i32
    %scan3A_47 = arith.constant 1 : i32
    scf.for %scan3A_97 = %scan3A_44 to %scan3A_46 step %scan3A_47  : i32 {
      %mul3A_98 = arith.constant 16 : i32
      %mul3A_99 = arith.muli %scan3A_97, %mul3A_98 : i32
      %get3A_100 = arith.index_cast %mul3A_99 : i32 to index
      %get3A_101 = tpu.vector_load %arg9[%get3A_100] {strides = array<i32>} : memref<8192xf32, #tpu.memory_space<vmem>>, vector<16xf32>,
      %get3A_102 = vector.shape_cast %get3A_101 : vector<16xf32> to vector<16xf32>
      %get3A_103 = arith.constant 0 : i32
      %get3A_104 = arith.index_cast %get3A_103 : i32 to index
      %get3A_105 = arith.index_cast %mul3A_99 : i32 to index
      %get3A_106 = tpu.vector_load %arg7[%get3A_104, %get3A_105] {strides = array<i32>} : memref<4x8192xf32, #tpu.memory_space<vmem>>, vector<1x16xf32>,
      %get3A_107 = vector.shape_cast %get3A_106 : vector<1x16xf32> to vector<16xf32>
      %sub3A = arith.constant 1.000000e+00 : f32
      %sub3A_108 = vector.broadcast %sub3A : f32 to vector<16xf32>
      %sub3A_109 = arith.subf %sub3A_108, %get3A_107 : vector<16xf32>
      %get3A_110 = arith.constant 1 : i32
      %get3A_111 = arith.index_cast %get3A_110 : i32 to index
      %get3A_112 = arith.index_cast %mul3A_99 : i32 to index
      %get3A_113 = tpu.vector_load %arg7[%get3A_111, %get3A_112] {strides = array<i32>} : memref<4x8192xf32, #tpu.memory_space<vmem>>, vector<1x16xf32>,
      %get3A_114 = vector.shape_cast %get3A_113 : vector<1x16xf32> to vector<16xf32>
      %sub3A_115 = arith.constant 1.000000e+00 : f32
      %sub3A_116 = vector.broadcast %sub3A_115 : f32 to vector<16xf32>
      %sub3A_117 = arith.subf %sub3A_116, %get3A_114 : vector<16xf32>
      %mul3A_118 = arith.mulf %sub3A_109, %sub3A_117 : vector<16xf32>
      %get3A_119 = arith.constant 2 : i32
      %get3A_120 = arith.index_cast %get3A_119 : i32 to index
      %get3A_121 = arith.index_cast %mul3A_99 : i32 to index
      %get3A_122 = tpu.vector_load %arg7[%get3A_120, %get3A_121] {strides = array<i32>} : memref<4x8192xf32, #tpu.memory_space<vmem>>, vector<1x16xf32>,
      %get3A_123 = vector.shape_cast %get3A_122 : vector<1x16xf32> to vector<16xf32>
      %sub3A_124 = arith.constant 1.000000e+00 : f32
      %sub3A_125 = vector.broadcast %sub3A_124 : f32 to vector<16xf32>
      %sub3A_126 = arith.subf %sub3A_125, %get3A_123 : vector<16xf32>
      %mul3A_127 = arith.mulf %mul3A_118, %sub3A_126 : vector<16xf32>
      %get3A_128 = arith.constant 3 : i32
      %get3A_129 = arith.index_cast %get3A_128 : i32 to index
      %get3A_130 = arith.index_cast %mul3A_99 : i32 to index
      %get3A_131 = tpu.vector_load %arg7[%get3A_129, %get3A_130] {strides = array<i32>} : memref<4x8192xf32, #tpu.memory_space<vmem>>, vector<1x16xf32>,
      %get3A_132 = vector.shape_cast %get3A_131 : vector<1x16xf32> to vector<16xf32>
      %sub3A_133 = arith.constant 1.000000e+00 : f32
      %sub3A_134 = vector.broadcast %sub3A_133 : f32 to vector<16xf32>
      %sub3A_135 = arith.subf %sub3A_134, %get3A_132 : vector<16xf32>
      %mul3A_136 = arith.mulf %mul3A_127, %sub3A_135 : vector<16xf32>
      %sub3A_137 = arith.constant 1.000000e+00 : f32
      %sub3A_138 = vector.broadcast %sub3A_137 : f32 to vector<16xf32>
      %sub3A_139 = arith.subf %sub3A_138, %get3A_102 : vector<16xf32>
      %sub3A_140 = arith.constant 1.000000e+00 : f32
      %sub3A_141 = vector.broadcast %sub3A_140 : f32 to vector<16xf32>
      %sub3A_142 = arith.subf %sub3A_141, %mul3A_136 : vector<16xf32>
      %mul3A_143 = arith.mulf %sub3A_139, %sub3A_142 : vector<16xf32>
      %add3A_144 = arith.addf %get3A_102, %mul3A_143 : vector<16xf32>
      %get3A_145 = arith.constant 0 : i32
      %get3A_146 = arith.index_cast %get3A_145 : i32 to index
      %get3A_147 = arith.index_cast %mul3A_99 : i32 to index
      %get3A_148 = tpu.vector_load %arg8[%get3A_146, %get3A_147] {strides = array<i32>} : memref<8x8192xf32, #tpu.memory_space<vmem>>, vector<1x16xf32>,
      %get3A_149 = vector.shape_cast %get3A_148 : vector<1x16xf32> to vector<16xf32>
      %mul3A_150 = arith.mulf %get3A_8, %get3A_149 : vector<16xf32>
      %sub3A_151 = arith.constant 1.000000e+00 : f32
      %sub3A_152 = vector.broadcast %sub3A_151 : f32 to vector<16xf32>
      %sub3A_153 = arith.subf %sub3A_152, %mul3A_150 : vector<16xf32>
      %get3A_154 = arith.constant 1 : i32
      %get3A_155 = arith.index_cast %get3A_154 : i32 to index
      %get3A_156 = arith.index_cast %mul3A_99 : i32 to index
      %get3A_157 = tpu.vector_load %arg8[%get3A_155, %get3A_156] {strides = array<i32>} : memref<8x8192xf32, #tpu.memory_space<vmem>>, vector<1x16xf32>,
      %get3A_158 = vector.shape_cast %get3A_157 : vector<1x16xf32> to vector<16xf32>
      %mul3A_159 = arith.mulf %get3A_13, %get3A_158 : vector<16xf32>
      %sub3A_160 = arith.constant 1.000000e+00 : f32
      %sub3A_161 = vector.broadcast %sub3A_160 : f32 to vector<16xf32>
      %sub3A_162 = arith.subf %sub3A_161, %mul3A_159 : vector<16xf32>
      %mul3A_163 = arith.mulf %sub3A_153, %sub3A_162 : vector<16xf32>
      %get3A_164 = arith.constant 2 : i32
      %get3A_165 = arith.index_cast %get3A_164 : i32 to index
      %get3A_166 = arith.index_cast %mul3A_99 : i32 to index
      %get3A_167 = tpu.vector_load %arg8[%get3A_165, %get3A_166] {strides = array<i32>} : memref<8x8192xf32, #tpu.memory_space<vmem>>, vector<1x16xf32>,
      %get3A_168 = vector.shape_cast %get3A_167 : vector<1x16xf32> to vector<16xf32>
      %mul3A_169 = arith.mulf %get3A_18, %get3A_168 : vector<16xf32>
      %sub3A_170 = arith.constant 1.000000e+00 : f32
      %sub3A_171 = vector.broadcast %sub3A_170 : f32 to vector<16xf32>
      %sub3A_172 = arith.subf %sub3A_171, %mul3A_169 : vector<16xf32>
      %mul3A_173 = arith.mulf %mul3A_163, %sub3A_172 : vector<16xf32>
      %get3A_174 = arith.constant 3 : i32
      %get3A_175 = arith.index_cast %get3A_174 : i32 to index
      %get3A_176 = arith.index_cast %mul3A_99 : i32 to index
      %get3A_177 = tpu.vector_load %arg8[%get3A_175, %get3A_176] {strides = array<i32>} : memref<8x8192xf32, #tpu.memory_space<vmem>>, vector<1x16xf32>,
      %get3A_178 = vector.shape_cast %get3A_177 : vector<1x16xf32> to vector<16xf32>
      %mul3A_179 = arith.mulf %get3A_23, %get3A_178 : vector<16xf32>
      %sub3A_180 = arith.constant 1.000000e+00 : f32
      %sub3A_181 = vector.broadcast %sub3A_180 : f32 to vector<16xf32>
      %sub3A_182 = arith.subf %sub3A_181, %mul3A_179 : vector<16xf32>
      %mul3A_183 = arith.mulf %mul3A_173, %sub3A_182 : vector<16xf32>
      %get3A_184 = arith.constant 4 : i32
      %get3A_185 = arith.index_cast %get3A_184 : i32 to index
      %get3A_186 = arith.index_cast %mul3A_99 : i32 to index
      %get3A_187 = tpu.vector_load %arg8[%get3A_185, %get3A_186] {strides = array<i32>} : memref<8x8192xf32, #tpu.memory_space<vmem>>, vector<1x16xf32>,
      %get3A_188 = vector.shape_cast %get3A_187 : vector<1x16xf32> to vector<16xf32>
      %mul3A_189 = arith.mulf %get3A_28, %get3A_188 : vector<16xf32>
      %sub3A_190 = arith.constant 1.000000e+00 : f32
      %sub3A_191 = vector.broadcast %sub3A_190 : f32 to vector<16xf32>
      %sub3A_192 = arith.subf %sub3A_191, %mul3A_189 : vector<16xf32>
      %mul3A_193 = arith.mulf %mul3A_183, %sub3A_192 : vector<16xf32>
      %get3A_194 = arith.constant 5 : i32
      %get3A_195 = arith.index_cast %get3A_194 : i32 to index
      %get3A_196 = arith.index_cast %mul3A_99 : i32 to index
      %get3A_197 = tpu.vector_load %arg8[%get3A_195, %get3A_196] {strides = array<i32>} : memref<8x8192xf32, #tpu.memory_space<vmem>>, vector<1x16xf32>,
      %get3A_198 = vector.shape_cast %get3A_197 : vector<1x16xf32> to vector<16xf32>
      %mul3A_199 = arith.mulf %get3A_33, %get3A_198 : vector<16xf32>
      %sub3A_200 = arith.constant 1.000000e+00 : f32
      %sub3A_201 = vector.broadcast %sub3A_200 : f32 to vector<16xf32>
      %sub3A_202 = arith.subf %sub3A_201, %mul3A_199 : vector<16xf32>
      %mul3A_203 = arith.mulf %mul3A_193, %sub3A_202 : vector<16xf32>
      %get3A_204 = arith.constant 6 : i32
      %get3A_205 = arith.index_cast %get3A_204 : i32 to index
      %get3A_206 = arith.index_cast %mul3A_99 : i32 to index
      %get3A_207 = tpu.vector_load %arg8[%get3A_205, %get3A_206] {strides = array<i32>} : memref<8x8192xf32, #tpu.memory_space<vmem>>, vector<1x16xf32>,
      %get3A_208 = vector.shape_cast %get3A_207 : vector<1x16xf32> to vector<16xf32>
      %mul3A_209 = arith.mulf %get3A_38, %get3A_208 : vector<16xf32>
      %sub3A_210 = arith.constant 1.000000e+00 : f32
      %sub3A_211 = vector.broadcast %sub3A_210 : f32 to vector<16xf32>
      %sub3A_212 = arith.subf %sub3A_211, %mul3A_209 : vector<16xf32>
      %mul3A_213 = arith.mulf %mul3A_203, %sub3A_212 : vector<16xf32>
      %get3A_214 = arith.constant 7 : i32
      %get3A_215 = arith.index_cast %get3A_214 : i32 to index
      %get3A_216 = arith.index_cast %mul3A_99 : i32 to index
      %get3A_217 = tpu.vector_load %arg8[%get3A_215, %get3A_216] {strides = array<i32>} : memref<8x8192xf32, #tpu.memory_space<vmem>>, vector<1x16xf32>,
      %get3A_218 = vector.shape_cast %get3A_217 : vector<1x16xf32> to vector<16xf32>
      %mul3A_219 = arith.mulf %get3A_43, %get3A_218 : vector<16xf32>
      %sub3A_220 = arith.constant 1.000000e+00 : f32
      %sub3A_221 = vector.broadcast %sub3A_220 : f32 to vector<16xf32>
      %sub3A_222 = arith.subf %sub3A_221, %mul3A_219 : vector<16xf32>
      %mul3A_223 = arith.mulf %mul3A_213, %sub3A_222 : vector<16xf32>
      %mul3A_224 = arith.mulf %add3A_144, %mul3A_223 : vector<16xf32>
      %swap3A = arith.index_cast %mul3A_99 : i32 to index
      %swap3A_225 = tpu.vector_load %arg11[%swap3A] {strides = array<i32>} : memref<8192xf32, #tpu.memory_space<vmem>>, vector<16xf32>,
      %swap3A_226 = vector.shape_cast %swap3A_225 : vector<16xf32> to vector<16xf32>
      %swap3A_227 = vector.shape_cast %mul3A_224 : vector<16xf32> to vector<16xf32>
      tpu.vector_store %arg11[%swap3A], %swap3A_227 {strides = array<i32>} : memref<8192xf32, #tpu.memory_space<vmem>>, vector<16xf32>,
    }
    %scan3A_48 = arith.constant 512 : i32
    "tpu.region"() ({
      %run_scoped3A = tpu.sem_alloc : memref<!tpu.dma_semaphore, #tpu.memory_space<semaphore_mem>>
      %dma_start3A = arith.constant 0 : i32
      %dma_start3A_97 = tpu.memref_slice %arg6[%add3A_4, %dma_start3A] : memref<64x8192xf32, #tpu.memory_space<hbm>> -> memref<1x8192xf32, #tpu.memory_space<hbm>>
      %dma_start3A_98 = tpu.memref_squeeze %dma_start3A_97 : memref<1x8192xf32, #tpu.memory_space<hbm>> -> memref<8192xf32, #tpu.memory_space<hbm>>
      %dma_start3A_99 = arith.constant 0 : i32
      %dma_start3A_100 = tpu.memref_slice %arg6[%add3A_4, %dma_start3A_99] : memref<64x8192xf32, #tpu.memory_space<hbm>> -> memref<1x8192xf32, #tpu.memory_space<hbm>>
      %dma_start3A_101 = tpu.memref_squeeze %dma_start3A_100 : memref<1x8192xf32, #tpu.memory_space<hbm>> -> memref<8192xf32, #tpu.memory_space<hbm>>
      tpu.enqueue_dma source(%arg11 : memref<8192xf32, #tpu.memory_space<vmem>>) target(%dma_start3A_101 : memref<8192xf32, #tpu.memory_space<hbm>>) target_semaphore(%run_scoped3A : memref<!tpu.dma_semaphore, #tpu.memory_space<semaphore_mem>>)
      %dma_wait3A = arith.constant 0 : i32
      %dma_wait3A_102 = tpu.memref_slice %arg6[%add3A_4, %dma_wait3A] : memref<64x8192xf32, #tpu.memory_space<hbm>> -> memref<1x8192xf32, #tpu.memory_space<hbm>>
      %dma_wait3A_103 = tpu.memref_squeeze %dma_wait3A_102 : memref<1x8192xf32, #tpu.memory_space<hbm>> -> memref<8192xf32, #tpu.memory_space<hbm>>
      %dma_wait3A_104 = arith.constant 0 : i32
      %dma_wait3A_105 = tpu.memref_slice %arg6[%add3A_4, %dma_wait3A_104] : memref<64x8192xf32, #tpu.memory_space<hbm>> -> memref<1x8192xf32, #tpu.memory_space<hbm>>
      %dma_wait3A_106 = tpu.memref_squeeze %dma_wait3A_105 : memref<1x8192xf32, #tpu.memory_space<hbm>> -> memref<8192xf32, #tpu.memory_space<hbm>>
      tpu.wait_dma2 semaphore(%run_scoped3A : memref<!tpu.dma_semaphore, #tpu.memory_space<semaphore_mem>>) src(%arg11 : memref<8192xf32, #tpu.memory_space<vmem>>) dst(%dma_wait3A_106 : memref<8192xf32, #tpu.memory_space<hbm>>)
      tpu.yield
    }) : () -> ()
    %add3A_49 = arith.constant 1 : i32
    %add3A_50 = arith.addi %mul3A_2, %add3A_49 : i32
    "tpu.region"() ({
      %run_scoped3A = tpu.sem_alloc : memref<!tpu.dma_semaphore, #tpu.memory_space<semaphore_mem>>
      %dma_start3A = arith.constant 0 : i32
      %dma_start3A_97 = arith.constant 0 : i32
      %dma_start3A_98 = tpu.memref_slice %arg2[%add3A_50, %dma_start3A, %dma_start3A_97] : memref<256x4x8192xf32, #tpu.memory_space<hbm>> -> memref<1x4x8192xf32, #tpu.memory_space<hbm>>
      %dma_start3A_99 = tpu.memref_squeeze %dma_start3A_98 : memref<1x4x8192xf32, #tpu.memory_space<hbm>> -> memref<4x8192xf32, #tpu.memory_space<hbm>>
      %dma_start3A_100 = arith.constant 0 : i32
      %dma_start3A_101 = arith.constant 0 : i32
      %dma_start3A_102 = tpu.memref_slice %arg2[%add3A_50, %dma_start3A_100, %dma_start3A_101] : memref<256x4x8192xf32, #tpu.memory_space<hbm>> -> memref<1x4x8192xf32, #tpu.memory_space<hbm>>
      %dma_start3A_103 = tpu.memref_squeeze %dma_start3A_102 : memref<1x4x8192xf32, #tpu.memory_space<hbm>> -> memref<4x8192xf32, #tpu.memory_space<hbm>>
      tpu.enqueue_dma source(%dma_start3A_103 : memref<4x8192xf32, #tpu.memory_space<hbm>>) target(%arg7 : memref<4x8192xf32, #tpu.memory_space<vmem>>) target_semaphore(%run_scoped3A : memref<!tpu.dma_semaphore, #tpu.memory_space<semaphore_mem>>)
      %dma_wait3A = arith.constant 0 : i32
      %dma_wait3A_104 = arith.constant 0 : i32
      %dma_wait3A_105 = tpu.memref_slice %arg2[%add3A_50, %dma_wait3A, %dma_wait3A_104] : memref<256x4x8192xf32, #tpu.memory_space<hbm>> -> memref<1x4x8192xf32, #tpu.memory_space<hbm>>
      %dma_wait3A_106 = tpu.memref_squeeze %dma_wait3A_105 : memref<1x4x8192xf32, #tpu.memory_space<hbm>> -> memref<4x8192xf32, #tpu.memory_space<hbm>>
      %dma_wait3A_107 = arith.constant 0 : i32
      %dma_wait3A_108 = arith.constant 0 : i32
      %dma_wait3A_109 = tpu.memref_slice %arg2[%add3A_50, %dma_wait3A_107, %dma_wait3A_108] : memref<256x4x8192xf32, #tpu.memory_space<hbm>> -> memref<1x4x8192xf32, #tpu.memory_space<hbm>>
      %dma_wait3A_110 = tpu.memref_squeeze %dma_wait3A_109 : memref<1x4x8192xf32, #tpu.memory_space<hbm>> -> memref<4x8192xf32, #tpu.memory_space<hbm>>
      tpu.wait_dma2 semaphore(%run_scoped3A : memref<!tpu.dma_semaphore, #tpu.memory_space<semaphore_mem>>) src(%dma_wait3A_110 : memref<4x8192xf32, #tpu.memory_space<hbm>>) dst(%arg7 : memref<4x8192xf32, #tpu.memory_space<vmem>>)
      tpu.yield
    }) : () -> ()
    "tpu.region"() ({
      %run_scoped3A = tpu.sem_alloc : memref<!tpu.dma_semaphore, #tpu.memory_space<semaphore_mem>>
      %dma_start3A = arith.constant 0 : i32
      %dma_start3A_97 = arith.constant 0 : i32
      %dma_start3A_98 = tpu.memref_slice %arg4[%add3A_50, %dma_start3A, %dma_start3A_97] : memref<256x8x8192xf32, #tpu.memory_space<hbm>> -> memref<1x8x8192xf32, #tpu.memory_space<hbm>>
      %dma_start3A_99 = tpu.memref_squeeze %dma_start3A_98 : memref<1x8x8192xf32, #tpu.memory_space<hbm>> -> memref<8x8192xf32, #tpu.memory_space<hbm>>
      %dma_start3A_100 = arith.constant 0 : i32
      %dma_start3A_101 = arith.constant 0 : i32
      %dma_start3A_102 = tpu.memref_slice %arg4[%add3A_50, %dma_start3A_100, %dma_start3A_101] : memref<256x8x8192xf32, #tpu.memory_space<hbm>> -> memref<1x8x8192xf32, #tpu.memory_space<hbm>>
      %dma_start3A_103 = tpu.memref_squeeze %dma_start3A_102 : memref<1x8x8192xf32, #tpu.memory_space<hbm>> -> memref<8x8192xf32, #tpu.memory_space<hbm>>
      tpu.enqueue_dma source(%dma_start3A_103 : memref<8x8192xf32, #tpu.memory_space<hbm>>) target(%arg8 : memref<8x8192xf32, #tpu.memory_space<vmem>>) target_semaphore(%run_scoped3A : memref<!tpu.dma_semaphore, #tpu.memory_space<semaphore_mem>>)
      %dma_wait3A = arith.constant 0 : i32
      %dma_wait3A_104 = arith.constant 0 : i32
      %dma_wait3A_105 = tpu.memref_slice %arg4[%add3A_50, %dma_wait3A, %dma_wait3A_104] : memref<256x8x8192xf32, #tpu.memory_space<hbm>> -> memref<1x8x8192xf32, #tpu.memory_space<hbm>>
      %dma_wait3A_106 = tpu.memref_squeeze %dma_wait3A_105 : memref<1x8x8192xf32, #tpu.memory_space<hbm>> -> memref<8x8192xf32, #tpu.memory_space<hbm>>
      %dma_wait3A_107 = arith.constant 0 : i32
      %dma_wait3A_108 = arith.constant 0 : i32
      %dma_wait3A_109 = tpu.memref_slice %arg4[%add3A_50, %dma_wait3A_107, %dma_wait3A_108] : memref<256x8x8192xf32, #tpu.memory_space<hbm>> -> memref<1x8x8192xf32, #tpu.memory_space<hbm>>
      %dma_wait3A_110 = tpu.memref_squeeze %dma_wait3A_109 : memref<1x8x8192xf32, #tpu.memory_space<hbm>> -> memref<8x8192xf32, #tpu.memory_space<hbm>>
      tpu.wait_dma2 semaphore(%run_scoped3A : memref<!tpu.dma_semaphore, #tpu.memory_space<semaphore_mem>>) src(%dma_wait3A_110 : memref<8x8192xf32, #tpu.memory_space<hbm>>) dst(%arg8 : memref<8x8192xf32, #tpu.memory_space<vmem>>)
      tpu.yield
    }) : () -> ()
    "tpu.region"() ({
      %run_scoped3A = tpu.sem_alloc : memref<!tpu.dma_semaphore, #tpu.memory_space<semaphore_mem>>
      %dma_start3A = arith.constant 0 : i32
      %dma_start3A_97 = tpu.memref_slice %arg5[%add3A_50, %dma_start3A] : memref<256x8192xf32, #tpu.memory_space<hbm>> -> memref<1x8192xf32, #tpu.memory_space<hbm>>
      %dma_start3A_98 = tpu.memref_squeeze %dma_start3A_97 : memref<1x8192xf32, #tpu.memory_space<hbm>> -> memref<8192xf32, #tpu.memory_space<hbm>>
      %dma_start3A_99 = arith.constant 0 : i32
      %dma_start3A_100 = tpu.memref_slice %arg5[%add3A_50, %dma_start3A_99] : memref<256x8192xf32, #tpu.memory_space<hbm>> -> memref<1x8192xf32, #tpu.memory_space<hbm>>
      %dma_start3A_101 = tpu.memref_squeeze %dma_start3A_100 : memref<1x8192xf32, #tpu.memory_space<hbm>> -> memref<8192xf32, #tpu.memory_space<hbm>>
      tpu.enqueue_dma source(%dma_start3A_101 : memref<8192xf32, #tpu.memory_space<hbm>>) target(%arg9 : memref<8192xf32, #tpu.memory_space<vmem>>) target_semaphore(%run_scoped3A : memref<!tpu.dma_semaphore, #tpu.memory_space<semaphore_mem>>)
      %dma_wait3A = arith.constant 0 : i32
      %dma_wait3A_102 = tpu.memref_slice %arg5[%add3A_50, %dma_wait3A] : memref<256x8192xf32, #tpu.memory_space<hbm>> -> memref<1x8192xf32, #tpu.memory_space<hbm>>
      %dma_wait3A_103 = tpu.memref_squeeze %dma_wait3A_102 : memref<1x8192xf32, #tpu.memory_space<hbm>> -> memref<8192xf32, #tpu.memory_space<hbm>>
      %dma_wait3A_104 = arith.constant 0 : i32
      %dma_wait3A_105 = tpu.memref_slice %arg5[%add3A_50, %dma_wait3A_104] : memref<256x8192xf32, #tpu.memory_space<hbm>> -> memref<1x8192xf32, #tpu.memory_space<hbm>>
      %dma_wait3A_106 = tpu.memref_squeeze %dma_wait3A_105 : memref<1x8192xf32, #tpu.memory_space<hbm>> -> memref<8192xf32, #tpu.memory_space<hbm>>
      tpu.wait_dma2 semaphore(%run_scoped3A : memref<!tpu.dma_semaphore, #tpu.memory_space<semaphore_mem>>) src(%dma_wait3A_106 : memref<8192xf32, #tpu.memory_space<hbm>>) dst(%arg9 : memref<8192xf32, #tpu.memory_space<vmem>>)
      tpu.yield
    }) : () -> ()
    "tpu.region"() ({
      %run_scoped3A = tpu.sem_alloc : memref<!tpu.dma_semaphore, #tpu.memory_space<semaphore_mem>>
      %dma_start3A = arith.constant 0 : i32
      %dma_start3A_97 = arith.constant 0 : i32
      %dma_start3A_98 = tpu.memref_slice %arg3[%add3A_50, %dma_start3A, %dma_start3A_97] : memref<64x8x16xf32, #tpu.memory_space<hbm>> -> memref<1x8x16xf32, #tpu.memory_space<hbm>>
      %dma_start3A_99 = tpu.memref_squeeze %dma_start3A_98 : memref<1x8x16xf32, #tpu.memory_space<hbm>> -> memref<8x16xf32, #tpu.memory_space<hbm>>
      %dma_start3A_100 = arith.constant 0 : i32
      %dma_start3A_101 = arith.constant 0 : i32
      %dma_start3A_102 = tpu.memref_slice %arg3[%add3A_50, %dma_start3A_100, %dma_start3A_101] : memref<64x8x16xf32, #tpu.memory_space<hbm>> -> memref<1x8x16xf32, #tpu.memory_space<hbm>>
      %dma_start3A_103 = tpu.memref_squeeze %dma_start3A_102 : memref<1x8x16xf32, #tpu.memory_space<hbm>> -> memref<8x16xf32, #tpu.memory_space<hbm>>
      tpu.enqueue_dma source(%dma_start3A_103 : memref<8x16xf32, #tpu.memory_space<hbm>>) target(%arg10 : memref<8x16xf32, #tpu.memory_space<vmem>>) target_semaphore(%run_scoped3A : memref<!tpu.dma_semaphore, #tpu.memory_space<semaphore_mem>>)
      %dma_wait3A = arith.constant 0 : i32
      %dma_wait3A_104 = arith.constant 0 : i32
      %dma_wait3A_105 = tpu.memref_slice %arg3[%add3A_50, %dma_wait3A, %dma_wait3A_104] : memref<64x8x16xf32, #tpu.memory_space<hbm>> -> memref<1x8x16xf32, #tpu.memory_space<hbm>>
      %dma_wait3A_106 = tpu.memref_squeeze %dma_wait3A_105 : memref<1x8x16xf32, #tpu.memory_space<hbm>> -> memref<8x16xf32, #tpu.memory_space<hbm>>
      %dma_wait3A_107 = arith.constant 0 : i32
      %dma_wait3A_108 = arith.constant 0 : i32
      %dma_wait3A_109 = tpu.memref_slice %arg3[%add3A_50, %dma_wait3A_107, %dma_wait3A_108] : memref<64x8x16xf32, #tpu.memory_space<hbm>> -> memref<1x8x16xf32, #tpu.memory_space<hbm>>
      %dma_wait3A_110 = tpu.memref_squeeze %dma_wait3A_109 : memref<1x8x16xf32, #tpu.memory_space<hbm>> -> memref<8x16xf32, #tpu.memory_space<hbm>>
      tpu.wait_dma2 semaphore(%run_scoped3A : memref<!tpu.dma_semaphore, #tpu.memory_space<semaphore_mem>>) src(%dma_wait3A_110 : memref<8x16xf32, #tpu.memory_space<hbm>>) dst(%arg10 : memref<8x16xf32, #tpu.memory_space<vmem>>)
      tpu.yield
    }) : () -> ()
    %get3A_51 = arith.constant 0 : i32
    %get3A_52 = arith.index_cast %get3A_51 : i32 to index
    %get3A_53 = arith.constant 0 : index
    %get3A_54 = tpu.vector_load %arg10[%get3A_52, %get3A_53] {strides = array<i32>} : memref<8x16xf32, #tpu.memory_space<vmem>>, vector<1x16xf32>,
    %get3A_55 = vector.shape_cast %get3A_54 : vector<1x16xf32> to vector<16xf32>
    %get3A_56 = arith.constant 1 : i32
    %get3A_57 = arith.index_cast %get3A_56 : i32 to index
    %get3A_58 = arith.constant 0 : index
    %get3A_59 = tpu.vector_load %arg10[%get3A_57, %get3A_58] {strides = array<i32>} : memref<8x16xf32, #tpu.memory_space<vmem>>, vector<1x16xf32>,
    %get3A_60 = vector.shape_cast %get3A_59 : vector<1x16xf32> to vector<16xf32>
    %get3A_61 = arith.constant 2 : i32
    %get3A_62 = arith.index_cast %get3A_61 : i32 to index
    %get3A_63 = arith.constant 0 : index
    %get3A_64 = tpu.vector_load %arg10[%get3A_62, %get3A_63] {strides = array<i32>} : memref<8x16xf32, #tpu.memory_space<vmem>>, vector<1x16xf32>,
    %get3A_65 = vector.shape_cast %get3A_64 : vector<1x16xf32> to vector<16xf32>
    %get3A_66 = arith.constant 3 : i32
    %get3A_67 = arith.index_cast %get3A_66 : i32 to index
    %get3A_68 = arith.constant 0 : index
    %get3A_69 = tpu.vector_load %arg10[%get3A_67, %get3A_68] {strides = array<i32>} : memref<8x16xf32, #tpu.memory_space<vmem>>, vector<1x16xf32>,
    %get3A_70 = vector.shape_cast %get3A_69 : vector<1x16xf32> to vector<16xf32>
    %get3A_71 = arith.constant 4 : i32
    %get3A_72 = arith.index_cast %get3A_71 : i32 to index
    %get3A_73 = arith.constant 0 : index
    %get3A_74 = tpu.vector_load %arg10[%get3A_72, %get3A_73] {strides = array<i32>} : memref<8x16xf32, #tpu.memory_space<vmem>>, vector<1x16xf32>,
    %get3A_75 = vector.shape_cast %get3A_74 : vector<1x16xf32> to vector<16xf32>
    %get3A_76 = arith.constant 5 : i32
    %get3A_77 = arith.index_cast %get3A_76 : i32 to index
    %get3A_78 = arith.constant 0 : index
    %get3A_79 = tpu.vector_load %arg10[%get3A_77, %get3A_78] {strides = array<i32>} : memref<8x16xf32, #tpu.memory_space<vmem>>, vector<1x16xf32>,
    %get3A_80 = vector.shape_cast %get3A_79 : vector<1x16xf32> to vector<16xf32>
    %get3A_81 = arith.constant 6 : i32
    %get3A_82 = arith.index_cast %get3A_81 : i32 to index
    %get3A_83 = arith.constant 0 : index
    %get3A_84 = tpu.vector_load %arg10[%get3A_82, %get3A_83] {strides = array<i32>} : memref<8x16xf32, #tpu.memory_space<vmem>>, vector<1x16xf32>,
    %get3A_85 = vector.shape_cast %get3A_84 : vector<1x16xf32> to vector<16xf32>
    %get3A_86 = arith.constant 7 : i32
    %get3A_87 = arith.index_cast %get3A_86 : i32 to index
    %get3A_88 = arith.constant 0 : index
    %get3A_89 = tpu.vector_load %arg10[%get3A_87, %get3A_88] {strides = array<i32>} : memref<8x16xf32, #tpu.memory_space<vmem>>, vector<1x16xf32>,
    %get3A_90 = vector.shape_cast %get3A_89 : vector<1x16xf32> to vector<16xf32>
    %scan3A_91 = arith.constant 0 : i32
    %scan3A_92 = arith.constant 0 : i32
    %scan3A_93 = arith.constant 512 : i32
    %scan3A_94 = arith.addi %scan3A_92, %scan3A_93 : i32
    %scan3A_95 = arith.constant 1 : i32
    scf.for %scan3A_97 = %scan3A_92 to %scan3A_94 step %scan3A_95  : i32 {
      %mul3A_98 = arith.constant 16 : i32
      %mul3A_99 = arith.muli %scan3A_97, %mul3A_98 : i32
      %get3A_100 = arith.index_cast %mul3A_99 : i32 to index
      %get3A_101 = tpu.vector_load %arg9[%get3A_100] {strides = array<i32>} : memref<8192xf32, #tpu.memory_space<vmem>>, vector<16xf32>,
      %get3A_102 = vector.shape_cast %get3A_101 : vector<16xf32> to vector<16xf32>
      %get3A_103 = arith.constant 0 : i32
      %get3A_104 = arith.index_cast %get3A_103 : i32 to index
      %get3A_105 = arith.index_cast %mul3A_99 : i32 to index
      %get3A_106 = tpu.vector_load %arg7[%get3A_104, %get3A_105] {strides = array<i32>} : memref<4x8192xf32, #tpu.memory_space<vmem>>, vector<1x16xf32>,
      %get3A_107 = vector.shape_cast %get3A_106 : vector<1x16xf32> to vector<16xf32>
      %sub3A = arith.constant 1.000000e+00 : f32
      %sub3A_108 = vector.broadcast %sub3A : f32 to vector<16xf32>
      %sub3A_109 = arith.subf %sub3A_108, %get3A_107 : vector<16xf32>
      %get3A_110 = arith.constant 1 : i32
      %get3A_111 = arith.index_cast %get3A_110 : i32 to index
      %get3A_112 = arith.index_cast %mul3A_99 : i32 to index
      %get3A_113 = tpu.vector_load %arg7[%get3A_111, %get3A_112] {strides = array<i32>} : memref<4x8192xf32, #tpu.memory_space<vmem>>, vector<1x16xf32>,
      %get3A_114 = vector.shape_cast %get3A_113 : vector<1x16xf32> to vector<16xf32>
      %sub3A_115 = arith.constant 1.000000e+00 : f32
      %sub3A_116 = vector.broadcast %sub3A_115 : f32 to vector<16xf32>
      %sub3A_117 = arith.subf %sub3A_116, %get3A_114 : vector<16xf32>
      %mul3A_118 = arith.mulf %sub3A_109, %sub3A_117 : vector<16xf32>
      %get3A_119 = arith.constant 2 : i32
      %get3A_120 = arith.index_cast %get3A_119 : i32 to index
      %get3A_121 = arith.index_cast %mul3A_99 : i32 to index
      %get3A_122 = tpu.vector_load %arg7[%get3A_120, %get3A_121] {strides = array<i32>} : memref<4x8192xf32, #tpu.memory_space<vmem>>, vector<1x16xf32>,
      %get3A_123 = vector.shape_cast %get3A_122 : vector<1x16xf32> to vector<16xf32>
      %sub3A_124 = arith.constant 1.000000e+00 : f32
      %sub3A_125 = vector.broadcast %sub3A_124 : f32 to vector<16xf32>
      %sub3A_126 = arith.subf %sub3A_125, %get3A_123 : vector<16xf32>
      %mul3A_127 = arith.mulf %mul3A_118, %sub3A_126 : vector<16xf32>
      %get3A_128 = arith.constant 3 : i32
      %get3A_129 = arith.index_cast %get3A_128 : i32 to index
      %get3A_130 = arith.index_cast %mul3A_99 : i32 to index
      %get3A_131 = tpu.vector_load %arg7[%get3A_129, %get3A_130] {strides = array<i32>} : memref<4x8192xf32, #tpu.memory_space<vmem>>, vector<1x16xf32>,
      %get3A_132 = vector.shape_cast %get3A_131 : vector<1x16xf32> to vector<16xf32>
      %sub3A_133 = arith.constant 1.000000e+00 : f32
      %sub3A_134 = vector.broadcast %sub3A_133 : f32 to vector<16xf32>
      %sub3A_135 = arith.subf %sub3A_134, %get3A_132 : vector<16xf32>
      %mul3A_136 = arith.mulf %mul3A_127, %sub3A_135 : vector<16xf32>
      %sub3A_137 = arith.constant 1.000000e+00 : f32
      %sub3A_138 = vector.broadcast %sub3A_137 : f32 to vector<16xf32>
      %sub3A_139 = arith.subf %sub3A_138, %get3A_102 : vector<16xf32>
      %sub3A_140 = arith.constant 1.000000e+00 : f32
      %sub3A_141 = vector.broadcast %sub3A_140 : f32 to vector<16xf32>
      %sub3A_142 = arith.subf %sub3A_141, %mul3A_136 : vector<16xf32>
      %mul3A_143 = arith.mulf %sub3A_139, %sub3A_142 : vector<16xf32>
      %add3A_144 = arith.addf %get3A_102, %mul3A_143 : vector<16xf32>
      %get3A_145 = arith.constant 0 : i32
      %get3A_146 = arith.index_cast %get3A_145 : i32 to index
      %get3A_147 = arith.index_cast %mul3A_99 : i32 to index
      %get3A_148 = tpu.vector_load %arg8[%get3A_146, %get3A_147] {strides = array<i32>} : memref<8x8192xf32, #tpu.memory_space<vmem>>, vector<1x16xf32>,
      %get3A_149 = vector.shape_cast %get3A_148 : vector<1x16xf32> to vector<16xf32>
      %mul3A_150 = arith.mulf %get3A_55, %get3A_149 : vector<16xf32>
      %sub3A_151 = arith.constant 1.000000e+00 : f32
      %sub3A_152 = vector.broadcast %sub3A_151 : f32 to vector<16xf32>
      %sub3A_153 = arith.subf %sub3A_152, %mul3A_150 : vector<16xf32>
      %get3A_154 = arith.constant 1 : i32
      %get3A_155 = arith.index_cast %get3A_154 : i32 to index
      %get3A_156 = arith.index_cast %mul3A_99 : i32 to index
      %get3A_157 = tpu.vector_load %arg8[%get3A_155, %get3A_156] {strides = array<i32>} : memref<8x8192xf32, #tpu.memory_space<vmem>>, vector<1x16xf32>,
      %get3A_158 = vector.shape_cast %get3A_157 : vector<1x16xf32> to vector<16xf32>
      %mul3A_159 = arith.mulf %get3A_60, %get3A_158 : vector<16xf32>
      %sub3A_160 = arith.constant 1.000000e+00 : f32
      %sub3A_161 = vector.broadcast %sub3A_160 : f32 to vector<16xf32>
      %sub3A_162 = arith.subf %sub3A_161, %mul3A_159 : vector<16xf32>
      %mul3A_163 = arith.mulf %sub3A_153, %sub3A_162 : vector<16xf32>
      %get3A_164 = arith.constant 2 : i32
      %get3A_165 = arith.index_cast %get3A_164 : i32 to index
      %get3A_166 = arith.index_cast %mul3A_99 : i32 to index
      %get3A_167 = tpu.vector_load %arg8[%get3A_165, %get3A_166] {strides = array<i32>} : memref<8x8192xf32, #tpu.memory_space<vmem>>, vector<1x16xf32>,
      %get3A_168 = vector.shape_cast %get3A_167 : vector<1x16xf32> to vector<16xf32>
      %mul3A_169 = arith.mulf %get3A_65, %get3A_168 : vector<16xf32>
      %sub3A_170 = arith.constant 1.000000e+00 : f32
      %sub3A_171 = vector.broadcast %sub3A_170 : f32 to vector<16xf32>
      %sub3A_172 = arith.subf %sub3A_171, %mul3A_169 : vector<16xf32>
      %mul3A_173 = arith.mulf %mul3A_163, %sub3A_172 : vector<16xf32>
      %get3A_174 = arith.constant 3 : i32
      %get3A_175 = arith.index_cast %get3A_174 : i32 to index
      %get3A_176 = arith.index_cast %mul3A_99 : i32 to index
      %get3A_177 = tpu.vector_load %arg8[%get3A_175, %get3A_176] {strides = array<i32>} : memref<8x8192xf32, #tpu.memory_space<vmem>>, vector<1x16xf32>,
      %get3A_178 = vector.shape_cast %get3A_177 : vector<1x16xf32> to vector<16xf32>
      %mul3A_179 = arith.mulf %get3A_70, %get3A_178 : vector<16xf32>
      %sub3A_180 = arith.constant 1.000000e+00 : f32
      %sub3A_181 = vector.broadcast %sub3A_180 : f32 to vector<16xf32>
      %sub3A_182 = arith.subf %sub3A_181, %mul3A_179 : vector<16xf32>
      %mul3A_183 = arith.mulf %mul3A_173, %sub3A_182 : vector<16xf32>
      %get3A_184 = arith.constant 4 : i32
      %get3A_185 = arith.index_cast %get3A_184 : i32 to index
      %get3A_186 = arith.index_cast %mul3A_99 : i32 to index
      %get3A_187 = tpu.vector_load %arg8[%get3A_185, %get3A_186] {strides = array<i32>} : memref<8x8192xf32, #tpu.memory_space<vmem>>, vector<1x16xf32>,
      %get3A_188 = vector.shape_cast %get3A_187 : vector<1x16xf32> to vector<16xf32>
      %mul3A_189 = arith.mulf %get3A_75, %get3A_188 : vector<16xf32>
      %sub3A_190 = arith.constant 1.000000e+00 : f32
      %sub3A_191 = vector.broadcast %sub3A_190 : f32 to vector<16xf32>
      %sub3A_192 = arith.subf %sub3A_191, %mul3A_189 : vector<16xf32>
      %mul3A_193 = arith.mulf %mul3A_183, %sub3A_192 : vector<16xf32>
      %get3A_194 = arith.constant 5 : i32
      %get3A_195 = arith.index_cast %get3A_194 : i32 to index
      %get3A_196 = arith.index_cast %mul3A_99 : i32 to index
      %get3A_197 = tpu.vector_load %arg8[%get3A_195, %get3A_196] {strides = array<i32>} : memref<8x8192xf32, #tpu.memory_space<vmem>>, vector<1x16xf32>,
      %get3A_198 = vector.shape_cast %get3A_197 : vector<1x16xf32> to vector<16xf32>
      %mul3A_199 = arith.mulf %get3A_80, %get3A_198 : vector<16xf32>
      %sub3A_200 = arith.constant 1.000000e+00 : f32
      %sub3A_201 = vector.broadcast %sub3A_200 : f32 to vector<16xf32>
      %sub3A_202 = arith.subf %sub3A_201, %mul3A_199 : vector<16xf32>
      %mul3A_203 = arith.mulf %mul3A_193, %sub3A_202 : vector<16xf32>
      %get3A_204 = arith.constant 6 : i32
      %get3A_205 = arith.index_cast %get3A_204 : i32 to index
      %get3A_206 = arith.index_cast %mul3A_99 : i32 to index
      %get3A_207 = tpu.vector_load %arg8[%get3A_205, %get3A_206] {strides = array<i32>} : memref<8x8192xf32, #tpu.memory_space<vmem>>, vector<1x16xf32>,
      %get3A_208 = vector.shape_cast %get3A_207 : vector<1x16xf32> to vector<16xf32>
      %mul3A_209 = arith.mulf %get3A_85, %get3A_208 : vector<16xf32>
      %sub3A_210 = arith.constant 1.000000e+00 : f32
      %sub3A_211 = vector.broadcast %sub3A_210 : f32 to vector<16xf32>
      %sub3A_212 = arith.subf %sub3A_211, %mul3A_209 : vector<16xf32>
      %mul3A_213 = arith.mulf %mul3A_203, %sub3A_212 : vector<16xf32>
      %get3A_214 = arith.constant 7 : i32
      %get3A_215 = arith.index_cast %get3A_214 : i32 to index
      %get3A_216 = arith.index_cast %mul3A_99 : i32 to index
      %get3A_217 = tpu.vector_load %arg8[%get3A_215, %get3A_216] {strides = array<i32>} : memref<8x8192xf32, #tpu.memory_space<vmem>>, vector<1x16xf32>,
      %get3A_218 = vector.shape_cast %get3A_217 : vector<1x16xf32> to vector<16xf32>
      %mul3A_219 = arith.mulf %get3A_90, %get3A_218 : vector<16xf32>
      %sub3A_220 = arith.constant 1.000000e+00 : f32
      %sub3A_221 = vector.broadcast %sub3A_220 : f32 to vector<16xf32>
      %sub3A_222 = arith.subf %sub3A_221, %mul3A_219 : vector<16xf32>
      %mul3A_223 = arith.mulf %mul3A_213, %sub3A_222 : vector<16xf32>
      %mul3A_224 = arith.mulf %add3A_144, %mul3A_223 : vector<16xf32>
      %swap3A = arith.index_cast %mul3A_99 : i32 to index
      %swap3A_225 = tpu.vector_load %arg11[%swap3A] {strides = array<i32>} : memref<8192xf32, #tpu.memory_space<vmem>>, vector<16xf32>,
      %swap3A_226 = vector.shape_cast %swap3A_225 : vector<16xf32> to vector<16xf32>
      %swap3A_227 = vector.shape_cast %mul3A_224 : vector<16xf32> to vector<16xf32>
      tpu.vector_store %arg11[%swap3A], %swap3A_227 {strides = array<i32>} : memref<8192xf32, #tpu.memory_space<vmem>>, vector<16xf32>,
    }
    %scan3A_96 = arith.constant 512 : i32
    "tpu.region"() ({
      %run_scoped3A = tpu.sem_alloc : memref<!tpu.dma_semaphore, #tpu.memory_space<semaphore_mem>>
      %dma_start3A = arith.constant 0 : i32
      %dma_start3A_97 = tpu.memref_slice %arg6[%add3A_50, %dma_start3A] : memref<64x8192xf32, #tpu.memory_space<hbm>> -> memref<1x8192xf32, #tpu.memory_space<hbm>>
      %dma_start3A_98 = tpu.memref_squeeze %dma_start3A_97 : memref<1x8192xf32, #tpu.memory_space<hbm>> -> memref<8192xf32, #tpu.memory_space<hbm>>
      %dma_start3A_99 = arith.constant 0 : i32
      %dma_start3A_100 = tpu.memref_slice %arg6[%add3A_50, %dma_start3A_99] : memref<64x8192xf32, #tpu.memory_space<hbm>> -> memref<1x8192xf32, #tpu.memory_space<hbm>>
      %dma_start3A_101 = tpu.memref_squeeze %dma_start3A_100 : memref<1x8192xf32, #tpu.memory_space<hbm>> -> memref<8192xf32, #tpu.memory_space<hbm>>
      tpu.enqueue_dma source(%arg11 : memref<8192xf32, #tpu.memory_space<vmem>>) target(%dma_start3A_101 : memref<8192xf32, #tpu.memory_space<hbm>>) target_semaphore(%run_scoped3A : memref<!tpu.dma_semaphore, #tpu.memory_space<semaphore_mem>>)
      %dma_wait3A = arith.constant 0 : i32
      %dma_wait3A_102 = tpu.memref_slice %arg6[%add3A_50, %dma_wait3A] : memref<64x8192xf32, #tpu.memory_space<hbm>> -> memref<1x8192xf32, #tpu.memory_space<hbm>>
      %dma_wait3A_103 = tpu.memref_squeeze %dma_wait3A_102 : memref<1x8192xf32, #tpu.memory_space<hbm>> -> memref<8192xf32, #tpu.memory_space<hbm>>
      %dma_wait3A_104 = arith.constant 0 : i32
      %dma_wait3A_105 = tpu.memref_slice %arg6[%add3A_50, %dma_wait3A_104] : memref<64x8192xf32, #tpu.memory_space<hbm>> -> memref<1x8192xf32, #tpu.memory_space<hbm>>
      %dma_wait3A_106 = tpu.memref_squeeze %dma_wait3A_105 : memref<1x8192xf32, #tpu.memory_space<hbm>> -> memref<8192xf32, #tpu.memory_space<hbm>>
      tpu.wait_dma2 semaphore(%run_scoped3A : memref<!tpu.dma_semaphore, #tpu.memory_space<semaphore_mem>>) src(%arg11 : memref<8192xf32, #tpu.memory_space<vmem>>) dst(%dma_wait3A_106 : memref<8192xf32, #tpu.memory_space<hbm>>)
      tpu.yield
    }) : () -> ()
    return
  }
}

module attributes {stable_mosaic.version = 14 : i64} {
  func.func @_freeness_tc(%arg0: i32, %arg1: memref<16x8xf32, #tpu.memory_space<smem>>, %arg2: memref<16x4x8192xf32, #tpu.memory_space<vmem>>, %arg3: memref<16x8x8192xf32, #tpu.memory_space<vmem>>, %arg4: memref<16x8192xf32, #tpu.memory_space<vmem>>, %arg5: memref<16x8192xf32, #tpu.memory_space<vmem>>) attributes {dimension_semantics = [#tpu.dimension_semantics<arbitrary>], iteration_bounds = array<i64: 12>, scalar_prefetch = 0 : i64, scratch_operands = 0 : i64, tpu.core_type = #tpu.core_type<tc>, window_params = [{transform_indices = @transform_0, window_bounds = array<i64: 16, 8>}, {transform_indices = @transform_1, window_bounds = array<i64: 16, 4, 8192>}, {transform_indices = @transform_2, window_bounds = array<i64: 16, 8, 8192>}, {transform_indices = @transform_3, window_bounds = array<i64: 16, 8192>}, {transform_indices = @transform_4, window_bounds = array<i64: 16, 8192>}]} {
    %get3A = arith.constant 0 : index
    %get3A_0 = arith.constant 0 : index
    %get3A_1 = vector.load %arg4[%get3A, %get3A_0] : memref<16x8192xf32, #tpu.memory_space<vmem>>, vector<1x8192xf32>
    %get3A_2 = vector.shape_cast %get3A_1 : vector<1x8192xf32> to vector<8192xf32>
    %get3A_3 = arith.constant 0 : index
    %get3A_4 = arith.constant 0 : index
    %get3A_5 = arith.constant 0 : index
    %get3A_6 = vector.load %arg2[%get3A_3, %get3A_4, %get3A_5] : memref<16x4x8192xf32, #tpu.memory_space<vmem>>, vector<1x1x8192xf32>
    %get3A_7 = vector.shape_cast %get3A_6 : vector<1x1x8192xf32> to vector<8192xf32>
    %sub3A = arith.constant 1.000000e+00 : f32
    %sub3A_8 = vector.broadcast %sub3A : f32 to vector<8192xf32>
    %sub3A_9 = arith.subf %sub3A_8, %get3A_7 : vector<8192xf32>
    %get3A_10 = arith.constant 0 : index
    %get3A_11 = arith.constant 1 : index
    %get3A_12 = arith.constant 0 : index
    %get3A_13 = vector.load %arg2[%get3A_10, %get3A_11, %get3A_12] : memref<16x4x8192xf32, #tpu.memory_space<vmem>>, vector<1x1x8192xf32>
    %get3A_14 = vector.shape_cast %get3A_13 : vector<1x1x8192xf32> to vector<8192xf32>
    %sub3A_15 = arith.constant 1.000000e+00 : f32
    %sub3A_16 = vector.broadcast %sub3A_15 : f32 to vector<8192xf32>
    %sub3A_17 = arith.subf %sub3A_16, %get3A_14 : vector<8192xf32>
    %mul3A = arith.mulf %sub3A_9, %sub3A_17 : vector<8192xf32>
    %get3A_18 = arith.constant 0 : index
    %get3A_19 = arith.constant 2 : index
    %get3A_20 = arith.constant 0 : index
    %get3A_21 = vector.load %arg2[%get3A_18, %get3A_19, %get3A_20] : memref<16x4x8192xf32, #tpu.memory_space<vmem>>, vector<1x1x8192xf32>
    %get3A_22 = vector.shape_cast %get3A_21 : vector<1x1x8192xf32> to vector<8192xf32>
    %sub3A_23 = arith.constant 1.000000e+00 : f32
    %sub3A_24 = vector.broadcast %sub3A_23 : f32 to vector<8192xf32>
    %sub3A_25 = arith.subf %sub3A_24, %get3A_22 : vector<8192xf32>
    %mul3A_26 = arith.mulf %mul3A, %sub3A_25 : vector<8192xf32>
    %get3A_27 = arith.constant 0 : index
    %get3A_28 = arith.constant 3 : index
    %get3A_29 = arith.constant 0 : index
    %get3A_30 = vector.load %arg2[%get3A_27, %get3A_28, %get3A_29] : memref<16x4x8192xf32, #tpu.memory_space<vmem>>, vector<1x1x8192xf32>
    %get3A_31 = vector.shape_cast %get3A_30 : vector<1x1x8192xf32> to vector<8192xf32>
    %sub3A_32 = arith.constant 1.000000e+00 : f32
    %sub3A_33 = vector.broadcast %sub3A_32 : f32 to vector<8192xf32>
    %sub3A_34 = arith.subf %sub3A_33, %get3A_31 : vector<8192xf32>
    %mul3A_35 = arith.mulf %mul3A_26, %sub3A_34 : vector<8192xf32>
    %sub3A_36 = arith.constant 1.000000e+00 : f32
    %sub3A_37 = vector.broadcast %sub3A_36 : f32 to vector<8192xf32>
    %sub3A_38 = arith.subf %sub3A_37, %get3A_2 : vector<8192xf32>
    %sub3A_39 = arith.constant 1.000000e+00 : f32
    %sub3A_40 = vector.broadcast %sub3A_39 : f32 to vector<8192xf32>
    %sub3A_41 = arith.subf %sub3A_40, %mul3A_35 : vector<8192xf32>
    %mul3A_42 = arith.mulf %sub3A_38, %sub3A_41 : vector<8192xf32>
    %add3A = arith.addf %get3A_2, %mul3A_42 : vector<8192xf32>
    %get3A_43 = arith.constant 0 : index
    %get3A_44 = arith.constant 0 : index
    %get3A_45 = memref.load %arg1[%get3A_43, %get3A_44] : memref<16x8xf32, #tpu.memory_space<smem>>
    %get3A_46 = arith.constant 0 : index
    %get3A_47 = arith.constant 0 : index
    %get3A_48 = arith.constant 0 : index
    %get3A_49 = vector.load %arg3[%get3A_46, %get3A_47, %get3A_48] : memref<16x8x8192xf32, #tpu.memory_space<vmem>>, vector<1x1x8192xf32>
    %get3A_50 = vector.shape_cast %get3A_49 : vector<1x1x8192xf32> to vector<8192xf32>
    %mul3A_51 = vector.broadcast %get3A_45 : f32 to vector<8192xf32>
    %mul3A_52 = arith.mulf %mul3A_51, %get3A_50 : vector<8192xf32>
    %sub3A_53 = arith.constant 1.000000e+00 : f32
    %sub3A_54 = vector.broadcast %sub3A_53 : f32 to vector<8192xf32>
    %sub3A_55 = arith.subf %sub3A_54, %mul3A_52 : vector<8192xf32>
    %get3A_56 = arith.constant 0 : index
    %get3A_57 = arith.constant 1 : index
    %get3A_58 = memref.load %arg1[%get3A_56, %get3A_57] : memref<16x8xf32, #tpu.memory_space<smem>>
    %get3A_59 = arith.constant 0 : index
    %get3A_60 = arith.constant 1 : index
    %get3A_61 = arith.constant 0 : index
    %get3A_62 = vector.load %arg3[%get3A_59, %get3A_60, %get3A_61] : memref<16x8x8192xf32, #tpu.memory_space<vmem>>, vector<1x1x8192xf32>
    %get3A_63 = vector.shape_cast %get3A_62 : vector<1x1x8192xf32> to vector<8192xf32>
    %mul3A_64 = vector.broadcast %get3A_58 : f32 to vector<8192xf32>
    %mul3A_65 = arith.mulf %mul3A_64, %get3A_63 : vector<8192xf32>
    %sub3A_66 = arith.constant 1.000000e+00 : f32
    %sub3A_67 = vector.broadcast %sub3A_66 : f32 to vector<8192xf32>
    %sub3A_68 = arith.subf %sub3A_67, %mul3A_65 : vector<8192xf32>
    %mul3A_69 = arith.mulf %sub3A_55, %sub3A_68 : vector<8192xf32>
    %get3A_70 = arith.constant 0 : index
    %get3A_71 = arith.constant 2 : index
    %get3A_72 = memref.load %arg1[%get3A_70, %get3A_71] : memref<16x8xf32, #tpu.memory_space<smem>>
    %get3A_73 = arith.constant 0 : index
    %get3A_74 = arith.constant 2 : index
    %get3A_75 = arith.constant 0 : index
    %get3A_76 = vector.load %arg3[%get3A_73, %get3A_74, %get3A_75] : memref<16x8x8192xf32, #tpu.memory_space<vmem>>, vector<1x1x8192xf32>
    %get3A_77 = vector.shape_cast %get3A_76 : vector<1x1x8192xf32> to vector<8192xf32>
    %mul3A_78 = vector.broadcast %get3A_72 : f32 to vector<8192xf32>
    %mul3A_79 = arith.mulf %mul3A_78, %get3A_77 : vector<8192xf32>
    %sub3A_80 = arith.constant 1.000000e+00 : f32
    %sub3A_81 = vector.broadcast %sub3A_80 : f32 to vector<8192xf32>
    %sub3A_82 = arith.subf %sub3A_81, %mul3A_79 : vector<8192xf32>
    %mul3A_83 = arith.mulf %mul3A_69, %sub3A_82 : vector<8192xf32>
    %get3A_84 = arith.constant 0 : index
    %get3A_85 = arith.constant 3 : index
    %get3A_86 = memref.load %arg1[%get3A_84, %get3A_85] : memref<16x8xf32, #tpu.memory_space<smem>>
    %get3A_87 = arith.constant 0 : index
    %get3A_88 = arith.constant 3 : index
    %get3A_89 = arith.constant 0 : index
    %get3A_90 = vector.load %arg3[%get3A_87, %get3A_88, %get3A_89] : memref<16x8x8192xf32, #tpu.memory_space<vmem>>, vector<1x1x8192xf32>
    %get3A_91 = vector.shape_cast %get3A_90 : vector<1x1x8192xf32> to vector<8192xf32>
    %mul3A_92 = vector.broadcast %get3A_86 : f32 to vector<8192xf32>
    %mul3A_93 = arith.mulf %mul3A_92, %get3A_91 : vector<8192xf32>
    %sub3A_94 = arith.constant 1.000000e+00 : f32
    %sub3A_95 = vector.broadcast %sub3A_94 : f32 to vector<8192xf32>
    %sub3A_96 = arith.subf %sub3A_95, %mul3A_93 : vector<8192xf32>
    %mul3A_97 = arith.mulf %mul3A_83, %sub3A_96 : vector<8192xf32>
    %get3A_98 = arith.constant 0 : index
    %get3A_99 = arith.constant 4 : index
    %get3A_100 = memref.load %arg1[%get3A_98, %get3A_99] : memref<16x8xf32, #tpu.memory_space<smem>>
    %get3A_101 = arith.constant 0 : index
    %get3A_102 = arith.constant 4 : index
    %get3A_103 = arith.constant 0 : index
    %get3A_104 = vector.load %arg3[%get3A_101, %get3A_102, %get3A_103] : memref<16x8x8192xf32, #tpu.memory_space<vmem>>, vector<1x1x8192xf32>
    %get3A_105 = vector.shape_cast %get3A_104 : vector<1x1x8192xf32> to vector<8192xf32>
    %mul3A_106 = vector.broadcast %get3A_100 : f32 to vector<8192xf32>
    %mul3A_107 = arith.mulf %mul3A_106, %get3A_105 : vector<8192xf32>
    %sub3A_108 = arith.constant 1.000000e+00 : f32
    %sub3A_109 = vector.broadcast %sub3A_108 : f32 to vector<8192xf32>
    %sub3A_110 = arith.subf %sub3A_109, %mul3A_107 : vector<8192xf32>
    %mul3A_111 = arith.mulf %mul3A_97, %sub3A_110 : vector<8192xf32>
    %get3A_112 = arith.constant 0 : index
    %get3A_113 = arith.constant 5 : index
    %get3A_114 = memref.load %arg1[%get3A_112, %get3A_113] : memref<16x8xf32, #tpu.memory_space<smem>>
    %get3A_115 = arith.constant 0 : index
    %get3A_116 = arith.constant 5 : index
    %get3A_117 = arith.constant 0 : index
    %get3A_118 = vector.load %arg3[%get3A_115, %get3A_116, %get3A_117] : memref<16x8x8192xf32, #tpu.memory_space<vmem>>, vector<1x1x8192xf32>
    %get3A_119 = vector.shape_cast %get3A_118 : vector<1x1x8192xf32> to vector<8192xf32>
    %mul3A_120 = vector.broadcast %get3A_114 : f32 to vector<8192xf32>
    %mul3A_121 = arith.mulf %mul3A_120, %get3A_119 : vector<8192xf32>
    %sub3A_122 = arith.constant 1.000000e+00 : f32
    %sub3A_123 = vector.broadcast %sub3A_122 : f32 to vector<8192xf32>
    %sub3A_124 = arith.subf %sub3A_123, %mul3A_121 : vector<8192xf32>
    %mul3A_125 = arith.mulf %mul3A_111, %sub3A_124 : vector<8192xf32>
    %get3A_126 = arith.constant 0 : index
    %get3A_127 = arith.constant 6 : index
    %get3A_128 = memref.load %arg1[%get3A_126, %get3A_127] : memref<16x8xf32, #tpu.memory_space<smem>>
    %get3A_129 = arith.constant 0 : index
    %get3A_130 = arith.constant 6 : index
    %get3A_131 = arith.constant 0 : index
    %get3A_132 = vector.load %arg3[%get3A_129, %get3A_130, %get3A_131] : memref<16x8x8192xf32, #tpu.memory_space<vmem>>, vector<1x1x8192xf32>
    %get3A_133 = vector.shape_cast %get3A_132 : vector<1x1x8192xf32> to vector<8192xf32>
    %mul3A_134 = vector.broadcast %get3A_128 : f32 to vector<8192xf32>
    %mul3A_135 = arith.mulf %mul3A_134, %get3A_133 : vector<8192xf32>
    %sub3A_136 = arith.constant 1.000000e+00 : f32
    %sub3A_137 = vector.broadcast %sub3A_136 : f32 to vector<8192xf32>
    %sub3A_138 = arith.subf %sub3A_137, %mul3A_135 : vector<8192xf32>
    %mul3A_139 = arith.mulf %mul3A_125, %sub3A_138 : vector<8192xf32>
    %get3A_140 = arith.constant 0 : index
    %get3A_141 = arith.constant 7 : index
    %get3A_142 = memref.load %arg1[%get3A_140, %get3A_141] : memref<16x8xf32, #tpu.memory_space<smem>>
    %get3A_143 = arith.constant 0 : index
    %get3A_144 = arith.constant 7 : index
    %get3A_145 = arith.constant 0 : index
    %get3A_146 = vector.load %arg3[%get3A_143, %get3A_144, %get3A_145] : memref<16x8x8192xf32, #tpu.memory_space<vmem>>, vector<1x1x8192xf32>
    %get3A_147 = vector.shape_cast %get3A_146 : vector<1x1x8192xf32> to vector<8192xf32>
    %mul3A_148 = vector.broadcast %get3A_142 : f32 to vector<8192xf32>
    %mul3A_149 = arith.mulf %mul3A_148, %get3A_147 : vector<8192xf32>
    %sub3A_150 = arith.constant 1.000000e+00 : f32
    %sub3A_151 = vector.broadcast %sub3A_150 : f32 to vector<8192xf32>
    %sub3A_152 = arith.subf %sub3A_151, %mul3A_149 : vector<8192xf32>
    %mul3A_153 = arith.mulf %mul3A_139, %sub3A_152 : vector<8192xf32>
    %mul3A_154 = arith.mulf %add3A, %mul3A_153 : vector<8192xf32>
    %swap3A = arith.constant 0 : index
    %swap3A_155 = arith.constant 0 : index
    %swap3A_156 = vector.load %arg5[%swap3A, %swap3A_155] : memref<16x8192xf32, #tpu.memory_space<vmem>>, vector<1x8192xf32>
    %swap3A_157 = vector.shape_cast %swap3A_156 : vector<1x8192xf32> to vector<8192xf32>
    %swap3A_158 = vector.shape_cast %mul3A_154 : vector<8192xf32> to vector<1x8192xf32>
    tpu.vector_store %arg5[%swap3A, %swap3A_155], %swap3A_158 {strides = array<i32>} : memref<16x8192xf32, #tpu.memory_space<vmem>>, vector<1x8192xf32>,
    %get3A_159 = arith.constant 1 : index
    %get3A_160 = arith.constant 0 : index
    %get3A_161 = vector.load %arg4[%get3A_159, %get3A_160] : memref<16x8192xf32, #tpu.memory_space<vmem>>, vector<1x8192xf32>
    %get3A_162 = vector.shape_cast %get3A_161 : vector<1x8192xf32> to vector<8192xf32>
    %get3A_163 = arith.constant 1 : index
    %get3A_164 = arith.constant 0 : index
    %get3A_165 = arith.constant 0 : index
    %get3A_166 = vector.load %arg2[%get3A_163, %get3A_164, %get3A_165] : memref<16x4x8192xf32, #tpu.memory_space<vmem>>, vector<1x1x8192xf32>
    %get3A_167 = vector.shape_cast %get3A_166 : vector<1x1x8192xf32> to vector<8192xf32>
    %sub3A_168 = arith.constant 1.000000e+00 : f32
    %sub3A_169 = vector.broadcast %sub3A_168 : f32 to vector<8192xf32>
    %sub3A_170 = arith.subf %sub3A_169, %get3A_167 : vector<8192xf32>
    %get3A_171 = arith.constant 1 : index
    %get3A_172 = arith.constant 1 : index
    %get3A_173 = arith.constant 0 : index
    %get3A_174 = vector.load %arg2[%get3A_171, %get3A_172, %get3A_173] : memref<16x4x8192xf32, #tpu.memory_space<vmem>>, vector<1x1x8192xf32>
    %get3A_175 = vector.shape_cast %get3A_174 : vector<1x1x8192xf32> to vector<8192xf32>
    %sub3A_176 = arith.constant 1.000000e+00 : f32
    %sub3A_177 = vector.broadcast %sub3A_176 : f32 to vector<8192xf32>
    %sub3A_178 = arith.subf %sub3A_177, %get3A_175 : vector<8192xf32>
    %mul3A_179 = arith.mulf %sub3A_170, %sub3A_178 : vector<8192xf32>
    %get3A_180 = arith.constant 1 : index
    %get3A_181 = arith.constant 2 : index
    %get3A_182 = arith.constant 0 : index
    %get3A_183 = vector.load %arg2[%get3A_180, %get3A_181, %get3A_182] : memref<16x4x8192xf32, #tpu.memory_space<vmem>>, vector<1x1x8192xf32>
    %get3A_184 = vector.shape_cast %get3A_183 : vector<1x1x8192xf32> to vector<8192xf32>
    %sub3A_185 = arith.constant 1.000000e+00 : f32
    %sub3A_186 = vector.broadcast %sub3A_185 : f32 to vector<8192xf32>
    %sub3A_187 = arith.subf %sub3A_186, %get3A_184 : vector<8192xf32>
    %mul3A_188 = arith.mulf %mul3A_179, %sub3A_187 : vector<8192xf32>
    %get3A_189 = arith.constant 1 : index
    %get3A_190 = arith.constant 3 : index
    %get3A_191 = arith.constant 0 : index
    %get3A_192 = vector.load %arg2[%get3A_189, %get3A_190, %get3A_191] : memref<16x4x8192xf32, #tpu.memory_space<vmem>>, vector<1x1x8192xf32>
    %get3A_193 = vector.shape_cast %get3A_192 : vector<1x1x8192xf32> to vector<8192xf32>
    %sub3A_194 = arith.constant 1.000000e+00 : f32
    %sub3A_195 = vector.broadcast %sub3A_194 : f32 to vector<8192xf32>
    %sub3A_196 = arith.subf %sub3A_195, %get3A_193 : vector<8192xf32>
    %mul3A_197 = arith.mulf %mul3A_188, %sub3A_196 : vector<8192xf32>
    %sub3A_198 = arith.constant 1.000000e+00 : f32
    %sub3A_199 = vector.broadcast %sub3A_198 : f32 to vector<8192xf32>
    %sub3A_200 = arith.subf %sub3A_199, %get3A_162 : vector<8192xf32>
    %sub3A_201 = arith.constant 1.000000e+00 : f32
    %sub3A_202 = vector.broadcast %sub3A_201 : f32 to vector<8192xf32>
    %sub3A_203 = arith.subf %sub3A_202, %mul3A_197 : vector<8192xf32>
    %mul3A_204 = arith.mulf %sub3A_200, %sub3A_203 : vector<8192xf32>
    %add3A_205 = arith.addf %get3A_162, %mul3A_204 : vector<8192xf32>
    %get3A_206 = arith.constant 1 : index
    %get3A_207 = arith.constant 0 : index
    %get3A_208 = memref.load %arg1[%get3A_206, %get3A_207] : memref<16x8xf32, #tpu.memory_space<smem>>
    %get3A_209 = arith.constant 1 : index
    %get3A_210 = arith.constant 0 : index
    %get3A_211 = arith.constant 0 : index
    %get3A_212 = vector.load %arg3[%get3A_209, %get3A_210, %get3A_211] : memref<16x8x8192xf32, #tpu.memory_space<vmem>>, vector<1x1x8192xf32>
    %get3A_213 = vector.shape_cast %get3A_212 : vector<1x1x8192xf32> to vector<8192xf32>
    %mul3A_214 = vector.broadcast %get3A_208 : f32 to vector<8192xf32>
    %mul3A_215 = arith.mulf %mul3A_214, %get3A_213 : vector<8192xf32>
    %sub3A_216 = arith.constant 1.000000e+00 : f32
    %sub3A_217 = vector.broadcast %sub3A_216 : f32 to vector<8192xf32>
    %sub3A_218 = arith.subf %sub3A_217, %mul3A_215 : vector<8192xf32>
    %get3A_219 = arith.constant 1 : index
    %get3A_220 = arith.constant 1 : index
    %get3A_221 = memref.load %arg1[%get3A_219, %get3A_220] : memref<16x8xf32, #tpu.memory_space<smem>>
    %get3A_222 = arith.constant 1 : index
    %get3A_223 = arith.constant 1 : index
    %get3A_224 = arith.constant 0 : index
    %get3A_225 = vector.load %arg3[%get3A_222, %get3A_223, %get3A_224] : memref<16x8x8192xf32, #tpu.memory_space<vmem>>, vector<1x1x8192xf32>
    %get3A_226 = vector.shape_cast %get3A_225 : vector<1x1x8192xf32> to vector<8192xf32>
    %mul3A_227 = vector.broadcast %get3A_221 : f32 to vector<8192xf32>
    %mul3A_228 = arith.mulf %mul3A_227, %get3A_226 : vector<8192xf32>
    %sub3A_229 = arith.constant 1.000000e+00 : f32
    %sub3A_230 = vector.broadcast %sub3A_229 : f32 to vector<8192xf32>
    %sub3A_231 = arith.subf %sub3A_230, %mul3A_228 : vector<8192xf32>
    %mul3A_232 = arith.mulf %sub3A_218, %sub3A_231 : vector<8192xf32>
    %get3A_233 = arith.constant 1 : index
    %get3A_234 = arith.constant 2 : index
    %get3A_235 = memref.load %arg1[%get3A_233, %get3A_234] : memref<16x8xf32, #tpu.memory_space<smem>>
    %get3A_236 = arith.constant 1 : index
    %get3A_237 = arith.constant 2 : index
    %get3A_238 = arith.constant 0 : index
    %get3A_239 = vector.load %arg3[%get3A_236, %get3A_237, %get3A_238] : memref<16x8x8192xf32, #tpu.memory_space<vmem>>, vector<1x1x8192xf32>
    %get3A_240 = vector.shape_cast %get3A_239 : vector<1x1x8192xf32> to vector<8192xf32>
    %mul3A_241 = vector.broadcast %get3A_235 : f32 to vector<8192xf32>
    %mul3A_242 = arith.mulf %mul3A_241, %get3A_240 : vector<8192xf32>
    %sub3A_243 = arith.constant 1.000000e+00 : f32
    %sub3A_244 = vector.broadcast %sub3A_243 : f32 to vector<8192xf32>
    %sub3A_245 = arith.subf %sub3A_244, %mul3A_242 : vector<8192xf32>
    %mul3A_246 = arith.mulf %mul3A_232, %sub3A_245 : vector<8192xf32>
    %get3A_247 = arith.constant 1 : index
    %get3A_248 = arith.constant 3 : index
    %get3A_249 = memref.load %arg1[%get3A_247, %get3A_248] : memref<16x8xf32, #tpu.memory_space<smem>>
    %get3A_250 = arith.constant 1 : index
    %get3A_251 = arith.constant 3 : index
    %get3A_252 = arith.constant 0 : index
    %get3A_253 = vector.load %arg3[%get3A_250, %get3A_251, %get3A_252] : memref<16x8x8192xf32, #tpu.memory_space<vmem>>, vector<1x1x8192xf32>
    %get3A_254 = vector.shape_cast %get3A_253 : vector<1x1x8192xf32> to vector<8192xf32>
    %mul3A_255 = vector.broadcast %get3A_249 : f32 to vector<8192xf32>
    %mul3A_256 = arith.mulf %mul3A_255, %get3A_254 : vector<8192xf32>
    %sub3A_257 = arith.constant 1.000000e+00 : f32
    %sub3A_258 = vector.broadcast %sub3A_257 : f32 to vector<8192xf32>
    %sub3A_259 = arith.subf %sub3A_258, %mul3A_256 : vector<8192xf32>
    %mul3A_260 = arith.mulf %mul3A_246, %sub3A_259 : vector<8192xf32>
    %get3A_261 = arith.constant 1 : index
    %get3A_262 = arith.constant 4 : index
    %get3A_263 = memref.load %arg1[%get3A_261, %get3A_262] : memref<16x8xf32, #tpu.memory_space<smem>>
    %get3A_264 = arith.constant 1 : index
    %get3A_265 = arith.constant 4 : index
    %get3A_266 = arith.constant 0 : index
    %get3A_267 = vector.load %arg3[%get3A_264, %get3A_265, %get3A_266] : memref<16x8x8192xf32, #tpu.memory_space<vmem>>, vector<1x1x8192xf32>
    %get3A_268 = vector.shape_cast %get3A_267 : vector<1x1x8192xf32> to vector<8192xf32>
    %mul3A_269 = vector.broadcast %get3A_263 : f32 to vector<8192xf32>
    %mul3A_270 = arith.mulf %mul3A_269, %get3A_268 : vector<8192xf32>
    %sub3A_271 = arith.constant 1.000000e+00 : f32
    %sub3A_272 = vector.broadcast %sub3A_271 : f32 to vector<8192xf32>
    %sub3A_273 = arith.subf %sub3A_272, %mul3A_270 : vector<8192xf32>
    %mul3A_274 = arith.mulf %mul3A_260, %sub3A_273 : vector<8192xf32>
    %get3A_275 = arith.constant 1 : index
    %get3A_276 = arith.constant 5 : index
    %get3A_277 = memref.load %arg1[%get3A_275, %get3A_276] : memref<16x8xf32, #tpu.memory_space<smem>>
    %get3A_278 = arith.constant 1 : index
    %get3A_279 = arith.constant 5 : index
    %get3A_280 = arith.constant 0 : index
    %get3A_281 = vector.load %arg3[%get3A_278, %get3A_279, %get3A_280] : memref<16x8x8192xf32, #tpu.memory_space<vmem>>, vector<1x1x8192xf32>
    %get3A_282 = vector.shape_cast %get3A_281 : vector<1x1x8192xf32> to vector<8192xf32>
    %mul3A_283 = vector.broadcast %get3A_277 : f32 to vector<8192xf32>
    %mul3A_284 = arith.mulf %mul3A_283, %get3A_282 : vector<8192xf32>
    %sub3A_285 = arith.constant 1.000000e+00 : f32
    %sub3A_286 = vector.broadcast %sub3A_285 : f32 to vector<8192xf32>
    %sub3A_287 = arith.subf %sub3A_286, %mul3A_284 : vector<8192xf32>
    %mul3A_288 = arith.mulf %mul3A_274, %sub3A_287 : vector<8192xf32>
    %get3A_289 = arith.constant 1 : index
    %get3A_290 = arith.constant 6 : index
    %get3A_291 = memref.load %arg1[%get3A_289, %get3A_290] : memref<16x8xf32, #tpu.memory_space<smem>>
    %get3A_292 = arith.constant 1 : index
    %get3A_293 = arith.constant 6 : index
    %get3A_294 = arith.constant 0 : index
    %get3A_295 = vector.load %arg3[%get3A_292, %get3A_293, %get3A_294] : memref<16x8x8192xf32, #tpu.memory_space<vmem>>, vector<1x1x8192xf32>
    %get3A_296 = vector.shape_cast %get3A_295 : vector<1x1x8192xf32> to vector<8192xf32>
    %mul3A_297 = vector.broadcast %get3A_291 : f32 to vector<8192xf32>
    %mul3A_298 = arith.mulf %mul3A_297, %get3A_296 : vector<8192xf32>
    %sub3A_299 = arith.constant 1.000000e+00 : f32
    %sub3A_300 = vector.broadcast %sub3A_299 : f32 to vector<8192xf32>
    %sub3A_301 = arith.subf %sub3A_300, %mul3A_298 : vector<8192xf32>
    %mul3A_302 = arith.mulf %mul3A_288, %sub3A_301 : vector<8192xf32>
    %get3A_303 = arith.constant 1 : index
    %get3A_304 = arith.constant 7 : index
    %get3A_305 = memref.load %arg1[%get3A_303, %get3A_304] : memref<16x8xf32, #tpu.memory_space<smem>>
    %get3A_306 = arith.constant 1 : index
    %get3A_307 = arith.constant 7 : index
    %get3A_308 = arith.constant 0 : index
    %get3A_309 = vector.load %arg3[%get3A_306, %get3A_307, %get3A_308] : memref<16x8x8192xf32, #tpu.memory_space<vmem>>, vector<1x1x8192xf32>
    %get3A_310 = vector.shape_cast %get3A_309 : vector<1x1x8192xf32> to vector<8192xf32>
    %mul3A_311 = vector.broadcast %get3A_305 : f32 to vector<8192xf32>
    %mul3A_312 = arith.mulf %mul3A_311, %get3A_310 : vector<8192xf32>
    %sub3A_313 = arith.constant 1.000000e+00 : f32
    %sub3A_314 = vector.broadcast %sub3A_313 : f32 to vector<8192xf32>
    %sub3A_315 = arith.subf %sub3A_314, %mul3A_312 : vector<8192xf32>
    %mul3A_316 = arith.mulf %mul3A_302, %sub3A_315 : vector<8192xf32>
    %mul3A_317 = arith.mulf %add3A_205, %mul3A_316 : vector<8192xf32>
    %swap3A_318 = arith.constant 1 : index
    %swap3A_319 = arith.constant 0 : index
    %swap3A_320 = vector.load %arg5[%swap3A_318, %swap3A_319] : memref<16x8192xf32, #tpu.memory_space<vmem>>, vector<1x8192xf32>
    %swap3A_321 = vector.shape_cast %swap3A_320 : vector<1x8192xf32> to vector<8192xf32>
    %swap3A_322 = vector.shape_cast %mul3A_317 : vector<8192xf32> to vector<1x8192xf32>
    tpu.vector_store %arg5[%swap3A_318, %swap3A_319], %swap3A_322 {strides = array<i32>} : memref<16x8192xf32, #tpu.memory_space<vmem>>, vector<1x8192xf32>,
    %get3A_323 = arith.constant 2 : index
    %get3A_324 = arith.constant 0 : index
    %get3A_325 = vector.load %arg4[%get3A_323, %get3A_324] : memref<16x8192xf32, #tpu.memory_space<vmem>>, vector<1x8192xf32>
    %get3A_326 = vector.shape_cast %get3A_325 : vector<1x8192xf32> to vector<8192xf32>
    %get3A_327 = arith.constant 2 : index
    %get3A_328 = arith.constant 0 : index
    %get3A_329 = arith.constant 0 : index
    %get3A_330 = vector.load %arg2[%get3A_327, %get3A_328, %get3A_329] : memref<16x4x8192xf32, #tpu.memory_space<vmem>>, vector<1x1x8192xf32>
    %get3A_331 = vector.shape_cast %get3A_330 : vector<1x1x8192xf32> to vector<8192xf32>
    %sub3A_332 = arith.constant 1.000000e+00 : f32
    %sub3A_333 = vector.broadcast %sub3A_332 : f32 to vector<8192xf32>
    %sub3A_334 = arith.subf %sub3A_333, %get3A_331 : vector<8192xf32>
    %get3A_335 = arith.constant 2 : index
    %get3A_336 = arith.constant 1 : index
    %get3A_337 = arith.constant 0 : index
    %get3A_338 = vector.load %arg2[%get3A_335, %get3A_336, %get3A_337] : memref<16x4x8192xf32, #tpu.memory_space<vmem>>, vector<1x1x8192xf32>
    %get3A_339 = vector.shape_cast %get3A_338 : vector<1x1x8192xf32> to vector<8192xf32>
    %sub3A_340 = arith.constant 1.000000e+00 : f32
    %sub3A_341 = vector.broadcast %sub3A_340 : f32 to vector<8192xf32>
    %sub3A_342 = arith.subf %sub3A_341, %get3A_339 : vector<8192xf32>
    %mul3A_343 = arith.mulf %sub3A_334, %sub3A_342 : vector<8192xf32>
    %get3A_344 = arith.constant 2 : index
    %get3A_345 = arith.constant 2 : index
    %get3A_346 = arith.constant 0 : index
    %get3A_347 = vector.load %arg2[%get3A_344, %get3A_345, %get3A_346] : memref<16x4x8192xf32, #tpu.memory_space<vmem>>, vector<1x1x8192xf32>
    %get3A_348 = vector.shape_cast %get3A_347 : vector<1x1x8192xf32> to vector<8192xf32>
    %sub3A_349 = arith.constant 1.000000e+00 : f32
    %sub3A_350 = vector.broadcast %sub3A_349 : f32 to vector<8192xf32>
    %sub3A_351 = arith.subf %sub3A_350, %get3A_348 : vector<8192xf32>
    %mul3A_352 = arith.mulf %mul3A_343, %sub3A_351 : vector<8192xf32>
    %get3A_353 = arith.constant 2 : index
    %get3A_354 = arith.constant 3 : index
    %get3A_355 = arith.constant 0 : index
    %get3A_356 = vector.load %arg2[%get3A_353, %get3A_354, %get3A_355] : memref<16x4x8192xf32, #tpu.memory_space<vmem>>, vector<1x1x8192xf32>
    %get3A_357 = vector.shape_cast %get3A_356 : vector<1x1x8192xf32> to vector<8192xf32>
    %sub3A_358 = arith.constant 1.000000e+00 : f32
    %sub3A_359 = vector.broadcast %sub3A_358 : f32 to vector<8192xf32>
    %sub3A_360 = arith.subf %sub3A_359, %get3A_357 : vector<8192xf32>
    %mul3A_361 = arith.mulf %mul3A_352, %sub3A_360 : vector<8192xf32>
    %sub3A_362 = arith.constant 1.000000e+00 : f32
    %sub3A_363 = vector.broadcast %sub3A_362 : f32 to vector<8192xf32>
    %sub3A_364 = arith.subf %sub3A_363, %get3A_326 : vector<8192xf32>
    %sub3A_365 = arith.constant 1.000000e+00 : f32
    %sub3A_366 = vector.broadcast %sub3A_365 : f32 to vector<8192xf32>
    %sub3A_367 = arith.subf %sub3A_366, %mul3A_361 : vector<8192xf32>
    %mul3A_368 = arith.mulf %sub3A_364, %sub3A_367 : vector<8192xf32>
    %add3A_369 = arith.addf %get3A_326, %mul3A_368 : vector<8192xf32>
    %get3A_370 = arith.constant 2 : index
    %get3A_371 = arith.constant 0 : index
    %get3A_372 = memref.load %arg1[%get3A_370, %get3A_371] : memref<16x8xf32, #tpu.memory_space<smem>>
    %get3A_373 = arith.constant 2 : index
    %get3A_374 = arith.constant 0 : index
    %get3A_375 = arith.constant 0 : index
    %get3A_376 = vector.load %arg3[%get3A_373, %get3A_374, %get3A_375] : memref<16x8x8192xf32, #tpu.memory_space<vmem>>, vector<1x1x8192xf32>
    %get3A_377 = vector.shape_cast %get3A_376 : vector<1x1x8192xf32> to vector<8192xf32>
    %mul3A_378 = vector.broadcast %get3A_372 : f32 to vector<8192xf32>
    %mul3A_379 = arith.mulf %mul3A_378, %get3A_377 : vector<8192xf32>
    %sub3A_380 = arith.constant 1.000000e+00 : f32
    %sub3A_381 = vector.broadcast %sub3A_380 : f32 to vector<8192xf32>
    %sub3A_382 = arith.subf %sub3A_381, %mul3A_379 : vector<8192xf32>
    %get3A_383 = arith.constant 2 : index
    %get3A_384 = arith.constant 1 : index
    %get3A_385 = memref.load %arg1[%get3A_383, %get3A_384] : memref<16x8xf32, #tpu.memory_space<smem>>
    %get3A_386 = arith.constant 2 : index
    %get3A_387 = arith.constant 1 : index
    %get3A_388 = arith.constant 0 : index
    %get3A_389 = vector.load %arg3[%get3A_386, %get3A_387, %get3A_388] : memref<16x8x8192xf32, #tpu.memory_space<vmem>>, vector<1x1x8192xf32>
    %get3A_390 = vector.shape_cast %get3A_389 : vector<1x1x8192xf32> to vector<8192xf32>
    %mul3A_391 = vector.broadcast %get3A_385 : f32 to vector<8192xf32>
    %mul3A_392 = arith.mulf %mul3A_391, %get3A_390 : vector<8192xf32>
    %sub3A_393 = arith.constant 1.000000e+00 : f32
    %sub3A_394 = vector.broadcast %sub3A_393 : f32 to vector<8192xf32>
    %sub3A_395 = arith.subf %sub3A_394, %mul3A_392 : vector<8192xf32>
    %mul3A_396 = arith.mulf %sub3A_382, %sub3A_395 : vector<8192xf32>
    %get3A_397 = arith.constant 2 : index
    %get3A_398 = arith.constant 2 : index
    %get3A_399 = memref.load %arg1[%get3A_397, %get3A_398] : memref<16x8xf32, #tpu.memory_space<smem>>
    %get3A_400 = arith.constant 2 : index
    %get3A_401 = arith.constant 2 : index
    %get3A_402 = arith.constant 0 : index
    %get3A_403 = vector.load %arg3[%get3A_400, %get3A_401, %get3A_402] : memref<16x8x8192xf32, #tpu.memory_space<vmem>>, vector<1x1x8192xf32>
    %get3A_404 = vector.shape_cast %get3A_403 : vector<1x1x8192xf32> to vector<8192xf32>
    %mul3A_405 = vector.broadcast %get3A_399 : f32 to vector<8192xf32>
    %mul3A_406 = arith.mulf %mul3A_405, %get3A_404 : vector<8192xf32>
    %sub3A_407 = arith.constant 1.000000e+00 : f32
    %sub3A_408 = vector.broadcast %sub3A_407 : f32 to vector<8192xf32>
    %sub3A_409 = arith.subf %sub3A_408, %mul3A_406 : vector<8192xf32>
    %mul3A_410 = arith.mulf %mul3A_396, %sub3A_409 : vector<8192xf32>
    %get3A_411 = arith.constant 2 : index
    %get3A_412 = arith.constant 3 : index
    %get3A_413 = memref.load %arg1[%get3A_411, %get3A_412] : memref<16x8xf32, #tpu.memory_space<smem>>
    %get3A_414 = arith.constant 2 : index
    %get3A_415 = arith.constant 3 : index
    %get3A_416 = arith.constant 0 : index
    %get3A_417 = vector.load %arg3[%get3A_414, %get3A_415, %get3A_416] : memref<16x8x8192xf32, #tpu.memory_space<vmem>>, vector<1x1x8192xf32>
    %get3A_418 = vector.shape_cast %get3A_417 : vector<1x1x8192xf32> to vector<8192xf32>
    %mul3A_419 = vector.broadcast %get3A_413 : f32 to vector<8192xf32>
    %mul3A_420 = arith.mulf %mul3A_419, %get3A_418 : vector<8192xf32>
    %sub3A_421 = arith.constant 1.000000e+00 : f32
    %sub3A_422 = vector.broadcast %sub3A_421 : f32 to vector<8192xf32>
    %sub3A_423 = arith.subf %sub3A_422, %mul3A_420 : vector<8192xf32>
    %mul3A_424 = arith.mulf %mul3A_410, %sub3A_423 : vector<8192xf32>
    %get3A_425 = arith.constant 2 : index
    %get3A_426 = arith.constant 4 : index
    %get3A_427 = memref.load %arg1[%get3A_425, %get3A_426] : memref<16x8xf32, #tpu.memory_space<smem>>
    %get3A_428 = arith.constant 2 : index
    %get3A_429 = arith.constant 4 : index
    %get3A_430 = arith.constant 0 : index
    %get3A_431 = vector.load %arg3[%get3A_428, %get3A_429, %get3A_430] : memref<16x8x8192xf32, #tpu.memory_space<vmem>>, vector<1x1x8192xf32>
    %get3A_432 = vector.shape_cast %get3A_431 : vector<1x1x8192xf32> to vector<8192xf32>
    %mul3A_433 = vector.broadcast %get3A_427 : f32 to vector<8192xf32>
    %mul3A_434 = arith.mulf %mul3A_433, %get3A_432 : vector<8192xf32>
    %sub3A_435 = arith.constant 1.000000e+00 : f32
    %sub3A_436 = vector.broadcast %sub3A_435 : f32 to vector<8192xf32>
    %sub3A_437 = arith.subf %sub3A_436, %mul3A_434 : vector<8192xf32>
    %mul3A_438 = arith.mulf %mul3A_424, %sub3A_437 : vector<8192xf32>
    %get3A_439 = arith.constant 2 : index
    %get3A_440 = arith.constant 5 : index
    %get3A_441 = memref.load %arg1[%get3A_439, %get3A_440] : memref<16x8xf32, #tpu.memory_space<smem>>
    %get3A_442 = arith.constant 2 : index
    %get3A_443 = arith.constant 5 : index
    %get3A_444 = arith.constant 0 : index
    %get3A_445 = vector.load %arg3[%get3A_442, %get3A_443, %get3A_444] : memref<16x8x8192xf32, #tpu.memory_space<vmem>>, vector<1x1x8192xf32>
    %get3A_446 = vector.shape_cast %get3A_445 : vector<1x1x8192xf32> to vector<8192xf32>
    %mul3A_447 = vector.broadcast %get3A_441 : f32 to vector<8192xf32>
    %mul3A_448 = arith.mulf %mul3A_447, %get3A_446 : vector<8192xf32>
    %sub3A_449 = arith.constant 1.000000e+00 : f32
    %sub3A_450 = vector.broadcast %sub3A_449 : f32 to vector<8192xf32>
    %sub3A_451 = arith.subf %sub3A_450, %mul3A_448 : vector<8192xf32>
    %mul3A_452 = arith.mulf %mul3A_438, %sub3A_451 : vector<8192xf32>
    %get3A_453 = arith.constant 2 : index
    %get3A_454 = arith.constant 6 : index
    %get3A_455 = memref.load %arg1[%get3A_453, %get3A_454] : memref<16x8xf32, #tpu.memory_space<smem>>
    %get3A_456 = arith.constant 2 : index
    %get3A_457 = arith.constant 6 : index
    %get3A_458 = arith.constant 0 : index
    %get3A_459 = vector.load %arg3[%get3A_456, %get3A_457, %get3A_458] : memref<16x8x8192xf32, #tpu.memory_space<vmem>>, vector<1x1x8192xf32>
    %get3A_460 = vector.shape_cast %get3A_459 : vector<1x1x8192xf32> to vector<8192xf32>
    %mul3A_461 = vector.broadcast %get3A_455 : f32 to vector<8192xf32>
    %mul3A_462 = arith.mulf %mul3A_461, %get3A_460 : vector<8192xf32>
    %sub3A_463 = arith.constant 1.000000e+00 : f32
    %sub3A_464 = vector.broadcast %sub3A_463 : f32 to vector<8192xf32>
    %sub3A_465 = arith.subf %sub3A_464, %mul3A_462 : vector<8192xf32>
    %mul3A_466 = arith.mulf %mul3A_452, %sub3A_465 : vector<8192xf32>
    %get3A_467 = arith.constant 2 : index
    %get3A_468 = arith.constant 7 : index
    %get3A_469 = memref.load %arg1[%get3A_467, %get3A_468] : memref<16x8xf32, #tpu.memory_space<smem>>
    %get3A_470 = arith.constant 2 : index
    %get3A_471 = arith.constant 7 : index
    %get3A_472 = arith.constant 0 : index
    %get3A_473 = vector.load %arg3[%get3A_470, %get3A_471, %get3A_472] : memref<16x8x8192xf32, #tpu.memory_space<vmem>>, vector<1x1x8192xf32>
    %get3A_474 = vector.shape_cast %get3A_473 : vector<1x1x8192xf32> to vector<8192xf32>
    %mul3A_475 = vector.broadcast %get3A_469 : f32 to vector<8192xf32>
    %mul3A_476 = arith.mulf %mul3A_475, %get3A_474 : vector<8192xf32>
    %sub3A_477 = arith.constant 1.000000e+00 : f32
    %sub3A_478 = vector.broadcast %sub3A_477 : f32 to vector<8192xf32>
    %sub3A_479 = arith.subf %sub3A_478, %mul3A_476 : vector<8192xf32>
    %mul3A_480 = arith.mulf %mul3A_466, %sub3A_479 : vector<8192xf32>
    %mul3A_481 = arith.mulf %add3A_369, %mul3A_480 : vector<8192xf32>
    %swap3A_482 = arith.constant 2 : index
    %swap3A_483 = arith.constant 0 : index
    %swap3A_484 = vector.load %arg5[%swap3A_482, %swap3A_483] : memref<16x8192xf32, #tpu.memory_space<vmem>>, vector<1x8192xf32>
    %swap3A_485 = vector.shape_cast %swap3A_484 : vector<1x8192xf32> to vector<8192xf32>
    %swap3A_486 = vector.shape_cast %mul3A_481 : vector<8192xf32> to vector<1x8192xf32>
    tpu.vector_store %arg5[%swap3A_482, %swap3A_483], %swap3A_486 {strides = array<i32>} : memref<16x8192xf32, #tpu.memory_space<vmem>>, vector<1x8192xf32>,
    %get3A_487 = arith.constant 3 : index
    %get3A_488 = arith.constant 0 : index
    %get3A_489 = vector.load %arg4[%get3A_487, %get3A_488] : memref<16x8192xf32, #tpu.memory_space<vmem>>, vector<1x8192xf32>
    %get3A_490 = vector.shape_cast %get3A_489 : vector<1x8192xf32> to vector<8192xf32>
    %get3A_491 = arith.constant 3 : index
    %get3A_492 = arith.constant 0 : index
    %get3A_493 = arith.constant 0 : index
    %get3A_494 = vector.load %arg2[%get3A_491, %get3A_492, %get3A_493] : memref<16x4x8192xf32, #tpu.memory_space<vmem>>, vector<1x1x8192xf32>
    %get3A_495 = vector.shape_cast %get3A_494 : vector<1x1x8192xf32> to vector<8192xf32>
    %sub3A_496 = arith.constant 1.000000e+00 : f32
    %sub3A_497 = vector.broadcast %sub3A_496 : f32 to vector<8192xf32>
    %sub3A_498 = arith.subf %sub3A_497, %get3A_495 : vector<8192xf32>
    %get3A_499 = arith.constant 3 : index
    %get3A_500 = arith.constant 1 : index
    %get3A_501 = arith.constant 0 : index
    %get3A_502 = vector.load %arg2[%get3A_499, %get3A_500, %get3A_501] : memref<16x4x8192xf32, #tpu.memory_space<vmem>>, vector<1x1x8192xf32>
    %get3A_503 = vector.shape_cast %get3A_502 : vector<1x1x8192xf32> to vector<8192xf32>
    %sub3A_504 = arith.constant 1.000000e+00 : f32
    %sub3A_505 = vector.broadcast %sub3A_504 : f32 to vector<8192xf32>
    %sub3A_506 = arith.subf %sub3A_505, %get3A_503 : vector<8192xf32>
    %mul3A_507 = arith.mulf %sub3A_498, %sub3A_506 : vector<8192xf32>
    %get3A_508 = arith.constant 3 : index
    %get3A_509 = arith.constant 2 : index
    %get3A_510 = arith.constant 0 : index
    %get3A_511 = vector.load %arg2[%get3A_508, %get3A_509, %get3A_510] : memref<16x4x8192xf32, #tpu.memory_space<vmem>>, vector<1x1x8192xf32>
    %get3A_512 = vector.shape_cast %get3A_511 : vector<1x1x8192xf32> to vector<8192xf32>
    %sub3A_513 = arith.constant 1.000000e+00 : f32
    %sub3A_514 = vector.broadcast %sub3A_513 : f32 to vector<8192xf32>
    %sub3A_515 = arith.subf %sub3A_514, %get3A_512 : vector<8192xf32>
    %mul3A_516 = arith.mulf %mul3A_507, %sub3A_515 : vector<8192xf32>
    %get3A_517 = arith.constant 3 : index
    %get3A_518 = arith.constant 3 : index
    %get3A_519 = arith.constant 0 : index
    %get3A_520 = vector.load %arg2[%get3A_517, %get3A_518, %get3A_519] : memref<16x4x8192xf32, #tpu.memory_space<vmem>>, vector<1x1x8192xf32>
    %get3A_521 = vector.shape_cast %get3A_520 : vector<1x1x8192xf32> to vector<8192xf32>
    %sub3A_522 = arith.constant 1.000000e+00 : f32
    %sub3A_523 = vector.broadcast %sub3A_522 : f32 to vector<8192xf32>
    %sub3A_524 = arith.subf %sub3A_523, %get3A_521 : vector<8192xf32>
    %mul3A_525 = arith.mulf %mul3A_516, %sub3A_524 : vector<8192xf32>
    %sub3A_526 = arith.constant 1.000000e+00 : f32
    %sub3A_527 = vector.broadcast %sub3A_526 : f32 to vector<8192xf32>
    %sub3A_528 = arith.subf %sub3A_527, %get3A_490 : vector<8192xf32>
    %sub3A_529 = arith.constant 1.000000e+00 : f32
    %sub3A_530 = vector.broadcast %sub3A_529 : f32 to vector<8192xf32>
    %sub3A_531 = arith.subf %sub3A_530, %mul3A_525 : vector<8192xf32>
    %mul3A_532 = arith.mulf %sub3A_528, %sub3A_531 : vector<8192xf32>
    %add3A_533 = arith.addf %get3A_490, %mul3A_532 : vector<8192xf32>
    %get3A_534 = arith.constant 3 : index
    %get3A_535 = arith.constant 0 : index
    %get3A_536 = memref.load %arg1[%get3A_534, %get3A_535] : memref<16x8xf32, #tpu.memory_space<smem>>
    %get3A_537 = arith.constant 3 : index
    %get3A_538 = arith.constant 0 : index
    %get3A_539 = arith.constant 0 : index
    %get3A_540 = vector.load %arg3[%get3A_537, %get3A_538, %get3A_539] : memref<16x8x8192xf32, #tpu.memory_space<vmem>>, vector<1x1x8192xf32>
    %get3A_541 = vector.shape_cast %get3A_540 : vector<1x1x8192xf32> to vector<8192xf32>
    %mul3A_542 = vector.broadcast %get3A_536 : f32 to vector<8192xf32>
    %mul3A_543 = arith.mulf %mul3A_542, %get3A_541 : vector<8192xf32>
    %sub3A_544 = arith.constant 1.000000e+00 : f32
    %sub3A_545 = vector.broadcast %sub3A_544 : f32 to vector<8192xf32>
    %sub3A_546 = arith.subf %sub3A_545, %mul3A_543 : vector<8192xf32>
    %get3A_547 = arith.constant 3 : index
    %get3A_548 = arith.constant 1 : index
    %get3A_549 = memref.load %arg1[%get3A_547, %get3A_548] : memref<16x8xf32, #tpu.memory_space<smem>>
    %get3A_550 = arith.constant 3 : index
    %get3A_551 = arith.constant 1 : index
    %get3A_552 = arith.constant 0 : index
    %get3A_553 = vector.load %arg3[%get3A_550, %get3A_551, %get3A_552] : memref<16x8x8192xf32, #tpu.memory_space<vmem>>, vector<1x1x8192xf32>
    %get3A_554 = vector.shape_cast %get3A_553 : vector<1x1x8192xf32> to vector<8192xf32>
    %mul3A_555 = vector.broadcast %get3A_549 : f32 to vector<8192xf32>
    %mul3A_556 = arith.mulf %mul3A_555, %get3A_554 : vector<8192xf32>
    %sub3A_557 = arith.constant 1.000000e+00 : f32
    %sub3A_558 = vector.broadcast %sub3A_557 : f32 to vector<8192xf32>
    %sub3A_559 = arith.subf %sub3A_558, %mul3A_556 : vector<8192xf32>
    %mul3A_560 = arith.mulf %sub3A_546, %sub3A_559 : vector<8192xf32>
    %get3A_561 = arith.constant 3 : index
    %get3A_562 = arith.constant 2 : index
    %get3A_563 = memref.load %arg1[%get3A_561, %get3A_562] : memref<16x8xf32, #tpu.memory_space<smem>>
    %get3A_564 = arith.constant 3 : index
    %get3A_565 = arith.constant 2 : index
    %get3A_566 = arith.constant 0 : index
    %get3A_567 = vector.load %arg3[%get3A_564, %get3A_565, %get3A_566] : memref<16x8x8192xf32, #tpu.memory_space<vmem>>, vector<1x1x8192xf32>
    %get3A_568 = vector.shape_cast %get3A_567 : vector<1x1x8192xf32> to vector<8192xf32>
    %mul3A_569 = vector.broadcast %get3A_563 : f32 to vector<8192xf32>
    %mul3A_570 = arith.mulf %mul3A_569, %get3A_568 : vector<8192xf32>
    %sub3A_571 = arith.constant 1.000000e+00 : f32
    %sub3A_572 = vector.broadcast %sub3A_571 : f32 to vector<8192xf32>
    %sub3A_573 = arith.subf %sub3A_572, %mul3A_570 : vector<8192xf32>
    %mul3A_574 = arith.mulf %mul3A_560, %sub3A_573 : vector<8192xf32>
    %get3A_575 = arith.constant 3 : index
    %get3A_576 = arith.constant 3 : index
    %get3A_577 = memref.load %arg1[%get3A_575, %get3A_576] : memref<16x8xf32, #tpu.memory_space<smem>>
    %get3A_578 = arith.constant 3 : index
    %get3A_579 = arith.constant 3 : index
    %get3A_580 = arith.constant 0 : index
    %get3A_581 = vector.load %arg3[%get3A_578, %get3A_579, %get3A_580] : memref<16x8x8192xf32, #tpu.memory_space<vmem>>, vector<1x1x8192xf32>
    %get3A_582 = vector.shape_cast %get3A_581 : vector<1x1x8192xf32> to vector<8192xf32>
    %mul3A_583 = vector.broadcast %get3A_577 : f32 to vector<8192xf32>
    %mul3A_584 = arith.mulf %mul3A_583, %get3A_582 : vector<8192xf32>
    %sub3A_585 = arith.constant 1.000000e+00 : f32
    %sub3A_586 = vector.broadcast %sub3A_585 : f32 to vector<8192xf32>
    %sub3A_587 = arith.subf %sub3A_586, %mul3A_584 : vector<8192xf32>
    %mul3A_588 = arith.mulf %mul3A_574, %sub3A_587 : vector<8192xf32>
    %get3A_589 = arith.constant 3 : index
    %get3A_590 = arith.constant 4 : index
    %get3A_591 = memref.load %arg1[%get3A_589, %get3A_590] : memref<16x8xf32, #tpu.memory_space<smem>>
    %get3A_592 = arith.constant 3 : index
    %get3A_593 = arith.constant 4 : index
    %get3A_594 = arith.constant 0 : index
    %get3A_595 = vector.load %arg3[%get3A_592, %get3A_593, %get3A_594] : memref<16x8x8192xf32, #tpu.memory_space<vmem>>, vector<1x1x8192xf32>
    %get3A_596 = vector.shape_cast %get3A_595 : vector<1x1x8192xf32> to vector<8192xf32>
    %mul3A_597 = vector.broadcast %get3A_591 : f32 to vector<8192xf32>
    %mul3A_598 = arith.mulf %mul3A_597, %get3A_596 : vector<8192xf32>
    %sub3A_599 = arith.constant 1.000000e+00 : f32
    %sub3A_600 = vector.broadcast %sub3A_599 : f32 to vector<8192xf32>
    %sub3A_601 = arith.subf %sub3A_600, %mul3A_598 : vector<8192xf32>
    %mul3A_602 = arith.mulf %mul3A_588, %sub3A_601 : vector<8192xf32>
    %get3A_603 = arith.constant 3 : index
    %get3A_604 = arith.constant 5 : index
    %get3A_605 = memref.load %arg1[%get3A_603, %get3A_604] : memref<16x8xf32, #tpu.memory_space<smem>>
    %get3A_606 = arith.constant 3 : index
    %get3A_607 = arith.constant 5 : index
    %get3A_608 = arith.constant 0 : index
    %get3A_609 = vector.load %arg3[%get3A_606, %get3A_607, %get3A_608] : memref<16x8x8192xf32, #tpu.memory_space<vmem>>, vector<1x1x8192xf32>
    %get3A_610 = vector.shape_cast %get3A_609 : vector<1x1x8192xf32> to vector<8192xf32>
    %mul3A_611 = vector.broadcast %get3A_605 : f32 to vector<8192xf32>
    %mul3A_612 = arith.mulf %mul3A_611, %get3A_610 : vector<8192xf32>
    %sub3A_613 = arith.constant 1.000000e+00 : f32
    %sub3A_614 = vector.broadcast %sub3A_613 : f32 to vector<8192xf32>
    %sub3A_615 = arith.subf %sub3A_614, %mul3A_612 : vector<8192xf32>
    %mul3A_616 = arith.mulf %mul3A_602, %sub3A_615 : vector<8192xf32>
    %get3A_617 = arith.constant 3 : index
    %get3A_618 = arith.constant 6 : index
    %get3A_619 = memref.load %arg1[%get3A_617, %get3A_618] : memref<16x8xf32, #tpu.memory_space<smem>>
    %get3A_620 = arith.constant 3 : index
    %get3A_621 = arith.constant 6 : index
    %get3A_622 = arith.constant 0 : index
    %get3A_623 = vector.load %arg3[%get3A_620, %get3A_621, %get3A_622] : memref<16x8x8192xf32, #tpu.memory_space<vmem>>, vector<1x1x8192xf32>
    %get3A_624 = vector.shape_cast %get3A_623 : vector<1x1x8192xf32> to vector<8192xf32>
    %mul3A_625 = vector.broadcast %get3A_619 : f32 to vector<8192xf32>
    %mul3A_626 = arith.mulf %mul3A_625, %get3A_624 : vector<8192xf32>
    %sub3A_627 = arith.constant 1.000000e+00 : f32
    %sub3A_628 = vector.broadcast %sub3A_627 : f32 to vector<8192xf32>
    %sub3A_629 = arith.subf %sub3A_628, %mul3A_626 : vector<8192xf32>
    %mul3A_630 = arith.mulf %mul3A_616, %sub3A_629 : vector<8192xf32>
    %get3A_631 = arith.constant 3 : index
    %get3A_632 = arith.constant 7 : index
    %get3A_633 = memref.load %arg1[%get3A_631, %get3A_632] : memref<16x8xf32, #tpu.memory_space<smem>>
    %get3A_634 = arith.constant 3 : index
    %get3A_635 = arith.constant 7 : index
    %get3A_636 = arith.constant 0 : index
    %get3A_637 = vector.load %arg3[%get3A_634, %get3A_635, %get3A_636] : memref<16x8x8192xf32, #tpu.memory_space<vmem>>, vector<1x1x8192xf32>
    %get3A_638 = vector.shape_cast %get3A_637 : vector<1x1x8192xf32> to vector<8192xf32>
    %mul3A_639 = vector.broadcast %get3A_633 : f32 to vector<8192xf32>
    %mul3A_640 = arith.mulf %mul3A_639, %get3A_638 : vector<8192xf32>
    %sub3A_641 = arith.constant 1.000000e+00 : f32
    %sub3A_642 = vector.broadcast %sub3A_641 : f32 to vector<8192xf32>
    %sub3A_643 = arith.subf %sub3A_642, %mul3A_640 : vector<8192xf32>
    %mul3A_644 = arith.mulf %mul3A_630, %sub3A_643 : vector<8192xf32>
    %mul3A_645 = arith.mulf %add3A_533, %mul3A_644 : vector<8192xf32>
    %swap3A_646 = arith.constant 3 : index
    %swap3A_647 = arith.constant 0 : index
    %swap3A_648 = vector.load %arg5[%swap3A_646, %swap3A_647] : memref<16x8192xf32, #tpu.memory_space<vmem>>, vector<1x8192xf32>
    %swap3A_649 = vector.shape_cast %swap3A_648 : vector<1x8192xf32> to vector<8192xf32>
    %swap3A_650 = vector.shape_cast %mul3A_645 : vector<8192xf32> to vector<1x8192xf32>
    tpu.vector_store %arg5[%swap3A_646, %swap3A_647], %swap3A_650 {strides = array<i32>} : memref<16x8192xf32, #tpu.memory_space<vmem>>, vector<1x8192xf32>,
    %get3A_651 = arith.constant 4 : index
    %get3A_652 = arith.constant 0 : index
    %get3A_653 = vector.load %arg4[%get3A_651, %get3A_652] : memref<16x8192xf32, #tpu.memory_space<vmem>>, vector<1x8192xf32>
    %get3A_654 = vector.shape_cast %get3A_653 : vector<1x8192xf32> to vector<8192xf32>
    %get3A_655 = arith.constant 4 : index
    %get3A_656 = arith.constant 0 : index
    %get3A_657 = arith.constant 0 : index
    %get3A_658 = vector.load %arg2[%get3A_655, %get3A_656, %get3A_657] : memref<16x4x8192xf32, #tpu.memory_space<vmem>>, vector<1x1x8192xf32>
    %get3A_659 = vector.shape_cast %get3A_658 : vector<1x1x8192xf32> to vector<8192xf32>
    %sub3A_660 = arith.constant 1.000000e+00 : f32
    %sub3A_661 = vector.broadcast %sub3A_660 : f32 to vector<8192xf32>
    %sub3A_662 = arith.subf %sub3A_661, %get3A_659 : vector<8192xf32>
    %get3A_663 = arith.constant 4 : index
    %get3A_664 = arith.constant 1 : index
    %get3A_665 = arith.constant 0 : index
    %get3A_666 = vector.load %arg2[%get3A_663, %get3A_664, %get3A_665] : memref<16x4x8192xf32, #tpu.memory_space<vmem>>, vector<1x1x8192xf32>
    %get3A_667 = vector.shape_cast %get3A_666 : vector<1x1x8192xf32> to vector<8192xf32>
    %sub3A_668 = arith.constant 1.000000e+00 : f32
    %sub3A_669 = vector.broadcast %sub3A_668 : f32 to vector<8192xf32>
    %sub3A_670 = arith.subf %sub3A_669, %get3A_667 : vector<8192xf32>
    %mul3A_671 = arith.mulf %sub3A_662, %sub3A_670 : vector<8192xf32>
    %get3A_672 = arith.constant 4 : index
    %get3A_673 = arith.constant 2 : index
    %get3A_674 = arith.constant 0 : index
    %get3A_675 = vector.load %arg2[%get3A_672, %get3A_673, %get3A_674] : memref<16x4x8192xf32, #tpu.memory_space<vmem>>, vector<1x1x8192xf32>
    %get3A_676 = vector.shape_cast %get3A_675 : vector<1x1x8192xf32> to vector<8192xf32>
    %sub3A_677 = arith.constant 1.000000e+00 : f32
    %sub3A_678 = vector.broadcast %sub3A_677 : f32 to vector<8192xf32>
    %sub3A_679 = arith.subf %sub3A_678, %get3A_676 : vector<8192xf32>
    %mul3A_680 = arith.mulf %mul3A_671, %sub3A_679 : vector<8192xf32>
    %get3A_681 = arith.constant 4 : index
    %get3A_682 = arith.constant 3 : index
    %get3A_683 = arith.constant 0 : index
    %get3A_684 = vector.load %arg2[%get3A_681, %get3A_682, %get3A_683] : memref<16x4x8192xf32, #tpu.memory_space<vmem>>, vector<1x1x8192xf32>
    %get3A_685 = vector.shape_cast %get3A_684 : vector<1x1x8192xf32> to vector<8192xf32>
    %sub3A_686 = arith.constant 1.000000e+00 : f32
    %sub3A_687 = vector.broadcast %sub3A_686 : f32 to vector<8192xf32>
    %sub3A_688 = arith.subf %sub3A_687, %get3A_685 : vector<8192xf32>
    %mul3A_689 = arith.mulf %mul3A_680, %sub3A_688 : vector<8192xf32>
    %sub3A_690 = arith.constant 1.000000e+00 : f32
    %sub3A_691 = vector.broadcast %sub3A_690 : f32 to vector<8192xf32>
    %sub3A_692 = arith.subf %sub3A_691, %get3A_654 : vector<8192xf32>
    %sub3A_693 = arith.constant 1.000000e+00 : f32
    %sub3A_694 = vector.broadcast %sub3A_693 : f32 to vector<8192xf32>
    %sub3A_695 = arith.subf %sub3A_694, %mul3A_689 : vector<8192xf32>
    %mul3A_696 = arith.mulf %sub3A_692, %sub3A_695 : vector<8192xf32>
    %add3A_697 = arith.addf %get3A_654, %mul3A_696 : vector<8192xf32>
    %get3A_698 = arith.constant 4 : index
    %get3A_699 = arith.constant 0 : index
    %get3A_700 = memref.load %arg1[%get3A_698, %get3A_699] : memref<16x8xf32, #tpu.memory_space<smem>>
    %get3A_701 = arith.constant 4 : index
    %get3A_702 = arith.constant 0 : index
    %get3A_703 = arith.constant 0 : index
    %get3A_704 = vector.load %arg3[%get3A_701, %get3A_702, %get3A_703] : memref<16x8x8192xf32, #tpu.memory_space<vmem>>, vector<1x1x8192xf32>
    %get3A_705 = vector.shape_cast %get3A_704 : vector<1x1x8192xf32> to vector<8192xf32>
    %mul3A_706 = vector.broadcast %get3A_700 : f32 to vector<8192xf32>
    %mul3A_707 = arith.mulf %mul3A_706, %get3A_705 : vector<8192xf32>
    %sub3A_708 = arith.constant 1.000000e+00 : f32
    %sub3A_709 = vector.broadcast %sub3A_708 : f32 to vector<8192xf32>
    %sub3A_710 = arith.subf %sub3A_709, %mul3A_707 : vector<8192xf32>
    %get3A_711 = arith.constant 4 : index
    %get3A_712 = arith.constant 1 : index
    %get3A_713 = memref.load %arg1[%get3A_711, %get3A_712] : memref<16x8xf32, #tpu.memory_space<smem>>
    %get3A_714 = arith.constant 4 : index
    %get3A_715 = arith.constant 1 : index
    %get3A_716 = arith.constant 0 : index
    %get3A_717 = vector.load %arg3[%get3A_714, %get3A_715, %get3A_716] : memref<16x8x8192xf32, #tpu.memory_space<vmem>>, vector<1x1x8192xf32>
    %get3A_718 = vector.shape_cast %get3A_717 : vector<1x1x8192xf32> to vector<8192xf32>
    %mul3A_719 = vector.broadcast %get3A_713 : f32 to vector<8192xf32>
    %mul3A_720 = arith.mulf %mul3A_719, %get3A_718 : vector<8192xf32>
    %sub3A_721 = arith.constant 1.000000e+00 : f32
    %sub3A_722 = vector.broadcast %sub3A_721 : f32 to vector<8192xf32>
    %sub3A_723 = arith.subf %sub3A_722, %mul3A_720 : vector<8192xf32>
    %mul3A_724 = arith.mulf %sub3A_710, %sub3A_723 : vector<8192xf32>
    %get3A_725 = arith.constant 4 : index
    %get3A_726 = arith.constant 2 : index
    %get3A_727 = memref.load %arg1[%get3A_725, %get3A_726] : memref<16x8xf32, #tpu.memory_space<smem>>
    %get3A_728 = arith.constant 4 : index
    %get3A_729 = arith.constant 2 : index
    %get3A_730 = arith.constant 0 : index
    %get3A_731 = vector.load %arg3[%get3A_728, %get3A_729, %get3A_730] : memref<16x8x8192xf32, #tpu.memory_space<vmem>>, vector<1x1x8192xf32>
    %get3A_732 = vector.shape_cast %get3A_731 : vector<1x1x8192xf32> to vector<8192xf32>
    %mul3A_733 = vector.broadcast %get3A_727 : f32 to vector<8192xf32>
    %mul3A_734 = arith.mulf %mul3A_733, %get3A_732 : vector<8192xf32>
    %sub3A_735 = arith.constant 1.000000e+00 : f32
    %sub3A_736 = vector.broadcast %sub3A_735 : f32 to vector<8192xf32>
    %sub3A_737 = arith.subf %sub3A_736, %mul3A_734 : vector<8192xf32>
    %mul3A_738 = arith.mulf %mul3A_724, %sub3A_737 : vector<8192xf32>
    %get3A_739 = arith.constant 4 : index
    %get3A_740 = arith.constant 3 : index
    %get3A_741 = memref.load %arg1[%get3A_739, %get3A_740] : memref<16x8xf32, #tpu.memory_space<smem>>
    %get3A_742 = arith.constant 4 : index
    %get3A_743 = arith.constant 3 : index
    %get3A_744 = arith.constant 0 : index
    %get3A_745 = vector.load %arg3[%get3A_742, %get3A_743, %get3A_744] : memref<16x8x8192xf32, #tpu.memory_space<vmem>>, vector<1x1x8192xf32>
    %get3A_746 = vector.shape_cast %get3A_745 : vector<1x1x8192xf32> to vector<8192xf32>
    %mul3A_747 = vector.broadcast %get3A_741 : f32 to vector<8192xf32>
    %mul3A_748 = arith.mulf %mul3A_747, %get3A_746 : vector<8192xf32>
    %sub3A_749 = arith.constant 1.000000e+00 : f32
    %sub3A_750 = vector.broadcast %sub3A_749 : f32 to vector<8192xf32>
    %sub3A_751 = arith.subf %sub3A_750, %mul3A_748 : vector<8192xf32>
    %mul3A_752 = arith.mulf %mul3A_738, %sub3A_751 : vector<8192xf32>
    %get3A_753 = arith.constant 4 : index
    %get3A_754 = arith.constant 4 : index
    %get3A_755 = memref.load %arg1[%get3A_753, %get3A_754] : memref<16x8xf32, #tpu.memory_space<smem>>
    %get3A_756 = arith.constant 4 : index
    %get3A_757 = arith.constant 4 : index
    %get3A_758 = arith.constant 0 : index
    %get3A_759 = vector.load %arg3[%get3A_756, %get3A_757, %get3A_758] : memref<16x8x8192xf32, #tpu.memory_space<vmem>>, vector<1x1x8192xf32>
    %get3A_760 = vector.shape_cast %get3A_759 : vector<1x1x8192xf32> to vector<8192xf32>
    %mul3A_761 = vector.broadcast %get3A_755 : f32 to vector<8192xf32>
    %mul3A_762 = arith.mulf %mul3A_761, %get3A_760 : vector<8192xf32>
    %sub3A_763 = arith.constant 1.000000e+00 : f32
    %sub3A_764 = vector.broadcast %sub3A_763 : f32 to vector<8192xf32>
    %sub3A_765 = arith.subf %sub3A_764, %mul3A_762 : vector<8192xf32>
    %mul3A_766 = arith.mulf %mul3A_752, %sub3A_765 : vector<8192xf32>
    %get3A_767 = arith.constant 4 : index
    %get3A_768 = arith.constant 5 : index
    %get3A_769 = memref.load %arg1[%get3A_767, %get3A_768] : memref<16x8xf32, #tpu.memory_space<smem>>
    %get3A_770 = arith.constant 4 : index
    %get3A_771 = arith.constant 5 : index
    %get3A_772 = arith.constant 0 : index
    %get3A_773 = vector.load %arg3[%get3A_770, %get3A_771, %get3A_772] : memref<16x8x8192xf32, #tpu.memory_space<vmem>>, vector<1x1x8192xf32>
    %get3A_774 = vector.shape_cast %get3A_773 : vector<1x1x8192xf32> to vector<8192xf32>
    %mul3A_775 = vector.broadcast %get3A_769 : f32 to vector<8192xf32>
    %mul3A_776 = arith.mulf %mul3A_775, %get3A_774 : vector<8192xf32>
    %sub3A_777 = arith.constant 1.000000e+00 : f32
    %sub3A_778 = vector.broadcast %sub3A_777 : f32 to vector<8192xf32>
    %sub3A_779 = arith.subf %sub3A_778, %mul3A_776 : vector<8192xf32>
    %mul3A_780 = arith.mulf %mul3A_766, %sub3A_779 : vector<8192xf32>
    %get3A_781 = arith.constant 4 : index
    %get3A_782 = arith.constant 6 : index
    %get3A_783 = memref.load %arg1[%get3A_781, %get3A_782] : memref<16x8xf32, #tpu.memory_space<smem>>
    %get3A_784 = arith.constant 4 : index
    %get3A_785 = arith.constant 6 : index
    %get3A_786 = arith.constant 0 : index
    %get3A_787 = vector.load %arg3[%get3A_784, %get3A_785, %get3A_786] : memref<16x8x8192xf32, #tpu.memory_space<vmem>>, vector<1x1x8192xf32>
    %get3A_788 = vector.shape_cast %get3A_787 : vector<1x1x8192xf32> to vector<8192xf32>
    %mul3A_789 = vector.broadcast %get3A_783 : f32 to vector<8192xf32>
    %mul3A_790 = arith.mulf %mul3A_789, %get3A_788 : vector<8192xf32>
    %sub3A_791 = arith.constant 1.000000e+00 : f32
    %sub3A_792 = vector.broadcast %sub3A_791 : f32 to vector<8192xf32>
    %sub3A_793 = arith.subf %sub3A_792, %mul3A_790 : vector<8192xf32>
    %mul3A_794 = arith.mulf %mul3A_780, %sub3A_793 : vector<8192xf32>
    %get3A_795 = arith.constant 4 : index
    %get3A_796 = arith.constant 7 : index
    %get3A_797 = memref.load %arg1[%get3A_795, %get3A_796] : memref<16x8xf32, #tpu.memory_space<smem>>
    %get3A_798 = arith.constant 4 : index
    %get3A_799 = arith.constant 7 : index
    %get3A_800 = arith.constant 0 : index
    %get3A_801 = vector.load %arg3[%get3A_798, %get3A_799, %get3A_800] : memref<16x8x8192xf32, #tpu.memory_space<vmem>>, vector<1x1x8192xf32>
    %get3A_802 = vector.shape_cast %get3A_801 : vector<1x1x8192xf32> to vector<8192xf32>
    %mul3A_803 = vector.broadcast %get3A_797 : f32 to vector<8192xf32>
    %mul3A_804 = arith.mulf %mul3A_803, %get3A_802 : vector<8192xf32>
    %sub3A_805 = arith.constant 1.000000e+00 : f32
    %sub3A_806 = vector.broadcast %sub3A_805 : f32 to vector<8192xf32>
    %sub3A_807 = arith.subf %sub3A_806, %mul3A_804 : vector<8192xf32>
    %mul3A_808 = arith.mulf %mul3A_794, %sub3A_807 : vector<8192xf32>
    %mul3A_809 = arith.mulf %add3A_697, %mul3A_808 : vector<8192xf32>
    %swap3A_810 = arith.constant 4 : index
    %swap3A_811 = arith.constant 0 : index
    %swap3A_812 = vector.load %arg5[%swap3A_810, %swap3A_811] : memref<16x8192xf32, #tpu.memory_space<vmem>>, vector<1x8192xf32>
    %swap3A_813 = vector.shape_cast %swap3A_812 : vector<1x8192xf32> to vector<8192xf32>
    %swap3A_814 = vector.shape_cast %mul3A_809 : vector<8192xf32> to vector<1x8192xf32>
    tpu.vector_store %arg5[%swap3A_810, %swap3A_811], %swap3A_814 {strides = array<i32>} : memref<16x8192xf32, #tpu.memory_space<vmem>>, vector<1x8192xf32>,
    %get3A_815 = arith.constant 5 : index
    %get3A_816 = arith.constant 0 : index
    %get3A_817 = vector.load %arg4[%get3A_815, %get3A_816] : memref<16x8192xf32, #tpu.memory_space<vmem>>, vector<1x8192xf32>
    %get3A_818 = vector.shape_cast %get3A_817 : vector<1x8192xf32> to vector<8192xf32>
    %get3A_819 = arith.constant 5 : index
    %get3A_820 = arith.constant 0 : index
    %get3A_821 = arith.constant 0 : index
    %get3A_822 = vector.load %arg2[%get3A_819, %get3A_820, %get3A_821] : memref<16x4x8192xf32, #tpu.memory_space<vmem>>, vector<1x1x8192xf32>
    %get3A_823 = vector.shape_cast %get3A_822 : vector<1x1x8192xf32> to vector<8192xf32>
    %sub3A_824 = arith.constant 1.000000e+00 : f32
    %sub3A_825 = vector.broadcast %sub3A_824 : f32 to vector<8192xf32>
    %sub3A_826 = arith.subf %sub3A_825, %get3A_823 : vector<8192xf32>
    %get3A_827 = arith.constant 5 : index
    %get3A_828 = arith.constant 1 : index
    %get3A_829 = arith.constant 0 : index
    %get3A_830 = vector.load %arg2[%get3A_827, %get3A_828, %get3A_829] : memref<16x4x8192xf32, #tpu.memory_space<vmem>>, vector<1x1x8192xf32>
    %get3A_831 = vector.shape_cast %get3A_830 : vector<1x1x8192xf32> to vector<8192xf32>
    %sub3A_832 = arith.constant 1.000000e+00 : f32
    %sub3A_833 = vector.broadcast %sub3A_832 : f32 to vector<8192xf32>
    %sub3A_834 = arith.subf %sub3A_833, %get3A_831 : vector<8192xf32>
    %mul3A_835 = arith.mulf %sub3A_826, %sub3A_834 : vector<8192xf32>
    %get3A_836 = arith.constant 5 : index
    %get3A_837 = arith.constant 2 : index
    %get3A_838 = arith.constant 0 : index
    %get3A_839 = vector.load %arg2[%get3A_836, %get3A_837, %get3A_838] : memref<16x4x8192xf32, #tpu.memory_space<vmem>>, vector<1x1x8192xf32>
    %get3A_840 = vector.shape_cast %get3A_839 : vector<1x1x8192xf32> to vector<8192xf32>
    %sub3A_841 = arith.constant 1.000000e+00 : f32
    %sub3A_842 = vector.broadcast %sub3A_841 : f32 to vector<8192xf32>
    %sub3A_843 = arith.subf %sub3A_842, %get3A_840 : vector<8192xf32>
    %mul3A_844 = arith.mulf %mul3A_835, %sub3A_843 : vector<8192xf32>
    %get3A_845 = arith.constant 5 : index
    %get3A_846 = arith.constant 3 : index
    %get3A_847 = arith.constant 0 : index
    %get3A_848 = vector.load %arg2[%get3A_845, %get3A_846, %get3A_847] : memref<16x4x8192xf32, #tpu.memory_space<vmem>>, vector<1x1x8192xf32>
    %get3A_849 = vector.shape_cast %get3A_848 : vector<1x1x8192xf32> to vector<8192xf32>
    %sub3A_850 = arith.constant 1.000000e+00 : f32
    %sub3A_851 = vector.broadcast %sub3A_850 : f32 to vector<8192xf32>
    %sub3A_852 = arith.subf %sub3A_851, %get3A_849 : vector<8192xf32>
    %mul3A_853 = arith.mulf %mul3A_844, %sub3A_852 : vector<8192xf32>
    %sub3A_854 = arith.constant 1.000000e+00 : f32
    %sub3A_855 = vector.broadcast %sub3A_854 : f32 to vector<8192xf32>
    %sub3A_856 = arith.subf %sub3A_855, %get3A_818 : vector<8192xf32>
    %sub3A_857 = arith.constant 1.000000e+00 : f32
    %sub3A_858 = vector.broadcast %sub3A_857 : f32 to vector<8192xf32>
    %sub3A_859 = arith.subf %sub3A_858, %mul3A_853 : vector<8192xf32>
    %mul3A_860 = arith.mulf %sub3A_856, %sub3A_859 : vector<8192xf32>
    %add3A_861 = arith.addf %get3A_818, %mul3A_860 : vector<8192xf32>
    %get3A_862 = arith.constant 5 : index
    %get3A_863 = arith.constant 0 : index
    %get3A_864 = memref.load %arg1[%get3A_862, %get3A_863] : memref<16x8xf32, #tpu.memory_space<smem>>
    %get3A_865 = arith.constant 5 : index
    %get3A_866 = arith.constant 0 : index
    %get3A_867 = arith.constant 0 : index
    %get3A_868 = vector.load %arg3[%get3A_865, %get3A_866, %get3A_867] : memref<16x8x8192xf32, #tpu.memory_space<vmem>>, vector<1x1x8192xf32>
    %get3A_869 = vector.shape_cast %get3A_868 : vector<1x1x8192xf32> to vector<8192xf32>
    %mul3A_870 = vector.broadcast %get3A_864 : f32 to vector<8192xf32>
    %mul3A_871 = arith.mulf %mul3A_870, %get3A_869 : vector<8192xf32>
    %sub3A_872 = arith.constant 1.000000e+00 : f32
    %sub3A_873 = vector.broadcast %sub3A_872 : f32 to vector<8192xf32>
    %sub3A_874 = arith.subf %sub3A_873, %mul3A_871 : vector<8192xf32>
    %get3A_875 = arith.constant 5 : index
    %get3A_876 = arith.constant 1 : index
    %get3A_877 = memref.load %arg1[%get3A_875, %get3A_876] : memref<16x8xf32, #tpu.memory_space<smem>>
    %get3A_878 = arith.constant 5 : index
    %get3A_879 = arith.constant 1 : index
    %get3A_880 = arith.constant 0 : index
    %get3A_881 = vector.load %arg3[%get3A_878, %get3A_879, %get3A_880] : memref<16x8x8192xf32, #tpu.memory_space<vmem>>, vector<1x1x8192xf32>
    %get3A_882 = vector.shape_cast %get3A_881 : vector<1x1x8192xf32> to vector<8192xf32>
    %mul3A_883 = vector.broadcast %get3A_877 : f32 to vector<8192xf32>
    %mul3A_884 = arith.mulf %mul3A_883, %get3A_882 : vector<8192xf32>
    %sub3A_885 = arith.constant 1.000000e+00 : f32
    %sub3A_886 = vector.broadcast %sub3A_885 : f32 to vector<8192xf32>
    %sub3A_887 = arith.subf %sub3A_886, %mul3A_884 : vector<8192xf32>
    %mul3A_888 = arith.mulf %sub3A_874, %sub3A_887 : vector<8192xf32>
    %get3A_889 = arith.constant 5 : index
    %get3A_890 = arith.constant 2 : index
    %get3A_891 = memref.load %arg1[%get3A_889, %get3A_890] : memref<16x8xf32, #tpu.memory_space<smem>>
    %get3A_892 = arith.constant 5 : index
    %get3A_893 = arith.constant 2 : index
    %get3A_894 = arith.constant 0 : index
    %get3A_895 = vector.load %arg3[%get3A_892, %get3A_893, %get3A_894] : memref<16x8x8192xf32, #tpu.memory_space<vmem>>, vector<1x1x8192xf32>
    %get3A_896 = vector.shape_cast %get3A_895 : vector<1x1x8192xf32> to vector<8192xf32>
    %mul3A_897 = vector.broadcast %get3A_891 : f32 to vector<8192xf32>
    %mul3A_898 = arith.mulf %mul3A_897, %get3A_896 : vector<8192xf32>
    %sub3A_899 = arith.constant 1.000000e+00 : f32
    %sub3A_900 = vector.broadcast %sub3A_899 : f32 to vector<8192xf32>
    %sub3A_901 = arith.subf %sub3A_900, %mul3A_898 : vector<8192xf32>
    %mul3A_902 = arith.mulf %mul3A_888, %sub3A_901 : vector<8192xf32>
    %get3A_903 = arith.constant 5 : index
    %get3A_904 = arith.constant 3 : index
    %get3A_905 = memref.load %arg1[%get3A_903, %get3A_904] : memref<16x8xf32, #tpu.memory_space<smem>>
    %get3A_906 = arith.constant 5 : index
    %get3A_907 = arith.constant 3 : index
    %get3A_908 = arith.constant 0 : index
    %get3A_909 = vector.load %arg3[%get3A_906, %get3A_907, %get3A_908] : memref<16x8x8192xf32, #tpu.memory_space<vmem>>, vector<1x1x8192xf32>
    %get3A_910 = vector.shape_cast %get3A_909 : vector<1x1x8192xf32> to vector<8192xf32>
    %mul3A_911 = vector.broadcast %get3A_905 : f32 to vector<8192xf32>
    %mul3A_912 = arith.mulf %mul3A_911, %get3A_910 : vector<8192xf32>
    %sub3A_913 = arith.constant 1.000000e+00 : f32
    %sub3A_914 = vector.broadcast %sub3A_913 : f32 to vector<8192xf32>
    %sub3A_915 = arith.subf %sub3A_914, %mul3A_912 : vector<8192xf32>
    %mul3A_916 = arith.mulf %mul3A_902, %sub3A_915 : vector<8192xf32>
    %get3A_917 = arith.constant 5 : index
    %get3A_918 = arith.constant 4 : index
    %get3A_919 = memref.load %arg1[%get3A_917, %get3A_918] : memref<16x8xf32, #tpu.memory_space<smem>>
    %get3A_920 = arith.constant 5 : index
    %get3A_921 = arith.constant 4 : index
    %get3A_922 = arith.constant 0 : index
    %get3A_923 = vector.load %arg3[%get3A_920, %get3A_921, %get3A_922] : memref<16x8x8192xf32, #tpu.memory_space<vmem>>, vector<1x1x8192xf32>
    %get3A_924 = vector.shape_cast %get3A_923 : vector<1x1x8192xf32> to vector<8192xf32>
    %mul3A_925 = vector.broadcast %get3A_919 : f32 to vector<8192xf32>
    %mul3A_926 = arith.mulf %mul3A_925, %get3A_924 : vector<8192xf32>
    %sub3A_927 = arith.constant 1.000000e+00 : f32
    %sub3A_928 = vector.broadcast %sub3A_927 : f32 to vector<8192xf32>
    %sub3A_929 = arith.subf %sub3A_928, %mul3A_926 : vector<8192xf32>
    %mul3A_930 = arith.mulf %mul3A_916, %sub3A_929 : vector<8192xf32>
    %get3A_931 = arith.constant 5 : index
    %get3A_932 = arith.constant 5 : index
    %get3A_933 = memref.load %arg1[%get3A_931, %get3A_932] : memref<16x8xf32, #tpu.memory_space<smem>>
    %get3A_934 = arith.constant 5 : index
    %get3A_935 = arith.constant 5 : index
    %get3A_936 = arith.constant 0 : index
    %get3A_937 = vector.load %arg3[%get3A_934, %get3A_935, %get3A_936] : memref<16x8x8192xf32, #tpu.memory_space<vmem>>, vector<1x1x8192xf32>
    %get3A_938 = vector.shape_cast %get3A_937 : vector<1x1x8192xf32> to vector<8192xf32>
    %mul3A_939 = vector.broadcast %get3A_933 : f32 to vector<8192xf32>
    %mul3A_940 = arith.mulf %mul3A_939, %get3A_938 : vector<8192xf32>
    %sub3A_941 = arith.constant 1.000000e+00 : f32
    %sub3A_942 = vector.broadcast %sub3A_941 : f32 to vector<8192xf32>
    %sub3A_943 = arith.subf %sub3A_942, %mul3A_940 : vector<8192xf32>
    %mul3A_944 = arith.mulf %mul3A_930, %sub3A_943 : vector<8192xf32>
    %get3A_945 = arith.constant 5 : index
    %get3A_946 = arith.constant 6 : index
    %get3A_947 = memref.load %arg1[%get3A_945, %get3A_946] : memref<16x8xf32, #tpu.memory_space<smem>>
    %get3A_948 = arith.constant 5 : index
    %get3A_949 = arith.constant 6 : index
    %get3A_950 = arith.constant 0 : index
    %get3A_951 = vector.load %arg3[%get3A_948, %get3A_949, %get3A_950] : memref<16x8x8192xf32, #tpu.memory_space<vmem>>, vector<1x1x8192xf32>
    %get3A_952 = vector.shape_cast %get3A_951 : vector<1x1x8192xf32> to vector<8192xf32>
    %mul3A_953 = vector.broadcast %get3A_947 : f32 to vector<8192xf32>
    %mul3A_954 = arith.mulf %mul3A_953, %get3A_952 : vector<8192xf32>
    %sub3A_955 = arith.constant 1.000000e+00 : f32
    %sub3A_956 = vector.broadcast %sub3A_955 : f32 to vector<8192xf32>
    %sub3A_957 = arith.subf %sub3A_956, %mul3A_954 : vector<8192xf32>
    %mul3A_958 = arith.mulf %mul3A_944, %sub3A_957 : vector<8192xf32>
    %get3A_959 = arith.constant 5 : index
    %get3A_960 = arith.constant 7 : index
    %get3A_961 = memref.load %arg1[%get3A_959, %get3A_960] : memref<16x8xf32, #tpu.memory_space<smem>>
    %get3A_962 = arith.constant 5 : index
    %get3A_963 = arith.constant 7 : index
    %get3A_964 = arith.constant 0 : index
    %get3A_965 = vector.load %arg3[%get3A_962, %get3A_963, %get3A_964] : memref<16x8x8192xf32, #tpu.memory_space<vmem>>, vector<1x1x8192xf32>
    %get3A_966 = vector.shape_cast %get3A_965 : vector<1x1x8192xf32> to vector<8192xf32>
    %mul3A_967 = vector.broadcast %get3A_961 : f32 to vector<8192xf32>
    %mul3A_968 = arith.mulf %mul3A_967, %get3A_966 : vector<8192xf32>
    %sub3A_969 = arith.constant 1.000000e+00 : f32
    %sub3A_970 = vector.broadcast %sub3A_969 : f32 to vector<8192xf32>
    %sub3A_971 = arith.subf %sub3A_970, %mul3A_968 : vector<8192xf32>
    %mul3A_972 = arith.mulf %mul3A_958, %sub3A_971 : vector<8192xf32>
    %mul3A_973 = arith.mulf %add3A_861, %mul3A_972 : vector<8192xf32>
    %swap3A_974 = arith.constant 5 : index
    %swap3A_975 = arith.constant 0 : index
    %swap3A_976 = vector.load %arg5[%swap3A_974, %swap3A_975] : memref<16x8192xf32, #tpu.memory_space<vmem>>, vector<1x8192xf32>
    %swap3A_977 = vector.shape_cast %swap3A_976 : vector<1x8192xf32> to vector<8192xf32>
    %swap3A_978 = vector.shape_cast %mul3A_973 : vector<8192xf32> to vector<1x8192xf32>
    tpu.vector_store %arg5[%swap3A_974, %swap3A_975], %swap3A_978 {strides = array<i32>} : memref<16x8192xf32, #tpu.memory_space<vmem>>, vector<1x8192xf32>,
    %get3A_979 = arith.constant 6 : index
    %get3A_980 = arith.constant 0 : index
    %get3A_981 = vector.load %arg4[%get3A_979, %get3A_980] : memref<16x8192xf32, #tpu.memory_space<vmem>>, vector<1x8192xf32>
    %get3A_982 = vector.shape_cast %get3A_981 : vector<1x8192xf32> to vector<8192xf32>
    %get3A_983 = arith.constant 6 : index
    %get3A_984 = arith.constant 0 : index
    %get3A_985 = arith.constant 0 : index
    %get3A_986 = vector.load %arg2[%get3A_983, %get3A_984, %get3A_985] : memref<16x4x8192xf32, #tpu.memory_space<vmem>>, vector<1x1x8192xf32>
    %get3A_987 = vector.shape_cast %get3A_986 : vector<1x1x8192xf32> to vector<8192xf32>
    %sub3A_988 = arith.constant 1.000000e+00 : f32
    %sub3A_989 = vector.broadcast %sub3A_988 : f32 to vector<8192xf32>
    %sub3A_990 = arith.subf %sub3A_989, %get3A_987 : vector<8192xf32>
    %get3A_991 = arith.constant 6 : index
    %get3A_992 = arith.constant 1 : index
    %get3A_993 = arith.constant 0 : index
    %get3A_994 = vector.load %arg2[%get3A_991, %get3A_992, %get3A_993] : memref<16x4x8192xf32, #tpu.memory_space<vmem>>, vector<1x1x8192xf32>
    %get3A_995 = vector.shape_cast %get3A_994 : vector<1x1x8192xf32> to vector<8192xf32>
    %sub3A_996 = arith.constant 1.000000e+00 : f32
    %sub3A_997 = vector.broadcast %sub3A_996 : f32 to vector<8192xf32>
    %sub3A_998 = arith.subf %sub3A_997, %get3A_995 : vector<8192xf32>
    %mul3A_999 = arith.mulf %sub3A_990, %sub3A_998 : vector<8192xf32>
    %get3A_1000 = arith.constant 6 : index
    %get3A_1001 = arith.constant 2 : index
    %get3A_1002 = arith.constant 0 : index
    %get3A_1003 = vector.load %arg2[%get3A_1000, %get3A_1001, %get3A_1002] : memref<16x4x8192xf32, #tpu.memory_space<vmem>>, vector<1x1x8192xf32>
    %get3A_1004 = vector.shape_cast %get3A_1003 : vector<1x1x8192xf32> to vector<8192xf32>
    %sub3A_1005 = arith.constant 1.000000e+00 : f32
    %sub3A_1006 = vector.broadcast %sub3A_1005 : f32 to vector<8192xf32>
    %sub3A_1007 = arith.subf %sub3A_1006, %get3A_1004 : vector<8192xf32>
    %mul3A_1008 = arith.mulf %mul3A_999, %sub3A_1007 : vector<8192xf32>
    %get3A_1009 = arith.constant 6 : index
    %get3A_1010 = arith.constant 3 : index
    %get3A_1011 = arith.constant 0 : index
    %get3A_1012 = vector.load %arg2[%get3A_1009, %get3A_1010, %get3A_1011] : memref<16x4x8192xf32, #tpu.memory_space<vmem>>, vector<1x1x8192xf32>
    %get3A_1013 = vector.shape_cast %get3A_1012 : vector<1x1x8192xf32> to vector<8192xf32>
    %sub3A_1014 = arith.constant 1.000000e+00 : f32
    %sub3A_1015 = vector.broadcast %sub3A_1014 : f32 to vector<8192xf32>
    %sub3A_1016 = arith.subf %sub3A_1015, %get3A_1013 : vector<8192xf32>
    %mul3A_1017 = arith.mulf %mul3A_1008, %sub3A_1016 : vector<8192xf32>
    %sub3A_1018 = arith.constant 1.000000e+00 : f32
    %sub3A_1019 = vector.broadcast %sub3A_1018 : f32 to vector<8192xf32>
    %sub3A_1020 = arith.subf %sub3A_1019, %get3A_982 : vector<8192xf32>
    %sub3A_1021 = arith.constant 1.000000e+00 : f32
    %sub3A_1022 = vector.broadcast %sub3A_1021 : f32 to vector<8192xf32>
    %sub3A_1023 = arith.subf %sub3A_1022, %mul3A_1017 : vector<8192xf32>
    %mul3A_1024 = arith.mulf %sub3A_1020, %sub3A_1023 : vector<8192xf32>
    %add3A_1025 = arith.addf %get3A_982, %mul3A_1024 : vector<8192xf32>
    %get3A_1026 = arith.constant 6 : index
    %get3A_1027 = arith.constant 0 : index
    %get3A_1028 = memref.load %arg1[%get3A_1026, %get3A_1027] : memref<16x8xf32, #tpu.memory_space<smem>>
    %get3A_1029 = arith.constant 6 : index
    %get3A_1030 = arith.constant 0 : index
    %get3A_1031 = arith.constant 0 : index
    %get3A_1032 = vector.load %arg3[%get3A_1029, %get3A_1030, %get3A_1031] : memref<16x8x8192xf32, #tpu.memory_space<vmem>>, vector<1x1x8192xf32>
    %get3A_1033 = vector.shape_cast %get3A_1032 : vector<1x1x8192xf32> to vector<8192xf32>
    %mul3A_1034 = vector.broadcast %get3A_1028 : f32 to vector<8192xf32>
    %mul3A_1035 = arith.mulf %mul3A_1034, %get3A_1033 : vector<8192xf32>
    %sub3A_1036 = arith.constant 1.000000e+00 : f32
    %sub3A_1037 = vector.broadcast %sub3A_1036 : f32 to vector<8192xf32>
    %sub3A_1038 = arith.subf %sub3A_1037, %mul3A_1035 : vector<8192xf32>
    %get3A_1039 = arith.constant 6 : index
    %get3A_1040 = arith.constant 1 : index
    %get3A_1041 = memref.load %arg1[%get3A_1039, %get3A_1040] : memref<16x8xf32, #tpu.memory_space<smem>>
    %get3A_1042 = arith.constant 6 : index
    %get3A_1043 = arith.constant 1 : index
    %get3A_1044 = arith.constant 0 : index
    %get3A_1045 = vector.load %arg3[%get3A_1042, %get3A_1043, %get3A_1044] : memref<16x8x8192xf32, #tpu.memory_space<vmem>>, vector<1x1x8192xf32>
    %get3A_1046 = vector.shape_cast %get3A_1045 : vector<1x1x8192xf32> to vector<8192xf32>
    %mul3A_1047 = vector.broadcast %get3A_1041 : f32 to vector<8192xf32>
    %mul3A_1048 = arith.mulf %mul3A_1047, %get3A_1046 : vector<8192xf32>
    %sub3A_1049 = arith.constant 1.000000e+00 : f32
    %sub3A_1050 = vector.broadcast %sub3A_1049 : f32 to vector<8192xf32>
    %sub3A_1051 = arith.subf %sub3A_1050, %mul3A_1048 : vector<8192xf32>
    %mul3A_1052 = arith.mulf %sub3A_1038, %sub3A_1051 : vector<8192xf32>
    %get3A_1053 = arith.constant 6 : index
    %get3A_1054 = arith.constant 2 : index
    %get3A_1055 = memref.load %arg1[%get3A_1053, %get3A_1054] : memref<16x8xf32, #tpu.memory_space<smem>>
    %get3A_1056 = arith.constant 6 : index
    %get3A_1057 = arith.constant 2 : index
    %get3A_1058 = arith.constant 0 : index
    %get3A_1059 = vector.load %arg3[%get3A_1056, %get3A_1057, %get3A_1058] : memref<16x8x8192xf32, #tpu.memory_space<vmem>>, vector<1x1x8192xf32>
    %get3A_1060 = vector.shape_cast %get3A_1059 : vector<1x1x8192xf32> to vector<8192xf32>
    %mul3A_1061 = vector.broadcast %get3A_1055 : f32 to vector<8192xf32>
    %mul3A_1062 = arith.mulf %mul3A_1061, %get3A_1060 : vector<8192xf32>
    %sub3A_1063 = arith.constant 1.000000e+00 : f32
    %sub3A_1064 = vector.broadcast %sub3A_1063 : f32 to vector<8192xf32>
    %sub3A_1065 = arith.subf %sub3A_1064, %mul3A_1062 : vector<8192xf32>
    %mul3A_1066 = arith.mulf %mul3A_1052, %sub3A_1065 : vector<8192xf32>
    %get3A_1067 = arith.constant 6 : index
    %get3A_1068 = arith.constant 3 : index
    %get3A_1069 = memref.load %arg1[%get3A_1067, %get3A_1068] : memref<16x8xf32, #tpu.memory_space<smem>>
    %get3A_1070 = arith.constant 6 : index
    %get3A_1071 = arith.constant 3 : index
    %get3A_1072 = arith.constant 0 : index
    %get3A_1073 = vector.load %arg3[%get3A_1070, %get3A_1071, %get3A_1072] : memref<16x8x8192xf32, #tpu.memory_space<vmem>>, vector<1x1x8192xf32>
    %get3A_1074 = vector.shape_cast %get3A_1073 : vector<1x1x8192xf32> to vector<8192xf32>
    %mul3A_1075 = vector.broadcast %get3A_1069 : f32 to vector<8192xf32>
    %mul3A_1076 = arith.mulf %mul3A_1075, %get3A_1074 : vector<8192xf32>
    %sub3A_1077 = arith.constant 1.000000e+00 : f32
    %sub3A_1078 = vector.broadcast %sub3A_1077 : f32 to vector<8192xf32>
    %sub3A_1079 = arith.subf %sub3A_1078, %mul3A_1076 : vector<8192xf32>
    %mul3A_1080 = arith.mulf %mul3A_1066, %sub3A_1079 : vector<8192xf32>
    %get3A_1081 = arith.constant 6 : index
    %get3A_1082 = arith.constant 4 : index
    %get3A_1083 = memref.load %arg1[%get3A_1081, %get3A_1082] : memref<16x8xf32, #tpu.memory_space<smem>>
    %get3A_1084 = arith.constant 6 : index
    %get3A_1085 = arith.constant 4 : index
    %get3A_1086 = arith.constant 0 : index
    %get3A_1087 = vector.load %arg3[%get3A_1084, %get3A_1085, %get3A_1086] : memref<16x8x8192xf32, #tpu.memory_space<vmem>>, vector<1x1x8192xf32>
    %get3A_1088 = vector.shape_cast %get3A_1087 : vector<1x1x8192xf32> to vector<8192xf32>
    %mul3A_1089 = vector.broadcast %get3A_1083 : f32 to vector<8192xf32>
    %mul3A_1090 = arith.mulf %mul3A_1089, %get3A_1088 : vector<8192xf32>
    %sub3A_1091 = arith.constant 1.000000e+00 : f32
    %sub3A_1092 = vector.broadcast %sub3A_1091 : f32 to vector<8192xf32>
    %sub3A_1093 = arith.subf %sub3A_1092, %mul3A_1090 : vector<8192xf32>
    %mul3A_1094 = arith.mulf %mul3A_1080, %sub3A_1093 : vector<8192xf32>
    %get3A_1095 = arith.constant 6 : index
    %get3A_1096 = arith.constant 5 : index
    %get3A_1097 = memref.load %arg1[%get3A_1095, %get3A_1096] : memref<16x8xf32, #tpu.memory_space<smem>>
    %get3A_1098 = arith.constant 6 : index
    %get3A_1099 = arith.constant 5 : index
    %get3A_1100 = arith.constant 0 : index
    %get3A_1101 = vector.load %arg3[%get3A_1098, %get3A_1099, %get3A_1100] : memref<16x8x8192xf32, #tpu.memory_space<vmem>>, vector<1x1x8192xf32>
    %get3A_1102 = vector.shape_cast %get3A_1101 : vector<1x1x8192xf32> to vector<8192xf32>
    %mul3A_1103 = vector.broadcast %get3A_1097 : f32 to vector<8192xf32>
    %mul3A_1104 = arith.mulf %mul3A_1103, %get3A_1102 : vector<8192xf32>
    %sub3A_1105 = arith.constant 1.000000e+00 : f32
    %sub3A_1106 = vector.broadcast %sub3A_1105 : f32 to vector<8192xf32>
    %sub3A_1107 = arith.subf %sub3A_1106, %mul3A_1104 : vector<8192xf32>
    %mul3A_1108 = arith.mulf %mul3A_1094, %sub3A_1107 : vector<8192xf32>
    %get3A_1109 = arith.constant 6 : index
    %get3A_1110 = arith.constant 6 : index
    %get3A_1111 = memref.load %arg1[%get3A_1109, %get3A_1110] : memref<16x8xf32, #tpu.memory_space<smem>>
    %get3A_1112 = arith.constant 6 : index
    %get3A_1113 = arith.constant 6 : index
    %get3A_1114 = arith.constant 0 : index
    %get3A_1115 = vector.load %arg3[%get3A_1112, %get3A_1113, %get3A_1114] : memref<16x8x8192xf32, #tpu.memory_space<vmem>>, vector<1x1x8192xf32>
    %get3A_1116 = vector.shape_cast %get3A_1115 : vector<1x1x8192xf32> to vector<8192xf32>
    %mul3A_1117 = vector.broadcast %get3A_1111 : f32 to vector<8192xf32>
    %mul3A_1118 = arith.mulf %mul3A_1117, %get3A_1116 : vector<8192xf32>
    %sub3A_1119 = arith.constant 1.000000e+00 : f32
    %sub3A_1120 = vector.broadcast %sub3A_1119 : f32 to vector<8192xf32>
    %sub3A_1121 = arith.subf %sub3A_1120, %mul3A_1118 : vector<8192xf32>
    %mul3A_1122 = arith.mulf %mul3A_1108, %sub3A_1121 : vector<8192xf32>
    %get3A_1123 = arith.constant 6 : index
    %get3A_1124 = arith.constant 7 : index
    %get3A_1125 = memref.load %arg1[%get3A_1123, %get3A_1124] : memref<16x8xf32, #tpu.memory_space<smem>>
    %get3A_1126 = arith.constant 6 : index
    %get3A_1127 = arith.constant 7 : index
    %get3A_1128 = arith.constant 0 : index
    %get3A_1129 = vector.load %arg3[%get3A_1126, %get3A_1127, %get3A_1128] : memref<16x8x8192xf32, #tpu.memory_space<vmem>>, vector<1x1x8192xf32>
    %get3A_1130 = vector.shape_cast %get3A_1129 : vector<1x1x8192xf32> to vector<8192xf32>
    %mul3A_1131 = vector.broadcast %get3A_1125 : f32 to vector<8192xf32>
    %mul3A_1132 = arith.mulf %mul3A_1131, %get3A_1130 : vector<8192xf32>
    %sub3A_1133 = arith.constant 1.000000e+00 : f32
    %sub3A_1134 = vector.broadcast %sub3A_1133 : f32 to vector<8192xf32>
    %sub3A_1135 = arith.subf %sub3A_1134, %mul3A_1132 : vector<8192xf32>
    %mul3A_1136 = arith.mulf %mul3A_1122, %sub3A_1135 : vector<8192xf32>
    %mul3A_1137 = arith.mulf %add3A_1025, %mul3A_1136 : vector<8192xf32>
    %swap3A_1138 = arith.constant 6 : index
    %swap3A_1139 = arith.constant 0 : index
    %swap3A_1140 = vector.load %arg5[%swap3A_1138, %swap3A_1139] : memref<16x8192xf32, #tpu.memory_space<vmem>>, vector<1x8192xf32>
    %swap3A_1141 = vector.shape_cast %swap3A_1140 : vector<1x8192xf32> to vector<8192xf32>
    %swap3A_1142 = vector.shape_cast %mul3A_1137 : vector<8192xf32> to vector<1x8192xf32>
    tpu.vector_store %arg5[%swap3A_1138, %swap3A_1139], %swap3A_1142 {strides = array<i32>} : memref<16x8192xf32, #tpu.memory_space<vmem>>, vector<1x8192xf32>,
    %get3A_1143 = arith.constant 7 : index
    %get3A_1144 = arith.constant 0 : index
    %get3A_1145 = vector.load %arg4[%get3A_1143, %get3A_1144] : memref<16x8192xf32, #tpu.memory_space<vmem>>, vector<1x8192xf32>
    %get3A_1146 = vector.shape_cast %get3A_1145 : vector<1x8192xf32> to vector<8192xf32>
    %get3A_1147 = arith.constant 7 : index
    %get3A_1148 = arith.constant 0 : index
    %get3A_1149 = arith.constant 0 : index
    %get3A_1150 = vector.load %arg2[%get3A_1147, %get3A_1148, %get3A_1149] : memref<16x4x8192xf32, #tpu.memory_space<vmem>>, vector<1x1x8192xf32>
    %get3A_1151 = vector.shape_cast %get3A_1150 : vector<1x1x8192xf32> to vector<8192xf32>
    %sub3A_1152 = arith.constant 1.000000e+00 : f32
    %sub3A_1153 = vector.broadcast %sub3A_1152 : f32 to vector<8192xf32>
    %sub3A_1154 = arith.subf %sub3A_1153, %get3A_1151 : vector<8192xf32>
    %get3A_1155 = arith.constant 7 : index
    %get3A_1156 = arith.constant 1 : index
    %get3A_1157 = arith.constant 0 : index
    %get3A_1158 = vector.load %arg2[%get3A_1155, %get3A_1156, %get3A_1157] : memref<16x4x8192xf32, #tpu.memory_space<vmem>>, vector<1x1x8192xf32>
    %get3A_1159 = vector.shape_cast %get3A_1158 : vector<1x1x8192xf32> to vector<8192xf32>
    %sub3A_1160 = arith.constant 1.000000e+00 : f32
    %sub3A_1161 = vector.broadcast %sub3A_1160 : f32 to vector<8192xf32>
    %sub3A_1162 = arith.subf %sub3A_1161, %get3A_1159 : vector<8192xf32>
    %mul3A_1163 = arith.mulf %sub3A_1154, %sub3A_1162 : vector<8192xf32>
    %get3A_1164 = arith.constant 7 : index
    %get3A_1165 = arith.constant 2 : index
    %get3A_1166 = arith.constant 0 : index
    %get3A_1167 = vector.load %arg2[%get3A_1164, %get3A_1165, %get3A_1166] : memref<16x4x8192xf32, #tpu.memory_space<vmem>>, vector<1x1x8192xf32>
    %get3A_1168 = vector.shape_cast %get3A_1167 : vector<1x1x8192xf32> to vector<8192xf32>
    %sub3A_1169 = arith.constant 1.000000e+00 : f32
    %sub3A_1170 = vector.broadcast %sub3A_1169 : f32 to vector<8192xf32>
    %sub3A_1171 = arith.subf %sub3A_1170, %get3A_1168 : vector<8192xf32>
    %mul3A_1172 = arith.mulf %mul3A_1163, %sub3A_1171 : vector<8192xf32>
    %get3A_1173 = arith.constant 7 : index
    %get3A_1174 = arith.constant 3 : index
    %get3A_1175 = arith.constant 0 : index
    %get3A_1176 = vector.load %arg2[%get3A_1173, %get3A_1174, %get3A_1175] : memref<16x4x8192xf32, #tpu.memory_space<vmem>>, vector<1x1x8192xf32>
    %get3A_1177 = vector.shape_cast %get3A_1176 : vector<1x1x8192xf32> to vector<8192xf32>
    %sub3A_1178 = arith.constant 1.000000e+00 : f32
    %sub3A_1179 = vector.broadcast %sub3A_1178 : f32 to vector<8192xf32>
    %sub3A_1180 = arith.subf %sub3A_1179, %get3A_1177 : vector<8192xf32>
    %mul3A_1181 = arith.mulf %mul3A_1172, %sub3A_1180 : vector<8192xf32>
    %sub3A_1182 = arith.constant 1.000000e+00 : f32
    %sub3A_1183 = vector.broadcast %sub3A_1182 : f32 to vector<8192xf32>
    %sub3A_1184 = arith.subf %sub3A_1183, %get3A_1146 : vector<8192xf32>
    %sub3A_1185 = arith.constant 1.000000e+00 : f32
    %sub3A_1186 = vector.broadcast %sub3A_1185 : f32 to vector<8192xf32>
    %sub3A_1187 = arith.subf %sub3A_1186, %mul3A_1181 : vector<8192xf32>
    %mul3A_1188 = arith.mulf %sub3A_1184, %sub3A_1187 : vector<8192xf32>
    %add3A_1189 = arith.addf %get3A_1146, %mul3A_1188 : vector<8192xf32>
    %get3A_1190 = arith.constant 7 : index
    %get3A_1191 = arith.constant 0 : index
    %get3A_1192 = memref.load %arg1[%get3A_1190, %get3A_1191] : memref<16x8xf32, #tpu.memory_space<smem>>
    %get3A_1193 = arith.constant 7 : index
    %get3A_1194 = arith.constant 0 : index
    %get3A_1195 = arith.constant 0 : index
    %get3A_1196 = vector.load %arg3[%get3A_1193, %get3A_1194, %get3A_1195] : memref<16x8x8192xf32, #tpu.memory_space<vmem>>, vector<1x1x8192xf32>
    %get3A_1197 = vector.shape_cast %get3A_1196 : vector<1x1x8192xf32> to vector<8192xf32>
    %mul3A_1198 = vector.broadcast %get3A_1192 : f32 to vector<8192xf32>
    %mul3A_1199 = arith.mulf %mul3A_1198, %get3A_1197 : vector<8192xf32>
    %sub3A_1200 = arith.constant 1.000000e+00 : f32
    %sub3A_1201 = vector.broadcast %sub3A_1200 : f32 to vector<8192xf32>
    %sub3A_1202 = arith.subf %sub3A_1201, %mul3A_1199 : vector<8192xf32>
    %get3A_1203 = arith.constant 7 : index
    %get3A_1204 = arith.constant 1 : index
    %get3A_1205 = memref.load %arg1[%get3A_1203, %get3A_1204] : memref<16x8xf32, #tpu.memory_space<smem>>
    %get3A_1206 = arith.constant 7 : index
    %get3A_1207 = arith.constant 1 : index
    %get3A_1208 = arith.constant 0 : index
    %get3A_1209 = vector.load %arg3[%get3A_1206, %get3A_1207, %get3A_1208] : memref<16x8x8192xf32, #tpu.memory_space<vmem>>, vector<1x1x8192xf32>
    %get3A_1210 = vector.shape_cast %get3A_1209 : vector<1x1x8192xf32> to vector<8192xf32>
    %mul3A_1211 = vector.broadcast %get3A_1205 : f32 to vector<8192xf32>
    %mul3A_1212 = arith.mulf %mul3A_1211, %get3A_1210 : vector<8192xf32>
    %sub3A_1213 = arith.constant 1.000000e+00 : f32
    %sub3A_1214 = vector.broadcast %sub3A_1213 : f32 to vector<8192xf32>
    %sub3A_1215 = arith.subf %sub3A_1214, %mul3A_1212 : vector<8192xf32>
    %mul3A_1216 = arith.mulf %sub3A_1202, %sub3A_1215 : vector<8192xf32>
    %get3A_1217 = arith.constant 7 : index
    %get3A_1218 = arith.constant 2 : index
    %get3A_1219 = memref.load %arg1[%get3A_1217, %get3A_1218] : memref<16x8xf32, #tpu.memory_space<smem>>
    %get3A_1220 = arith.constant 7 : index
    %get3A_1221 = arith.constant 2 : index
    %get3A_1222 = arith.constant 0 : index
    %get3A_1223 = vector.load %arg3[%get3A_1220, %get3A_1221, %get3A_1222] : memref<16x8x8192xf32, #tpu.memory_space<vmem>>, vector<1x1x8192xf32>
    %get3A_1224 = vector.shape_cast %get3A_1223 : vector<1x1x8192xf32> to vector<8192xf32>
    %mul3A_1225 = vector.broadcast %get3A_1219 : f32 to vector<8192xf32>
    %mul3A_1226 = arith.mulf %mul3A_1225, %get3A_1224 : vector<8192xf32>
    %sub3A_1227 = arith.constant 1.000000e+00 : f32
    %sub3A_1228 = vector.broadcast %sub3A_1227 : f32 to vector<8192xf32>
    %sub3A_1229 = arith.subf %sub3A_1228, %mul3A_1226 : vector<8192xf32>
    %mul3A_1230 = arith.mulf %mul3A_1216, %sub3A_1229 : vector<8192xf32>
    %get3A_1231 = arith.constant 7 : index
    %get3A_1232 = arith.constant 3 : index
    %get3A_1233 = memref.load %arg1[%get3A_1231, %get3A_1232] : memref<16x8xf32, #tpu.memory_space<smem>>
    %get3A_1234 = arith.constant 7 : index
    %get3A_1235 = arith.constant 3 : index
    %get3A_1236 = arith.constant 0 : index
    %get3A_1237 = vector.load %arg3[%get3A_1234, %get3A_1235, %get3A_1236] : memref<16x8x8192xf32, #tpu.memory_space<vmem>>, vector<1x1x8192xf32>
    %get3A_1238 = vector.shape_cast %get3A_1237 : vector<1x1x8192xf32> to vector<8192xf32>
    %mul3A_1239 = vector.broadcast %get3A_1233 : f32 to vector<8192xf32>
    %mul3A_1240 = arith.mulf %mul3A_1239, %get3A_1238 : vector<8192xf32>
    %sub3A_1241 = arith.constant 1.000000e+00 : f32
    %sub3A_1242 = vector.broadcast %sub3A_1241 : f32 to vector<8192xf32>
    %sub3A_1243 = arith.subf %sub3A_1242, %mul3A_1240 : vector<8192xf32>
    %mul3A_1244 = arith.mulf %mul3A_1230, %sub3A_1243 : vector<8192xf32>
    %get3A_1245 = arith.constant 7 : index
    %get3A_1246 = arith.constant 4 : index
    %get3A_1247 = memref.load %arg1[%get3A_1245, %get3A_1246] : memref<16x8xf32, #tpu.memory_space<smem>>
    %get3A_1248 = arith.constant 7 : index
    %get3A_1249 = arith.constant 4 : index
    %get3A_1250 = arith.constant 0 : index
    %get3A_1251 = vector.load %arg3[%get3A_1248, %get3A_1249, %get3A_1250] : memref<16x8x8192xf32, #tpu.memory_space<vmem>>, vector<1x1x8192xf32>
    %get3A_1252 = vector.shape_cast %get3A_1251 : vector<1x1x8192xf32> to vector<8192xf32>
    %mul3A_1253 = vector.broadcast %get3A_1247 : f32 to vector<8192xf32>
    %mul3A_1254 = arith.mulf %mul3A_1253, %get3A_1252 : vector<8192xf32>
    %sub3A_1255 = arith.constant 1.000000e+00 : f32
    %sub3A_1256 = vector.broadcast %sub3A_1255 : f32 to vector<8192xf32>
    %sub3A_1257 = arith.subf %sub3A_1256, %mul3A_1254 : vector<8192xf32>
    %mul3A_1258 = arith.mulf %mul3A_1244, %sub3A_1257 : vector<8192xf32>
    %get3A_1259 = arith.constant 7 : index
    %get3A_1260 = arith.constant 5 : index
    %get3A_1261 = memref.load %arg1[%get3A_1259, %get3A_1260] : memref<16x8xf32, #tpu.memory_space<smem>>
    %get3A_1262 = arith.constant 7 : index
    %get3A_1263 = arith.constant 5 : index
    %get3A_1264 = arith.constant 0 : index
    %get3A_1265 = vector.load %arg3[%get3A_1262, %get3A_1263, %get3A_1264] : memref<16x8x8192xf32, #tpu.memory_space<vmem>>, vector<1x1x8192xf32>
    %get3A_1266 = vector.shape_cast %get3A_1265 : vector<1x1x8192xf32> to vector<8192xf32>
    %mul3A_1267 = vector.broadcast %get3A_1261 : f32 to vector<8192xf32>
    %mul3A_1268 = arith.mulf %mul3A_1267, %get3A_1266 : vector<8192xf32>
    %sub3A_1269 = arith.constant 1.000000e+00 : f32
    %sub3A_1270 = vector.broadcast %sub3A_1269 : f32 to vector<8192xf32>
    %sub3A_1271 = arith.subf %sub3A_1270, %mul3A_1268 : vector<8192xf32>
    %mul3A_1272 = arith.mulf %mul3A_1258, %sub3A_1271 : vector<8192xf32>
    %get3A_1273 = arith.constant 7 : index
    %get3A_1274 = arith.constant 6 : index
    %get3A_1275 = memref.load %arg1[%get3A_1273, %get3A_1274] : memref<16x8xf32, #tpu.memory_space<smem>>
    %get3A_1276 = arith.constant 7 : index
    %get3A_1277 = arith.constant 6 : index
    %get3A_1278 = arith.constant 0 : index
    %get3A_1279 = vector.load %arg3[%get3A_1276, %get3A_1277, %get3A_1278] : memref<16x8x8192xf32, #tpu.memory_space<vmem>>, vector<1x1x8192xf32>
    %get3A_1280 = vector.shape_cast %get3A_1279 : vector<1x1x8192xf32> to vector<8192xf32>
    %mul3A_1281 = vector.broadcast %get3A_1275 : f32 to vector<8192xf32>
    %mul3A_1282 = arith.mulf %mul3A_1281, %get3A_1280 : vector<8192xf32>
    %sub3A_1283 = arith.constant 1.000000e+00 : f32
    %sub3A_1284 = vector.broadcast %sub3A_1283 : f32 to vector<8192xf32>
    %sub3A_1285 = arith.subf %sub3A_1284, %mul3A_1282 : vector<8192xf32>
    %mul3A_1286 = arith.mulf %mul3A_1272, %sub3A_1285 : vector<8192xf32>
    %get3A_1287 = arith.constant 7 : index
    %get3A_1288 = arith.constant 7 : index
    %get3A_1289 = memref.load %arg1[%get3A_1287, %get3A_1288] : memref<16x8xf32, #tpu.memory_space<smem>>
    %get3A_1290 = arith.constant 7 : index
    %get3A_1291 = arith.constant 7 : index
    %get3A_1292 = arith.constant 0 : index
    %get3A_1293 = vector.load %arg3[%get3A_1290, %get3A_1291, %get3A_1292] : memref<16x8x8192xf32, #tpu.memory_space<vmem>>, vector<1x1x8192xf32>
    %get3A_1294 = vector.shape_cast %get3A_1293 : vector<1x1x8192xf32> to vector<8192xf32>
    %mul3A_1295 = vector.broadcast %get3A_1289 : f32 to vector<8192xf32>
    %mul3A_1296 = arith.mulf %mul3A_1295, %get3A_1294 : vector<8192xf32>
    %sub3A_1297 = arith.constant 1.000000e+00 : f32
    %sub3A_1298 = vector.broadcast %sub3A_1297 : f32 to vector<8192xf32>
    %sub3A_1299 = arith.subf %sub3A_1298, %mul3A_1296 : vector<8192xf32>
    %mul3A_1300 = arith.mulf %mul3A_1286, %sub3A_1299 : vector<8192xf32>
    %mul3A_1301 = arith.mulf %add3A_1189, %mul3A_1300 : vector<8192xf32>
    %swap3A_1302 = arith.constant 7 : index
    %swap3A_1303 = arith.constant 0 : index
    %swap3A_1304 = vector.load %arg5[%swap3A_1302, %swap3A_1303] : memref<16x8192xf32, #tpu.memory_space<vmem>>, vector<1x8192xf32>
    %swap3A_1305 = vector.shape_cast %swap3A_1304 : vector<1x8192xf32> to vector<8192xf32>
    %swap3A_1306 = vector.shape_cast %mul3A_1301 : vector<8192xf32> to vector<1x8192xf32>
    tpu.vector_store %arg5[%swap3A_1302, %swap3A_1303], %swap3A_1306 {strides = array<i32>} : memref<16x8192xf32, #tpu.memory_space<vmem>>, vector<1x8192xf32>,
    %get3A_1307 = arith.constant 8 : index
    %get3A_1308 = arith.constant 0 : index
    %get3A_1309 = vector.load %arg4[%get3A_1307, %get3A_1308] : memref<16x8192xf32, #tpu.memory_space<vmem>>, vector<1x8192xf32>
    %get3A_1310 = vector.shape_cast %get3A_1309 : vector<1x8192xf32> to vector<8192xf32>
    %get3A_1311 = arith.constant 8 : index
    %get3A_1312 = arith.constant 0 : index
    %get3A_1313 = arith.constant 0 : index
    %get3A_1314 = vector.load %arg2[%get3A_1311, %get3A_1312, %get3A_1313] : memref<16x4x8192xf32, #tpu.memory_space<vmem>>, vector<1x1x8192xf32>
    %get3A_1315 = vector.shape_cast %get3A_1314 : vector<1x1x8192xf32> to vector<8192xf32>
    %sub3A_1316 = arith.constant 1.000000e+00 : f32
    %sub3A_1317 = vector.broadcast %sub3A_1316 : f32 to vector<8192xf32>
    %sub3A_1318 = arith.subf %sub3A_1317, %get3A_1315 : vector<8192xf32>
    %get3A_1319 = arith.constant 8 : index
    %get3A_1320 = arith.constant 1 : index
    %get3A_1321 = arith.constant 0 : index
    %get3A_1322 = vector.load %arg2[%get3A_1319, %get3A_1320, %get3A_1321] : memref<16x4x8192xf32, #tpu.memory_space<vmem>>, vector<1x1x8192xf32>
    %get3A_1323 = vector.shape_cast %get3A_1322 : vector<1x1x8192xf32> to vector<8192xf32>
    %sub3A_1324 = arith.constant 1.000000e+00 : f32
    %sub3A_1325 = vector.broadcast %sub3A_1324 : f32 to vector<8192xf32>
    %sub3A_1326 = arith.subf %sub3A_1325, %get3A_1323 : vector<8192xf32>
    %mul3A_1327 = arith.mulf %sub3A_1318, %sub3A_1326 : vector<8192xf32>
    %get3A_1328 = arith.constant 8 : index
    %get3A_1329 = arith.constant 2 : index
    %get3A_1330 = arith.constant 0 : index
    %get3A_1331 = vector.load %arg2[%get3A_1328, %get3A_1329, %get3A_1330] : memref<16x4x8192xf32, #tpu.memory_space<vmem>>, vector<1x1x8192xf32>
    %get3A_1332 = vector.shape_cast %get3A_1331 : vector<1x1x8192xf32> to vector<8192xf32>
    %sub3A_1333 = arith.constant 1.000000e+00 : f32
    %sub3A_1334 = vector.broadcast %sub3A_1333 : f32 to vector<8192xf32>
    %sub3A_1335 = arith.subf %sub3A_1334, %get3A_1332 : vector<8192xf32>
    %mul3A_1336 = arith.mulf %mul3A_1327, %sub3A_1335 : vector<8192xf32>
    %get3A_1337 = arith.constant 8 : index
    %get3A_1338 = arith.constant 3 : index
    %get3A_1339 = arith.constant 0 : index
    %get3A_1340 = vector.load %arg2[%get3A_1337, %get3A_1338, %get3A_1339] : memref<16x4x8192xf32, #tpu.memory_space<vmem>>, vector<1x1x8192xf32>
    %get3A_1341 = vector.shape_cast %get3A_1340 : vector<1x1x8192xf32> to vector<8192xf32>
    %sub3A_1342 = arith.constant 1.000000e+00 : f32
    %sub3A_1343 = vector.broadcast %sub3A_1342 : f32 to vector<8192xf32>
    %sub3A_1344 = arith.subf %sub3A_1343, %get3A_1341 : vector<8192xf32>
    %mul3A_1345 = arith.mulf %mul3A_1336, %sub3A_1344 : vector<8192xf32>
    %sub3A_1346 = arith.constant 1.000000e+00 : f32
    %sub3A_1347 = vector.broadcast %sub3A_1346 : f32 to vector<8192xf32>
    %sub3A_1348 = arith.subf %sub3A_1347, %get3A_1310 : vector<8192xf32>
    %sub3A_1349 = arith.constant 1.000000e+00 : f32
    %sub3A_1350 = vector.broadcast %sub3A_1349 : f32 to vector<8192xf32>
    %sub3A_1351 = arith.subf %sub3A_1350, %mul3A_1345 : vector<8192xf32>
    %mul3A_1352 = arith.mulf %sub3A_1348, %sub3A_1351 : vector<8192xf32>
    %add3A_1353 = arith.addf %get3A_1310, %mul3A_1352 : vector<8192xf32>
    %get3A_1354 = arith.constant 8 : index
    %get3A_1355 = arith.constant 0 : index
    %get3A_1356 = memref.load %arg1[%get3A_1354, %get3A_1355] : memref<16x8xf32, #tpu.memory_space<smem>>
    %get3A_1357 = arith.constant 8 : index
    %get3A_1358 = arith.constant 0 : index
    %get3A_1359 = arith.constant 0 : index
    %get3A_1360 = vector.load %arg3[%get3A_1357, %get3A_1358, %get3A_1359] : memref<16x8x8192xf32, #tpu.memory_space<vmem>>, vector<1x1x8192xf32>
    %get3A_1361 = vector.shape_cast %get3A_1360 : vector<1x1x8192xf32> to vector<8192xf32>
    %mul3A_1362 = vector.broadcast %get3A_1356 : f32 to vector<8192xf32>
    %mul3A_1363 = arith.mulf %mul3A_1362, %get3A_1361 : vector<8192xf32>
    %sub3A_1364 = arith.constant 1.000000e+00 : f32
    %sub3A_1365 = vector.broadcast %sub3A_1364 : f32 to vector<8192xf32>
    %sub3A_1366 = arith.subf %sub3A_1365, %mul3A_1363 : vector<8192xf32>
    %get3A_1367 = arith.constant 8 : index
    %get3A_1368 = arith.constant 1 : index
    %get3A_1369 = memref.load %arg1[%get3A_1367, %get3A_1368] : memref<16x8xf32, #tpu.memory_space<smem>>
    %get3A_1370 = arith.constant 8 : index
    %get3A_1371 = arith.constant 1 : index
    %get3A_1372 = arith.constant 0 : index
    %get3A_1373 = vector.load %arg3[%get3A_1370, %get3A_1371, %get3A_1372] : memref<16x8x8192xf32, #tpu.memory_space<vmem>>, vector<1x1x8192xf32>
    %get3A_1374 = vector.shape_cast %get3A_1373 : vector<1x1x8192xf32> to vector<8192xf32>
    %mul3A_1375 = vector.broadcast %get3A_1369 : f32 to vector<8192xf32>
    %mul3A_1376 = arith.mulf %mul3A_1375, %get3A_1374 : vector<8192xf32>
    %sub3A_1377 = arith.constant 1.000000e+00 : f32
    %sub3A_1378 = vector.broadcast %sub3A_1377 : f32 to vector<8192xf32>
    %sub3A_1379 = arith.subf %sub3A_1378, %mul3A_1376 : vector<8192xf32>
    %mul3A_1380 = arith.mulf %sub3A_1366, %sub3A_1379 : vector<8192xf32>
    %get3A_1381 = arith.constant 8 : index
    %get3A_1382 = arith.constant 2 : index
    %get3A_1383 = memref.load %arg1[%get3A_1381, %get3A_1382] : memref<16x8xf32, #tpu.memory_space<smem>>
    %get3A_1384 = arith.constant 8 : index
    %get3A_1385 = arith.constant 2 : index
    %get3A_1386 = arith.constant 0 : index
    %get3A_1387 = vector.load %arg3[%get3A_1384, %get3A_1385, %get3A_1386] : memref<16x8x8192xf32, #tpu.memory_space<vmem>>, vector<1x1x8192xf32>
    %get3A_1388 = vector.shape_cast %get3A_1387 : vector<1x1x8192xf32> to vector<8192xf32>
    %mul3A_1389 = vector.broadcast %get3A_1383 : f32 to vector<8192xf32>
    %mul3A_1390 = arith.mulf %mul3A_1389, %get3A_1388 : vector<8192xf32>
    %sub3A_1391 = arith.constant 1.000000e+00 : f32
    %sub3A_1392 = vector.broadcast %sub3A_1391 : f32 to vector<8192xf32>
    %sub3A_1393 = arith.subf %sub3A_1392, %mul3A_1390 : vector<8192xf32>
    %mul3A_1394 = arith.mulf %mul3A_1380, %sub3A_1393 : vector<8192xf32>
    %get3A_1395 = arith.constant 8 : index
    %get3A_1396 = arith.constant 3 : index
    %get3A_1397 = memref.load %arg1[%get3A_1395, %get3A_1396] : memref<16x8xf32, #tpu.memory_space<smem>>
    %get3A_1398 = arith.constant 8 : index
    %get3A_1399 = arith.constant 3 : index
    %get3A_1400 = arith.constant 0 : index
    %get3A_1401 = vector.load %arg3[%get3A_1398, %get3A_1399, %get3A_1400] : memref<16x8x8192xf32, #tpu.memory_space<vmem>>, vector<1x1x8192xf32>
    %get3A_1402 = vector.shape_cast %get3A_1401 : vector<1x1x8192xf32> to vector<8192xf32>
    %mul3A_1403 = vector.broadcast %get3A_1397 : f32 to vector<8192xf32>
    %mul3A_1404 = arith.mulf %mul3A_1403, %get3A_1402 : vector<8192xf32>
    %sub3A_1405 = arith.constant 1.000000e+00 : f32
    %sub3A_1406 = vector.broadcast %sub3A_1405 : f32 to vector<8192xf32>
    %sub3A_1407 = arith.subf %sub3A_1406, %mul3A_1404 : vector<8192xf32>
    %mul3A_1408 = arith.mulf %mul3A_1394, %sub3A_1407 : vector<8192xf32>
    %get3A_1409 = arith.constant 8 : index
    %get3A_1410 = arith.constant 4 : index
    %get3A_1411 = memref.load %arg1[%get3A_1409, %get3A_1410] : memref<16x8xf32, #tpu.memory_space<smem>>
    %get3A_1412 = arith.constant 8 : index
    %get3A_1413 = arith.constant 4 : index
    %get3A_1414 = arith.constant 0 : index
    %get3A_1415 = vector.load %arg3[%get3A_1412, %get3A_1413, %get3A_1414] : memref<16x8x8192xf32, #tpu.memory_space<vmem>>, vector<1x1x8192xf32>
    %get3A_1416 = vector.shape_cast %get3A_1415 : vector<1x1x8192xf32> to vector<8192xf32>
    %mul3A_1417 = vector.broadcast %get3A_1411 : f32 to vector<8192xf32>
    %mul3A_1418 = arith.mulf %mul3A_1417, %get3A_1416 : vector<8192xf32>
    %sub3A_1419 = arith.constant 1.000000e+00 : f32
    %sub3A_1420 = vector.broadcast %sub3A_1419 : f32 to vector<8192xf32>
    %sub3A_1421 = arith.subf %sub3A_1420, %mul3A_1418 : vector<8192xf32>
    %mul3A_1422 = arith.mulf %mul3A_1408, %sub3A_1421 : vector<8192xf32>
    %get3A_1423 = arith.constant 8 : index
    %get3A_1424 = arith.constant 5 : index
    %get3A_1425 = memref.load %arg1[%get3A_1423, %get3A_1424] : memref<16x8xf32, #tpu.memory_space<smem>>
    %get3A_1426 = arith.constant 8 : index
    %get3A_1427 = arith.constant 5 : index
    %get3A_1428 = arith.constant 0 : index
    %get3A_1429 = vector.load %arg3[%get3A_1426, %get3A_1427, %get3A_1428] : memref<16x8x8192xf32, #tpu.memory_space<vmem>>, vector<1x1x8192xf32>
    %get3A_1430 = vector.shape_cast %get3A_1429 : vector<1x1x8192xf32> to vector<8192xf32>
    %mul3A_1431 = vector.broadcast %get3A_1425 : f32 to vector<8192xf32>
    %mul3A_1432 = arith.mulf %mul3A_1431, %get3A_1430 : vector<8192xf32>
    %sub3A_1433 = arith.constant 1.000000e+00 : f32
    %sub3A_1434 = vector.broadcast %sub3A_1433 : f32 to vector<8192xf32>
    %sub3A_1435 = arith.subf %sub3A_1434, %mul3A_1432 : vector<8192xf32>
    %mul3A_1436 = arith.mulf %mul3A_1422, %sub3A_1435 : vector<8192xf32>
    %get3A_1437 = arith.constant 8 : index
    %get3A_1438 = arith.constant 6 : index
    %get3A_1439 = memref.load %arg1[%get3A_1437, %get3A_1438] : memref<16x8xf32, #tpu.memory_space<smem>>
    %get3A_1440 = arith.constant 8 : index
    %get3A_1441 = arith.constant 6 : index
    %get3A_1442 = arith.constant 0 : index
    %get3A_1443 = vector.load %arg3[%get3A_1440, %get3A_1441, %get3A_1442] : memref<16x8x8192xf32, #tpu.memory_space<vmem>>, vector<1x1x8192xf32>
    %get3A_1444 = vector.shape_cast %get3A_1443 : vector<1x1x8192xf32> to vector<8192xf32>
    %mul3A_1445 = vector.broadcast %get3A_1439 : f32 to vector<8192xf32>
    %mul3A_1446 = arith.mulf %mul3A_1445, %get3A_1444 : vector<8192xf32>
    %sub3A_1447 = arith.constant 1.000000e+00 : f32
    %sub3A_1448 = vector.broadcast %sub3A_1447 : f32 to vector<8192xf32>
    %sub3A_1449 = arith.subf %sub3A_1448, %mul3A_1446 : vector<8192xf32>
    %mul3A_1450 = arith.mulf %mul3A_1436, %sub3A_1449 : vector<8192xf32>
    %get3A_1451 = arith.constant 8 : index
    %get3A_1452 = arith.constant 7 : index
    %get3A_1453 = memref.load %arg1[%get3A_1451, %get3A_1452] : memref<16x8xf32, #tpu.memory_space<smem>>
    %get3A_1454 = arith.constant 8 : index
    %get3A_1455 = arith.constant 7 : index
    %get3A_1456 = arith.constant 0 : index
    %get3A_1457 = vector.load %arg3[%get3A_1454, %get3A_1455, %get3A_1456] : memref<16x8x8192xf32, #tpu.memory_space<vmem>>, vector<1x1x8192xf32>
    %get3A_1458 = vector.shape_cast %get3A_1457 : vector<1x1x8192xf32> to vector<8192xf32>
    %mul3A_1459 = vector.broadcast %get3A_1453 : f32 to vector<8192xf32>
    %mul3A_1460 = arith.mulf %mul3A_1459, %get3A_1458 : vector<8192xf32>
    %sub3A_1461 = arith.constant 1.000000e+00 : f32
    %sub3A_1462 = vector.broadcast %sub3A_1461 : f32 to vector<8192xf32>
    %sub3A_1463 = arith.subf %sub3A_1462, %mul3A_1460 : vector<8192xf32>
    %mul3A_1464 = arith.mulf %mul3A_1450, %sub3A_1463 : vector<8192xf32>
    %mul3A_1465 = arith.mulf %add3A_1353, %mul3A_1464 : vector<8192xf32>
    %swap3A_1466 = arith.constant 8 : index
    %swap3A_1467 = arith.constant 0 : index
    %swap3A_1468 = vector.load %arg5[%swap3A_1466, %swap3A_1467] : memref<16x8192xf32, #tpu.memory_space<vmem>>, vector<1x8192xf32>
    %swap3A_1469 = vector.shape_cast %swap3A_1468 : vector<1x8192xf32> to vector<8192xf32>
    %swap3A_1470 = vector.shape_cast %mul3A_1465 : vector<8192xf32> to vector<1x8192xf32>
    tpu.vector_store %arg5[%swap3A_1466, %swap3A_1467], %swap3A_1470 {strides = array<i32>} : memref<16x8192xf32, #tpu.memory_space<vmem>>, vector<1x8192xf32>,
    %get3A_1471 = arith.constant 9 : index
    %get3A_1472 = arith.constant 0 : index
    %get3A_1473 = vector.load %arg4[%get3A_1471, %get3A_1472] : memref<16x8192xf32, #tpu.memory_space<vmem>>, vector<1x8192xf32>
    %get3A_1474 = vector.shape_cast %get3A_1473 : vector<1x8192xf32> to vector<8192xf32>
    %get3A_1475 = arith.constant 9 : index
    %get3A_1476 = arith.constant 0 : index
    %get3A_1477 = arith.constant 0 : index
    %get3A_1478 = vector.load %arg2[%get3A_1475, %get3A_1476, %get3A_1477] : memref<16x4x8192xf32, #tpu.memory_space<vmem>>, vector<1x1x8192xf32>
    %get3A_1479 = vector.shape_cast %get3A_1478 : vector<1x1x8192xf32> to vector<8192xf32>
    %sub3A_1480 = arith.constant 1.000000e+00 : f32
    %sub3A_1481 = vector.broadcast %sub3A_1480 : f32 to vector<8192xf32>
    %sub3A_1482 = arith.subf %sub3A_1481, %get3A_1479 : vector<8192xf32>
    %get3A_1483 = arith.constant 9 : index
    %get3A_1484 = arith.constant 1 : index
    %get3A_1485 = arith.constant 0 : index
    %get3A_1486 = vector.load %arg2[%get3A_1483, %get3A_1484, %get3A_1485] : memref<16x4x8192xf32, #tpu.memory_space<vmem>>, vector<1x1x8192xf32>
    %get3A_1487 = vector.shape_cast %get3A_1486 : vector<1x1x8192xf32> to vector<8192xf32>
    %sub3A_1488 = arith.constant 1.000000e+00 : f32
    %sub3A_1489 = vector.broadcast %sub3A_1488 : f32 to vector<8192xf32>
    %sub3A_1490 = arith.subf %sub3A_1489, %get3A_1487 : vector<8192xf32>
    %mul3A_1491 = arith.mulf %sub3A_1482, %sub3A_1490 : vector<8192xf32>
    %get3A_1492 = arith.constant 9 : index
    %get3A_1493 = arith.constant 2 : index
    %get3A_1494 = arith.constant 0 : index
    %get3A_1495 = vector.load %arg2[%get3A_1492, %get3A_1493, %get3A_1494] : memref<16x4x8192xf32, #tpu.memory_space<vmem>>, vector<1x1x8192xf32>
    %get3A_1496 = vector.shape_cast %get3A_1495 : vector<1x1x8192xf32> to vector<8192xf32>
    %sub3A_1497 = arith.constant 1.000000e+00 : f32
    %sub3A_1498 = vector.broadcast %sub3A_1497 : f32 to vector<8192xf32>
    %sub3A_1499 = arith.subf %sub3A_1498, %get3A_1496 : vector<8192xf32>
    %mul3A_1500 = arith.mulf %mul3A_1491, %sub3A_1499 : vector<8192xf32>
    %get3A_1501 = arith.constant 9 : index
    %get3A_1502 = arith.constant 3 : index
    %get3A_1503 = arith.constant 0 : index
    %get3A_1504 = vector.load %arg2[%get3A_1501, %get3A_1502, %get3A_1503] : memref<16x4x8192xf32, #tpu.memory_space<vmem>>, vector<1x1x8192xf32>
    %get3A_1505 = vector.shape_cast %get3A_1504 : vector<1x1x8192xf32> to vector<8192xf32>
    %sub3A_1506 = arith.constant 1.000000e+00 : f32
    %sub3A_1507 = vector.broadcast %sub3A_1506 : f32 to vector<8192xf32>
    %sub3A_1508 = arith.subf %sub3A_1507, %get3A_1505 : vector<8192xf32>
    %mul3A_1509 = arith.mulf %mul3A_1500, %sub3A_1508 : vector<8192xf32>
    %sub3A_1510 = arith.constant 1.000000e+00 : f32
    %sub3A_1511 = vector.broadcast %sub3A_1510 : f32 to vector<8192xf32>
    %sub3A_1512 = arith.subf %sub3A_1511, %get3A_1474 : vector<8192xf32>
    %sub3A_1513 = arith.constant 1.000000e+00 : f32
    %sub3A_1514 = vector.broadcast %sub3A_1513 : f32 to vector<8192xf32>
    %sub3A_1515 = arith.subf %sub3A_1514, %mul3A_1509 : vector<8192xf32>
    %mul3A_1516 = arith.mulf %sub3A_1512, %sub3A_1515 : vector<8192xf32>
    %add3A_1517 = arith.addf %get3A_1474, %mul3A_1516 : vector<8192xf32>
    %get3A_1518 = arith.constant 9 : index
    %get3A_1519 = arith.constant 0 : index
    %get3A_1520 = memref.load %arg1[%get3A_1518, %get3A_1519] : memref<16x8xf32, #tpu.memory_space<smem>>
    %get3A_1521 = arith.constant 9 : index
    %get3A_1522 = arith.constant 0 : index
    %get3A_1523 = arith.constant 0 : index
    %get3A_1524 = vector.load %arg3[%get3A_1521, %get3A_1522, %get3A_1523] : memref<16x8x8192xf32, #tpu.memory_space<vmem>>, vector<1x1x8192xf32>
    %get3A_1525 = vector.shape_cast %get3A_1524 : vector<1x1x8192xf32> to vector<8192xf32>
    %mul3A_1526 = vector.broadcast %get3A_1520 : f32 to vector<8192xf32>
    %mul3A_1527 = arith.mulf %mul3A_1526, %get3A_1525 : vector<8192xf32>
    %sub3A_1528 = arith.constant 1.000000e+00 : f32
    %sub3A_1529 = vector.broadcast %sub3A_1528 : f32 to vector<8192xf32>
    %sub3A_1530 = arith.subf %sub3A_1529, %mul3A_1527 : vector<8192xf32>
    %get3A_1531 = arith.constant 9 : index
    %get3A_1532 = arith.constant 1 : index
    %get3A_1533 = memref.load %arg1[%get3A_1531, %get3A_1532] : memref<16x8xf32, #tpu.memory_space<smem>>
    %get3A_1534 = arith.constant 9 : index
    %get3A_1535 = arith.constant 1 : index
    %get3A_1536 = arith.constant 0 : index
    %get3A_1537 = vector.load %arg3[%get3A_1534, %get3A_1535, %get3A_1536] : memref<16x8x8192xf32, #tpu.memory_space<vmem>>, vector<1x1x8192xf32>
    %get3A_1538 = vector.shape_cast %get3A_1537 : vector<1x1x8192xf32> to vector<8192xf32>
    %mul3A_1539 = vector.broadcast %get3A_1533 : f32 to vector<8192xf32>
    %mul3A_1540 = arith.mulf %mul3A_1539, %get3A_1538 : vector<8192xf32>
    %sub3A_1541 = arith.constant 1.000000e+00 : f32
    %sub3A_1542 = vector.broadcast %sub3A_1541 : f32 to vector<8192xf32>
    %sub3A_1543 = arith.subf %sub3A_1542, %mul3A_1540 : vector<8192xf32>
    %mul3A_1544 = arith.mulf %sub3A_1530, %sub3A_1543 : vector<8192xf32>
    %get3A_1545 = arith.constant 9 : index
    %get3A_1546 = arith.constant 2 : index
    %get3A_1547 = memref.load %arg1[%get3A_1545, %get3A_1546] : memref<16x8xf32, #tpu.memory_space<smem>>
    %get3A_1548 = arith.constant 9 : index
    %get3A_1549 = arith.constant 2 : index
    %get3A_1550 = arith.constant 0 : index
    %get3A_1551 = vector.load %arg3[%get3A_1548, %get3A_1549, %get3A_1550] : memref<16x8x8192xf32, #tpu.memory_space<vmem>>, vector<1x1x8192xf32>
    %get3A_1552 = vector.shape_cast %get3A_1551 : vector<1x1x8192xf32> to vector<8192xf32>
    %mul3A_1553 = vector.broadcast %get3A_1547 : f32 to vector<8192xf32>
    %mul3A_1554 = arith.mulf %mul3A_1553, %get3A_1552 : vector<8192xf32>
    %sub3A_1555 = arith.constant 1.000000e+00 : f32
    %sub3A_1556 = vector.broadcast %sub3A_1555 : f32 to vector<8192xf32>
    %sub3A_1557 = arith.subf %sub3A_1556, %mul3A_1554 : vector<8192xf32>
    %mul3A_1558 = arith.mulf %mul3A_1544, %sub3A_1557 : vector<8192xf32>
    %get3A_1559 = arith.constant 9 : index
    %get3A_1560 = arith.constant 3 : index
    %get3A_1561 = memref.load %arg1[%get3A_1559, %get3A_1560] : memref<16x8xf32, #tpu.memory_space<smem>>
    %get3A_1562 = arith.constant 9 : index
    %get3A_1563 = arith.constant 3 : index
    %get3A_1564 = arith.constant 0 : index
    %get3A_1565 = vector.load %arg3[%get3A_1562, %get3A_1563, %get3A_1564] : memref<16x8x8192xf32, #tpu.memory_space<vmem>>, vector<1x1x8192xf32>
    %get3A_1566 = vector.shape_cast %get3A_1565 : vector<1x1x8192xf32> to vector<8192xf32>
    %mul3A_1567 = vector.broadcast %get3A_1561 : f32 to vector<8192xf32>
    %mul3A_1568 = arith.mulf %mul3A_1567, %get3A_1566 : vector<8192xf32>
    %sub3A_1569 = arith.constant 1.000000e+00 : f32
    %sub3A_1570 = vector.broadcast %sub3A_1569 : f32 to vector<8192xf32>
    %sub3A_1571 = arith.subf %sub3A_1570, %mul3A_1568 : vector<8192xf32>
    %mul3A_1572 = arith.mulf %mul3A_1558, %sub3A_1571 : vector<8192xf32>
    %get3A_1573 = arith.constant 9 : index
    %get3A_1574 = arith.constant 4 : index
    %get3A_1575 = memref.load %arg1[%get3A_1573, %get3A_1574] : memref<16x8xf32, #tpu.memory_space<smem>>
    %get3A_1576 = arith.constant 9 : index
    %get3A_1577 = arith.constant 4 : index
    %get3A_1578 = arith.constant 0 : index
    %get3A_1579 = vector.load %arg3[%get3A_1576, %get3A_1577, %get3A_1578] : memref<16x8x8192xf32, #tpu.memory_space<vmem>>, vector<1x1x8192xf32>
    %get3A_1580 = vector.shape_cast %get3A_1579 : vector<1x1x8192xf32> to vector<8192xf32>
    %mul3A_1581 = vector.broadcast %get3A_1575 : f32 to vector<8192xf32>
    %mul3A_1582 = arith.mulf %mul3A_1581, %get3A_1580 : vector<8192xf32>
    %sub3A_1583 = arith.constant 1.000000e+00 : f32
    %sub3A_1584 = vector.broadcast %sub3A_1583 : f32 to vector<8192xf32>
    %sub3A_1585 = arith.subf %sub3A_1584, %mul3A_1582 : vector<8192xf32>
    %mul3A_1586 = arith.mulf %mul3A_1572, %sub3A_1585 : vector<8192xf32>
    %get3A_1587 = arith.constant 9 : index
    %get3A_1588 = arith.constant 5 : index
    %get3A_1589 = memref.load %arg1[%get3A_1587, %get3A_1588] : memref<16x8xf32, #tpu.memory_space<smem>>
    %get3A_1590 = arith.constant 9 : index
    %get3A_1591 = arith.constant 5 : index
    %get3A_1592 = arith.constant 0 : index
    %get3A_1593 = vector.load %arg3[%get3A_1590, %get3A_1591, %get3A_1592] : memref<16x8x8192xf32, #tpu.memory_space<vmem>>, vector<1x1x8192xf32>
    %get3A_1594 = vector.shape_cast %get3A_1593 : vector<1x1x8192xf32> to vector<8192xf32>
    %mul3A_1595 = vector.broadcast %get3A_1589 : f32 to vector<8192xf32>
    %mul3A_1596 = arith.mulf %mul3A_1595, %get3A_1594 : vector<8192xf32>
    %sub3A_1597 = arith.constant 1.000000e+00 : f32
    %sub3A_1598 = vector.broadcast %sub3A_1597 : f32 to vector<8192xf32>
    %sub3A_1599 = arith.subf %sub3A_1598, %mul3A_1596 : vector<8192xf32>
    %mul3A_1600 = arith.mulf %mul3A_1586, %sub3A_1599 : vector<8192xf32>
    %get3A_1601 = arith.constant 9 : index
    %get3A_1602 = arith.constant 6 : index
    %get3A_1603 = memref.load %arg1[%get3A_1601, %get3A_1602] : memref<16x8xf32, #tpu.memory_space<smem>>
    %get3A_1604 = arith.constant 9 : index
    %get3A_1605 = arith.constant 6 : index
    %get3A_1606 = arith.constant 0 : index
    %get3A_1607 = vector.load %arg3[%get3A_1604, %get3A_1605, %get3A_1606] : memref<16x8x8192xf32, #tpu.memory_space<vmem>>, vector<1x1x8192xf32>
    %get3A_1608 = vector.shape_cast %get3A_1607 : vector<1x1x8192xf32> to vector<8192xf32>
    %mul3A_1609 = vector.broadcast %get3A_1603 : f32 to vector<8192xf32>
    %mul3A_1610 = arith.mulf %mul3A_1609, %get3A_1608 : vector<8192xf32>
    %sub3A_1611 = arith.constant 1.000000e+00 : f32
    %sub3A_1612 = vector.broadcast %sub3A_1611 : f32 to vector<8192xf32>
    %sub3A_1613 = arith.subf %sub3A_1612, %mul3A_1610 : vector<8192xf32>
    %mul3A_1614 = arith.mulf %mul3A_1600, %sub3A_1613 : vector<8192xf32>
    %get3A_1615 = arith.constant 9 : index
    %get3A_1616 = arith.constant 7 : index
    %get3A_1617 = memref.load %arg1[%get3A_1615, %get3A_1616] : memref<16x8xf32, #tpu.memory_space<smem>>
    %get3A_1618 = arith.constant 9 : index
    %get3A_1619 = arith.constant 7 : index
    %get3A_1620 = arith.constant 0 : index
    %get3A_1621 = vector.load %arg3[%get3A_1618, %get3A_1619, %get3A_1620] : memref<16x8x8192xf32, #tpu.memory_space<vmem>>, vector<1x1x8192xf32>
    %get3A_1622 = vector.shape_cast %get3A_1621 : vector<1x1x8192xf32> to vector<8192xf32>
    %mul3A_1623 = vector.broadcast %get3A_1617 : f32 to vector<8192xf32>
    %mul3A_1624 = arith.mulf %mul3A_1623, %get3A_1622 : vector<8192xf32>
    %sub3A_1625 = arith.constant 1.000000e+00 : f32
    %sub3A_1626 = vector.broadcast %sub3A_1625 : f32 to vector<8192xf32>
    %sub3A_1627 = arith.subf %sub3A_1626, %mul3A_1624 : vector<8192xf32>
    %mul3A_1628 = arith.mulf %mul3A_1614, %sub3A_1627 : vector<8192xf32>
    %mul3A_1629 = arith.mulf %add3A_1517, %mul3A_1628 : vector<8192xf32>
    %swap3A_1630 = arith.constant 9 : index
    %swap3A_1631 = arith.constant 0 : index
    %swap3A_1632 = vector.load %arg5[%swap3A_1630, %swap3A_1631] : memref<16x8192xf32, #tpu.memory_space<vmem>>, vector<1x8192xf32>
    %swap3A_1633 = vector.shape_cast %swap3A_1632 : vector<1x8192xf32> to vector<8192xf32>
    %swap3A_1634 = vector.shape_cast %mul3A_1629 : vector<8192xf32> to vector<1x8192xf32>
    tpu.vector_store %arg5[%swap3A_1630, %swap3A_1631], %swap3A_1634 {strides = array<i32>} : memref<16x8192xf32, #tpu.memory_space<vmem>>, vector<1x8192xf32>,
    %get3A_1635 = arith.constant 10 : index
    %get3A_1636 = arith.constant 0 : index
    %get3A_1637 = vector.load %arg4[%get3A_1635, %get3A_1636] : memref<16x8192xf32, #tpu.memory_space<vmem>>, vector<1x8192xf32>
    %get3A_1638 = vector.shape_cast %get3A_1637 : vector<1x8192xf32> to vector<8192xf32>
    %get3A_1639 = arith.constant 10 : index
    %get3A_1640 = arith.constant 0 : index
    %get3A_1641 = arith.constant 0 : index
    %get3A_1642 = vector.load %arg2[%get3A_1639, %get3A_1640, %get3A_1641] : memref<16x4x8192xf32, #tpu.memory_space<vmem>>, vector<1x1x8192xf32>
    %get3A_1643 = vector.shape_cast %get3A_1642 : vector<1x1x8192xf32> to vector<8192xf32>
    %sub3A_1644 = arith.constant 1.000000e+00 : f32
    %sub3A_1645 = vector.broadcast %sub3A_1644 : f32 to vector<8192xf32>
    %sub3A_1646 = arith.subf %sub3A_1645, %get3A_1643 : vector<8192xf32>
    %get3A_1647 = arith.constant 10 : index
    %get3A_1648 = arith.constant 1 : index
    %get3A_1649 = arith.constant 0 : index
    %get3A_1650 = vector.load %arg2[%get3A_1647, %get3A_1648, %get3A_1649] : memref<16x4x8192xf32, #tpu.memory_space<vmem>>, vector<1x1x8192xf32>
    %get3A_1651 = vector.shape_cast %get3A_1650 : vector<1x1x8192xf32> to vector<8192xf32>
    %sub3A_1652 = arith.constant 1.000000e+00 : f32
    %sub3A_1653 = vector.broadcast %sub3A_1652 : f32 to vector<8192xf32>
    %sub3A_1654 = arith.subf %sub3A_1653, %get3A_1651 : vector<8192xf32>
    %mul3A_1655 = arith.mulf %sub3A_1646, %sub3A_1654 : vector<8192xf32>
    %get3A_1656 = arith.constant 10 : index
    %get3A_1657 = arith.constant 2 : index
    %get3A_1658 = arith.constant 0 : index
    %get3A_1659 = vector.load %arg2[%get3A_1656, %get3A_1657, %get3A_1658] : memref<16x4x8192xf32, #tpu.memory_space<vmem>>, vector<1x1x8192xf32>
    %get3A_1660 = vector.shape_cast %get3A_1659 : vector<1x1x8192xf32> to vector<8192xf32>
    %sub3A_1661 = arith.constant 1.000000e+00 : f32
    %sub3A_1662 = vector.broadcast %sub3A_1661 : f32 to vector<8192xf32>
    %sub3A_1663 = arith.subf %sub3A_1662, %get3A_1660 : vector<8192xf32>
    %mul3A_1664 = arith.mulf %mul3A_1655, %sub3A_1663 : vector<8192xf32>
    %get3A_1665 = arith.constant 10 : index
    %get3A_1666 = arith.constant 3 : index
    %get3A_1667 = arith.constant 0 : index
    %get3A_1668 = vector.load %arg2[%get3A_1665, %get3A_1666, %get3A_1667] : memref<16x4x8192xf32, #tpu.memory_space<vmem>>, vector<1x1x8192xf32>
    %get3A_1669 = vector.shape_cast %get3A_1668 : vector<1x1x8192xf32> to vector<8192xf32>
    %sub3A_1670 = arith.constant 1.000000e+00 : f32
    %sub3A_1671 = vector.broadcast %sub3A_1670 : f32 to vector<8192xf32>
    %sub3A_1672 = arith.subf %sub3A_1671, %get3A_1669 : vector<8192xf32>
    %mul3A_1673 = arith.mulf %mul3A_1664, %sub3A_1672 : vector<8192xf32>
    %sub3A_1674 = arith.constant 1.000000e+00 : f32
    %sub3A_1675 = vector.broadcast %sub3A_1674 : f32 to vector<8192xf32>
    %sub3A_1676 = arith.subf %sub3A_1675, %get3A_1638 : vector<8192xf32>
    %sub3A_1677 = arith.constant 1.000000e+00 : f32
    %sub3A_1678 = vector.broadcast %sub3A_1677 : f32 to vector<8192xf32>
    %sub3A_1679 = arith.subf %sub3A_1678, %mul3A_1673 : vector<8192xf32>
    %mul3A_1680 = arith.mulf %sub3A_1676, %sub3A_1679 : vector<8192xf32>
    %add3A_1681 = arith.addf %get3A_1638, %mul3A_1680 : vector<8192xf32>
    %get3A_1682 = arith.constant 10 : index
    %get3A_1683 = arith.constant 0 : index
    %get3A_1684 = memref.load %arg1[%get3A_1682, %get3A_1683] : memref<16x8xf32, #tpu.memory_space<smem>>
    %get3A_1685 = arith.constant 10 : index
    %get3A_1686 = arith.constant 0 : index
    %get3A_1687 = arith.constant 0 : index
    %get3A_1688 = vector.load %arg3[%get3A_1685, %get3A_1686, %get3A_1687] : memref<16x8x8192xf32, #tpu.memory_space<vmem>>, vector<1x1x8192xf32>
    %get3A_1689 = vector.shape_cast %get3A_1688 : vector<1x1x8192xf32> to vector<8192xf32>
    %mul3A_1690 = vector.broadcast %get3A_1684 : f32 to vector<8192xf32>
    %mul3A_1691 = arith.mulf %mul3A_1690, %get3A_1689 : vector<8192xf32>
    %sub3A_1692 = arith.constant 1.000000e+00 : f32
    %sub3A_1693 = vector.broadcast %sub3A_1692 : f32 to vector<8192xf32>
    %sub3A_1694 = arith.subf %sub3A_1693, %mul3A_1691 : vector<8192xf32>
    %get3A_1695 = arith.constant 10 : index
    %get3A_1696 = arith.constant 1 : index
    %get3A_1697 = memref.load %arg1[%get3A_1695, %get3A_1696] : memref<16x8xf32, #tpu.memory_space<smem>>
    %get3A_1698 = arith.constant 10 : index
    %get3A_1699 = arith.constant 1 : index
    %get3A_1700 = arith.constant 0 : index
    %get3A_1701 = vector.load %arg3[%get3A_1698, %get3A_1699, %get3A_1700] : memref<16x8x8192xf32, #tpu.memory_space<vmem>>, vector<1x1x8192xf32>
    %get3A_1702 = vector.shape_cast %get3A_1701 : vector<1x1x8192xf32> to vector<8192xf32>
    %mul3A_1703 = vector.broadcast %get3A_1697 : f32 to vector<8192xf32>
    %mul3A_1704 = arith.mulf %mul3A_1703, %get3A_1702 : vector<8192xf32>
    %sub3A_1705 = arith.constant 1.000000e+00 : f32
    %sub3A_1706 = vector.broadcast %sub3A_1705 : f32 to vector<8192xf32>
    %sub3A_1707 = arith.subf %sub3A_1706, %mul3A_1704 : vector<8192xf32>
    %mul3A_1708 = arith.mulf %sub3A_1694, %sub3A_1707 : vector<8192xf32>
    %get3A_1709 = arith.constant 10 : index
    %get3A_1710 = arith.constant 2 : index
    %get3A_1711 = memref.load %arg1[%get3A_1709, %get3A_1710] : memref<16x8xf32, #tpu.memory_space<smem>>
    %get3A_1712 = arith.constant 10 : index
    %get3A_1713 = arith.constant 2 : index
    %get3A_1714 = arith.constant 0 : index
    %get3A_1715 = vector.load %arg3[%get3A_1712, %get3A_1713, %get3A_1714] : memref<16x8x8192xf32, #tpu.memory_space<vmem>>, vector<1x1x8192xf32>
    %get3A_1716 = vector.shape_cast %get3A_1715 : vector<1x1x8192xf32> to vector<8192xf32>
    %mul3A_1717 = vector.broadcast %get3A_1711 : f32 to vector<8192xf32>
    %mul3A_1718 = arith.mulf %mul3A_1717, %get3A_1716 : vector<8192xf32>
    %sub3A_1719 = arith.constant 1.000000e+00 : f32
    %sub3A_1720 = vector.broadcast %sub3A_1719 : f32 to vector<8192xf32>
    %sub3A_1721 = arith.subf %sub3A_1720, %mul3A_1718 : vector<8192xf32>
    %mul3A_1722 = arith.mulf %mul3A_1708, %sub3A_1721 : vector<8192xf32>
    %get3A_1723 = arith.constant 10 : index
    %get3A_1724 = arith.constant 3 : index
    %get3A_1725 = memref.load %arg1[%get3A_1723, %get3A_1724] : memref<16x8xf32, #tpu.memory_space<smem>>
    %get3A_1726 = arith.constant 10 : index
    %get3A_1727 = arith.constant 3 : index
    %get3A_1728 = arith.constant 0 : index
    %get3A_1729 = vector.load %arg3[%get3A_1726, %get3A_1727, %get3A_1728] : memref<16x8x8192xf32, #tpu.memory_space<vmem>>, vector<1x1x8192xf32>
    %get3A_1730 = vector.shape_cast %get3A_1729 : vector<1x1x8192xf32> to vector<8192xf32>
    %mul3A_1731 = vector.broadcast %get3A_1725 : f32 to vector<8192xf32>
    %mul3A_1732 = arith.mulf %mul3A_1731, %get3A_1730 : vector<8192xf32>
    %sub3A_1733 = arith.constant 1.000000e+00 : f32
    %sub3A_1734 = vector.broadcast %sub3A_1733 : f32 to vector<8192xf32>
    %sub3A_1735 = arith.subf %sub3A_1734, %mul3A_1732 : vector<8192xf32>
    %mul3A_1736 = arith.mulf %mul3A_1722, %sub3A_1735 : vector<8192xf32>
    %get3A_1737 = arith.constant 10 : index
    %get3A_1738 = arith.constant 4 : index
    %get3A_1739 = memref.load %arg1[%get3A_1737, %get3A_1738] : memref<16x8xf32, #tpu.memory_space<smem>>
    %get3A_1740 = arith.constant 10 : index
    %get3A_1741 = arith.constant 4 : index
    %get3A_1742 = arith.constant 0 : index
    %get3A_1743 = vector.load %arg3[%get3A_1740, %get3A_1741, %get3A_1742] : memref<16x8x8192xf32, #tpu.memory_space<vmem>>, vector<1x1x8192xf32>
    %get3A_1744 = vector.shape_cast %get3A_1743 : vector<1x1x8192xf32> to vector<8192xf32>
    %mul3A_1745 = vector.broadcast %get3A_1739 : f32 to vector<8192xf32>
    %mul3A_1746 = arith.mulf %mul3A_1745, %get3A_1744 : vector<8192xf32>
    %sub3A_1747 = arith.constant 1.000000e+00 : f32
    %sub3A_1748 = vector.broadcast %sub3A_1747 : f32 to vector<8192xf32>
    %sub3A_1749 = arith.subf %sub3A_1748, %mul3A_1746 : vector<8192xf32>
    %mul3A_1750 = arith.mulf %mul3A_1736, %sub3A_1749 : vector<8192xf32>
    %get3A_1751 = arith.constant 10 : index
    %get3A_1752 = arith.constant 5 : index
    %get3A_1753 = memref.load %arg1[%get3A_1751, %get3A_1752] : memref<16x8xf32, #tpu.memory_space<smem>>
    %get3A_1754 = arith.constant 10 : index
    %get3A_1755 = arith.constant 5 : index
    %get3A_1756 = arith.constant 0 : index
    %get3A_1757 = vector.load %arg3[%get3A_1754, %get3A_1755, %get3A_1756] : memref<16x8x8192xf32, #tpu.memory_space<vmem>>, vector<1x1x8192xf32>
    %get3A_1758 = vector.shape_cast %get3A_1757 : vector<1x1x8192xf32> to vector<8192xf32>
    %mul3A_1759 = vector.broadcast %get3A_1753 : f32 to vector<8192xf32>
    %mul3A_1760 = arith.mulf %mul3A_1759, %get3A_1758 : vector<8192xf32>
    %sub3A_1761 = arith.constant 1.000000e+00 : f32
    %sub3A_1762 = vector.broadcast %sub3A_1761 : f32 to vector<8192xf32>
    %sub3A_1763 = arith.subf %sub3A_1762, %mul3A_1760 : vector<8192xf32>
    %mul3A_1764 = arith.mulf %mul3A_1750, %sub3A_1763 : vector<8192xf32>
    %get3A_1765 = arith.constant 10 : index
    %get3A_1766 = arith.constant 6 : index
    %get3A_1767 = memref.load %arg1[%get3A_1765, %get3A_1766] : memref<16x8xf32, #tpu.memory_space<smem>>
    %get3A_1768 = arith.constant 10 : index
    %get3A_1769 = arith.constant 6 : index
    %get3A_1770 = arith.constant 0 : index
    %get3A_1771 = vector.load %arg3[%get3A_1768, %get3A_1769, %get3A_1770] : memref<16x8x8192xf32, #tpu.memory_space<vmem>>, vector<1x1x8192xf32>
    %get3A_1772 = vector.shape_cast %get3A_1771 : vector<1x1x8192xf32> to vector<8192xf32>
    %mul3A_1773 = vector.broadcast %get3A_1767 : f32 to vector<8192xf32>
    %mul3A_1774 = arith.mulf %mul3A_1773, %get3A_1772 : vector<8192xf32>
    %sub3A_1775 = arith.constant 1.000000e+00 : f32
    %sub3A_1776 = vector.broadcast %sub3A_1775 : f32 to vector<8192xf32>
    %sub3A_1777 = arith.subf %sub3A_1776, %mul3A_1774 : vector<8192xf32>
    %mul3A_1778 = arith.mulf %mul3A_1764, %sub3A_1777 : vector<8192xf32>
    %get3A_1779 = arith.constant 10 : index
    %get3A_1780 = arith.constant 7 : index
    %get3A_1781 = memref.load %arg1[%get3A_1779, %get3A_1780] : memref<16x8xf32, #tpu.memory_space<smem>>
    %get3A_1782 = arith.constant 10 : index
    %get3A_1783 = arith.constant 7 : index
    %get3A_1784 = arith.constant 0 : index
    %get3A_1785 = vector.load %arg3[%get3A_1782, %get3A_1783, %get3A_1784] : memref<16x8x8192xf32, #tpu.memory_space<vmem>>, vector<1x1x8192xf32>
    %get3A_1786 = vector.shape_cast %get3A_1785 : vector<1x1x8192xf32> to vector<8192xf32>
    %mul3A_1787 = vector.broadcast %get3A_1781 : f32 to vector<8192xf32>
    %mul3A_1788 = arith.mulf %mul3A_1787, %get3A_1786 : vector<8192xf32>
    %sub3A_1789 = arith.constant 1.000000e+00 : f32
    %sub3A_1790 = vector.broadcast %sub3A_1789 : f32 to vector<8192xf32>
    %sub3A_1791 = arith.subf %sub3A_1790, %mul3A_1788 : vector<8192xf32>
    %mul3A_1792 = arith.mulf %mul3A_1778, %sub3A_1791 : vector<8192xf32>
    %mul3A_1793 = arith.mulf %add3A_1681, %mul3A_1792 : vector<8192xf32>
    %swap3A_1794 = arith.constant 10 : index
    %swap3A_1795 = arith.constant 0 : index
    %swap3A_1796 = vector.load %arg5[%swap3A_1794, %swap3A_1795] : memref<16x8192xf32, #tpu.memory_space<vmem>>, vector<1x8192xf32>
    %swap3A_1797 = vector.shape_cast %swap3A_1796 : vector<1x8192xf32> to vector<8192xf32>
    %swap3A_1798 = vector.shape_cast %mul3A_1793 : vector<8192xf32> to vector<1x8192xf32>
    tpu.vector_store %arg5[%swap3A_1794, %swap3A_1795], %swap3A_1798 {strides = array<i32>} : memref<16x8192xf32, #tpu.memory_space<vmem>>, vector<1x8192xf32>,
    %get3A_1799 = arith.constant 11 : index
    %get3A_1800 = arith.constant 0 : index
    %get3A_1801 = vector.load %arg4[%get3A_1799, %get3A_1800] : memref<16x8192xf32, #tpu.memory_space<vmem>>, vector<1x8192xf32>
    %get3A_1802 = vector.shape_cast %get3A_1801 : vector<1x8192xf32> to vector<8192xf32>
    %get3A_1803 = arith.constant 11 : index
    %get3A_1804 = arith.constant 0 : index
    %get3A_1805 = arith.constant 0 : index
    %get3A_1806 = vector.load %arg2[%get3A_1803, %get3A_1804, %get3A_1805] : memref<16x4x8192xf32, #tpu.memory_space<vmem>>, vector<1x1x8192xf32>
    %get3A_1807 = vector.shape_cast %get3A_1806 : vector<1x1x8192xf32> to vector<8192xf32>
    %sub3A_1808 = arith.constant 1.000000e+00 : f32
    %sub3A_1809 = vector.broadcast %sub3A_1808 : f32 to vector<8192xf32>
    %sub3A_1810 = arith.subf %sub3A_1809, %get3A_1807 : vector<8192xf32>
    %get3A_1811 = arith.constant 11 : index
    %get3A_1812 = arith.constant 1 : index
    %get3A_1813 = arith.constant 0 : index
    %get3A_1814 = vector.load %arg2[%get3A_1811, %get3A_1812, %get3A_1813] : memref<16x4x8192xf32, #tpu.memory_space<vmem>>, vector<1x1x8192xf32>
    %get3A_1815 = vector.shape_cast %get3A_1814 : vector<1x1x8192xf32> to vector<8192xf32>
    %sub3A_1816 = arith.constant 1.000000e+00 : f32
    %sub3A_1817 = vector.broadcast %sub3A_1816 : f32 to vector<8192xf32>
    %sub3A_1818 = arith.subf %sub3A_1817, %get3A_1815 : vector<8192xf32>
    %mul3A_1819 = arith.mulf %sub3A_1810, %sub3A_1818 : vector<8192xf32>
    %get3A_1820 = arith.constant 11 : index
    %get3A_1821 = arith.constant 2 : index
    %get3A_1822 = arith.constant 0 : index
    %get3A_1823 = vector.load %arg2[%get3A_1820, %get3A_1821, %get3A_1822] : memref<16x4x8192xf32, #tpu.memory_space<vmem>>, vector<1x1x8192xf32>
    %get3A_1824 = vector.shape_cast %get3A_1823 : vector<1x1x8192xf32> to vector<8192xf32>
    %sub3A_1825 = arith.constant 1.000000e+00 : f32
    %sub3A_1826 = vector.broadcast %sub3A_1825 : f32 to vector<8192xf32>
    %sub3A_1827 = arith.subf %sub3A_1826, %get3A_1824 : vector<8192xf32>
    %mul3A_1828 = arith.mulf %mul3A_1819, %sub3A_1827 : vector<8192xf32>
    %get3A_1829 = arith.constant 11 : index
    %get3A_1830 = arith.constant 3 : index
    %get3A_1831 = arith.constant 0 : index
    %get3A_1832 = vector.load %arg2[%get3A_1829, %get3A_1830, %get3A_1831] : memref<16x4x8192xf32, #tpu.memory_space<vmem>>, vector<1x1x8192xf32>
    %get3A_1833 = vector.shape_cast %get3A_1832 : vector<1x1x8192xf32> to vector<8192xf32>
    %sub3A_1834 = arith.constant 1.000000e+00 : f32
    %sub3A_1835 = vector.broadcast %sub3A_1834 : f32 to vector<8192xf32>
    %sub3A_1836 = arith.subf %sub3A_1835, %get3A_1833 : vector<8192xf32>
    %mul3A_1837 = arith.mulf %mul3A_1828, %sub3A_1836 : vector<8192xf32>
    %sub3A_1838 = arith.constant 1.000000e+00 : f32
    %sub3A_1839 = vector.broadcast %sub3A_1838 : f32 to vector<8192xf32>
    %sub3A_1840 = arith.subf %sub3A_1839, %get3A_1802 : vector<8192xf32>
    %sub3A_1841 = arith.constant 1.000000e+00 : f32
    %sub3A_1842 = vector.broadcast %sub3A_1841 : f32 to vector<8192xf32>
    %sub3A_1843 = arith.subf %sub3A_1842, %mul3A_1837 : vector<8192xf32>
    %mul3A_1844 = arith.mulf %sub3A_1840, %sub3A_1843 : vector<8192xf32>
    %add3A_1845 = arith.addf %get3A_1802, %mul3A_1844 : vector<8192xf32>
    %get3A_1846 = arith.constant 11 : index
    %get3A_1847 = arith.constant 0 : index
    %get3A_1848 = memref.load %arg1[%get3A_1846, %get3A_1847] : memref<16x8xf32, #tpu.memory_space<smem>>
    %get3A_1849 = arith.constant 11 : index
    %get3A_1850 = arith.constant 0 : index
    %get3A_1851 = arith.constant 0 : index
    %get3A_1852 = vector.load %arg3[%get3A_1849, %get3A_1850, %get3A_1851] : memref<16x8x8192xf32, #tpu.memory_space<vmem>>, vector<1x1x8192xf32>
    %get3A_1853 = vector.shape_cast %get3A_1852 : vector<1x1x8192xf32> to vector<8192xf32>
    %mul3A_1854 = vector.broadcast %get3A_1848 : f32 to vector<8192xf32>
    %mul3A_1855 = arith.mulf %mul3A_1854, %get3A_1853 : vector<8192xf32>
    %sub3A_1856 = arith.constant 1.000000e+00 : f32
    %sub3A_1857 = vector.broadcast %sub3A_1856 : f32 to vector<8192xf32>
    %sub3A_1858 = arith.subf %sub3A_1857, %mul3A_1855 : vector<8192xf32>
    %get3A_1859 = arith.constant 11 : index
    %get3A_1860 = arith.constant 1 : index
    %get3A_1861 = memref.load %arg1[%get3A_1859, %get3A_1860] : memref<16x8xf32, #tpu.memory_space<smem>>
    %get3A_1862 = arith.constant 11 : index
    %get3A_1863 = arith.constant 1 : index
    %get3A_1864 = arith.constant 0 : index
    %get3A_1865 = vector.load %arg3[%get3A_1862, %get3A_1863, %get3A_1864] : memref<16x8x8192xf32, #tpu.memory_space<vmem>>, vector<1x1x8192xf32>
    %get3A_1866 = vector.shape_cast %get3A_1865 : vector<1x1x8192xf32> to vector<8192xf32>
    %mul3A_1867 = vector.broadcast %get3A_1861 : f32 to vector<8192xf32>
    %mul3A_1868 = arith.mulf %mul3A_1867, %get3A_1866 : vector<8192xf32>
    %sub3A_1869 = arith.constant 1.000000e+00 : f32
    %sub3A_1870 = vector.broadcast %sub3A_1869 : f32 to vector<8192xf32>
    %sub3A_1871 = arith.subf %sub3A_1870, %mul3A_1868 : vector<8192xf32>
    %mul3A_1872 = arith.mulf %sub3A_1858, %sub3A_1871 : vector<8192xf32>
    %get3A_1873 = arith.constant 11 : index
    %get3A_1874 = arith.constant 2 : index
    %get3A_1875 = memref.load %arg1[%get3A_1873, %get3A_1874] : memref<16x8xf32, #tpu.memory_space<smem>>
    %get3A_1876 = arith.constant 11 : index
    %get3A_1877 = arith.constant 2 : index
    %get3A_1878 = arith.constant 0 : index
    %get3A_1879 = vector.load %arg3[%get3A_1876, %get3A_1877, %get3A_1878] : memref<16x8x8192xf32, #tpu.memory_space<vmem>>, vector<1x1x8192xf32>
    %get3A_1880 = vector.shape_cast %get3A_1879 : vector<1x1x8192xf32> to vector<8192xf32>
    %mul3A_1881 = vector.broadcast %get3A_1875 : f32 to vector<8192xf32>
    %mul3A_1882 = arith.mulf %mul3A_1881, %get3A_1880 : vector<8192xf32>
    %sub3A_1883 = arith.constant 1.000000e+00 : f32
    %sub3A_1884 = vector.broadcast %sub3A_1883 : f32 to vector<8192xf32>
    %sub3A_1885 = arith.subf %sub3A_1884, %mul3A_1882 : vector<8192xf32>
    %mul3A_1886 = arith.mulf %mul3A_1872, %sub3A_1885 : vector<8192xf32>
    %get3A_1887 = arith.constant 11 : index
    %get3A_1888 = arith.constant 3 : index
    %get3A_1889 = memref.load %arg1[%get3A_1887, %get3A_1888] : memref<16x8xf32, #tpu.memory_space<smem>>
    %get3A_1890 = arith.constant 11 : index
    %get3A_1891 = arith.constant 3 : index
    %get3A_1892 = arith.constant 0 : index
    %get3A_1893 = vector.load %arg3[%get3A_1890, %get3A_1891, %get3A_1892] : memref<16x8x8192xf32, #tpu.memory_space<vmem>>, vector<1x1x8192xf32>
    %get3A_1894 = vector.shape_cast %get3A_1893 : vector<1x1x8192xf32> to vector<8192xf32>
    %mul3A_1895 = vector.broadcast %get3A_1889 : f32 to vector<8192xf32>
    %mul3A_1896 = arith.mulf %mul3A_1895, %get3A_1894 : vector<8192xf32>
    %sub3A_1897 = arith.constant 1.000000e+00 : f32
    %sub3A_1898 = vector.broadcast %sub3A_1897 : f32 to vector<8192xf32>
    %sub3A_1899 = arith.subf %sub3A_1898, %mul3A_1896 : vector<8192xf32>
    %mul3A_1900 = arith.mulf %mul3A_1886, %sub3A_1899 : vector<8192xf32>
    %get3A_1901 = arith.constant 11 : index
    %get3A_1902 = arith.constant 4 : index
    %get3A_1903 = memref.load %arg1[%get3A_1901, %get3A_1902] : memref<16x8xf32, #tpu.memory_space<smem>>
    %get3A_1904 = arith.constant 11 : index
    %get3A_1905 = arith.constant 4 : index
    %get3A_1906 = arith.constant 0 : index
    %get3A_1907 = vector.load %arg3[%get3A_1904, %get3A_1905, %get3A_1906] : memref<16x8x8192xf32, #tpu.memory_space<vmem>>, vector<1x1x8192xf32>
    %get3A_1908 = vector.shape_cast %get3A_1907 : vector<1x1x8192xf32> to vector<8192xf32>
    %mul3A_1909 = vector.broadcast %get3A_1903 : f32 to vector<8192xf32>
    %mul3A_1910 = arith.mulf %mul3A_1909, %get3A_1908 : vector<8192xf32>
    %sub3A_1911 = arith.constant 1.000000e+00 : f32
    %sub3A_1912 = vector.broadcast %sub3A_1911 : f32 to vector<8192xf32>
    %sub3A_1913 = arith.subf %sub3A_1912, %mul3A_1910 : vector<8192xf32>
    %mul3A_1914 = arith.mulf %mul3A_1900, %sub3A_1913 : vector<8192xf32>
    %get3A_1915 = arith.constant 11 : index
    %get3A_1916 = arith.constant 5 : index
    %get3A_1917 = memref.load %arg1[%get3A_1915, %get3A_1916] : memref<16x8xf32, #tpu.memory_space<smem>>
    %get3A_1918 = arith.constant 11 : index
    %get3A_1919 = arith.constant 5 : index
    %get3A_1920 = arith.constant 0 : index
    %get3A_1921 = vector.load %arg3[%get3A_1918, %get3A_1919, %get3A_1920] : memref<16x8x8192xf32, #tpu.memory_space<vmem>>, vector<1x1x8192xf32>
    %get3A_1922 = vector.shape_cast %get3A_1921 : vector<1x1x8192xf32> to vector<8192xf32>
    %mul3A_1923 = vector.broadcast %get3A_1917 : f32 to vector<8192xf32>
    %mul3A_1924 = arith.mulf %mul3A_1923, %get3A_1922 : vector<8192xf32>
    %sub3A_1925 = arith.constant 1.000000e+00 : f32
    %sub3A_1926 = vector.broadcast %sub3A_1925 : f32 to vector<8192xf32>
    %sub3A_1927 = arith.subf %sub3A_1926, %mul3A_1924 : vector<8192xf32>
    %mul3A_1928 = arith.mulf %mul3A_1914, %sub3A_1927 : vector<8192xf32>
    %get3A_1929 = arith.constant 11 : index
    %get3A_1930 = arith.constant 6 : index
    %get3A_1931 = memref.load %arg1[%get3A_1929, %get3A_1930] : memref<16x8xf32, #tpu.memory_space<smem>>
    %get3A_1932 = arith.constant 11 : index
    %get3A_1933 = arith.constant 6 : index
    %get3A_1934 = arith.constant 0 : index
    %get3A_1935 = vector.load %arg3[%get3A_1932, %get3A_1933, %get3A_1934] : memref<16x8x8192xf32, #tpu.memory_space<vmem>>, vector<1x1x8192xf32>
    %get3A_1936 = vector.shape_cast %get3A_1935 : vector<1x1x8192xf32> to vector<8192xf32>
    %mul3A_1937 = vector.broadcast %get3A_1931 : f32 to vector<8192xf32>
    %mul3A_1938 = arith.mulf %mul3A_1937, %get3A_1936 : vector<8192xf32>
    %sub3A_1939 = arith.constant 1.000000e+00 : f32
    %sub3A_1940 = vector.broadcast %sub3A_1939 : f32 to vector<8192xf32>
    %sub3A_1941 = arith.subf %sub3A_1940, %mul3A_1938 : vector<8192xf32>
    %mul3A_1942 = arith.mulf %mul3A_1928, %sub3A_1941 : vector<8192xf32>
    %get3A_1943 = arith.constant 11 : index
    %get3A_1944 = arith.constant 7 : index
    %get3A_1945 = memref.load %arg1[%get3A_1943, %get3A_1944] : memref<16x8xf32, #tpu.memory_space<smem>>
    %get3A_1946 = arith.constant 11 : index
    %get3A_1947 = arith.constant 7 : index
    %get3A_1948 = arith.constant 0 : index
    %get3A_1949 = vector.load %arg3[%get3A_1946, %get3A_1947, %get3A_1948] : memref<16x8x8192xf32, #tpu.memory_space<vmem>>, vector<1x1x8192xf32>
    %get3A_1950 = vector.shape_cast %get3A_1949 : vector<1x1x8192xf32> to vector<8192xf32>
    %mul3A_1951 = vector.broadcast %get3A_1945 : f32 to vector<8192xf32>
    %mul3A_1952 = arith.mulf %mul3A_1951, %get3A_1950 : vector<8192xf32>
    %sub3A_1953 = arith.constant 1.000000e+00 : f32
    %sub3A_1954 = vector.broadcast %sub3A_1953 : f32 to vector<8192xf32>
    %sub3A_1955 = arith.subf %sub3A_1954, %mul3A_1952 : vector<8192xf32>
    %mul3A_1956 = arith.mulf %mul3A_1942, %sub3A_1955 : vector<8192xf32>
    %mul3A_1957 = arith.mulf %add3A_1845, %mul3A_1956 : vector<8192xf32>
    %swap3A_1958 = arith.constant 11 : index
    %swap3A_1959 = arith.constant 0 : index
    %swap3A_1960 = vector.load %arg5[%swap3A_1958, %swap3A_1959] : memref<16x8192xf32, #tpu.memory_space<vmem>>, vector<1x8192xf32>
    %swap3A_1961 = vector.shape_cast %swap3A_1960 : vector<1x8192xf32> to vector<8192xf32>
    %swap3A_1962 = vector.shape_cast %mul3A_1957 : vector<8192xf32> to vector<1x8192xf32>
    tpu.vector_store %arg5[%swap3A_1958, %swap3A_1959], %swap3A_1962 {strides = array<i32>} : memref<16x8192xf32, #tpu.memory_space<vmem>>, vector<1x8192xf32>,
    %get3A_1963 = arith.constant 12 : index
    %get3A_1964 = arith.constant 0 : index
    %get3A_1965 = vector.load %arg4[%get3A_1963, %get3A_1964] : memref<16x8192xf32, #tpu.memory_space<vmem>>, vector<1x8192xf32>
    %get3A_1966 = vector.shape_cast %get3A_1965 : vector<1x8192xf32> to vector<8192xf32>
    %get3A_1967 = arith.constant 12 : index
    %get3A_1968 = arith.constant 0 : index
    %get3A_1969 = arith.constant 0 : index
    %get3A_1970 = vector.load %arg2[%get3A_1967, %get3A_1968, %get3A_1969] : memref<16x4x8192xf32, #tpu.memory_space<vmem>>, vector<1x1x8192xf32>
    %get3A_1971 = vector.shape_cast %get3A_1970 : vector<1x1x8192xf32> to vector<8192xf32>
    %sub3A_1972 = arith.constant 1.000000e+00 : f32
    %sub3A_1973 = vector.broadcast %sub3A_1972 : f32 to vector<8192xf32>
    %sub3A_1974 = arith.subf %sub3A_1973, %get3A_1971 : vector<8192xf32>
    %get3A_1975 = arith.constant 12 : index
    %get3A_1976 = arith.constant 1 : index
    %get3A_1977 = arith.constant 0 : index
    %get3A_1978 = vector.load %arg2[%get3A_1975, %get3A_1976, %get3A_1977] : memref<16x4x8192xf32, #tpu.memory_space<vmem>>, vector<1x1x8192xf32>
    %get3A_1979 = vector.shape_cast %get3A_1978 : vector<1x1x8192xf32> to vector<8192xf32>
    %sub3A_1980 = arith.constant 1.000000e+00 : f32
    %sub3A_1981 = vector.broadcast %sub3A_1980 : f32 to vector<8192xf32>
    %sub3A_1982 = arith.subf %sub3A_1981, %get3A_1979 : vector<8192xf32>
    %mul3A_1983 = arith.mulf %sub3A_1974, %sub3A_1982 : vector<8192xf32>
    %get3A_1984 = arith.constant 12 : index
    %get3A_1985 = arith.constant 2 : index
    %get3A_1986 = arith.constant 0 : index
    %get3A_1987 = vector.load %arg2[%get3A_1984, %get3A_1985, %get3A_1986] : memref<16x4x8192xf32, #tpu.memory_space<vmem>>, vector<1x1x8192xf32>
    %get3A_1988 = vector.shape_cast %get3A_1987 : vector<1x1x8192xf32> to vector<8192xf32>
    %sub3A_1989 = arith.constant 1.000000e+00 : f32
    %sub3A_1990 = vector.broadcast %sub3A_1989 : f32 to vector<8192xf32>
    %sub3A_1991 = arith.subf %sub3A_1990, %get3A_1988 : vector<8192xf32>
    %mul3A_1992 = arith.mulf %mul3A_1983, %sub3A_1991 : vector<8192xf32>
    %get3A_1993 = arith.constant 12 : index
    %get3A_1994 = arith.constant 3 : index
    %get3A_1995 = arith.constant 0 : index
    %get3A_1996 = vector.load %arg2[%get3A_1993, %get3A_1994, %get3A_1995] : memref<16x4x8192xf32, #tpu.memory_space<vmem>>, vector<1x1x8192xf32>
    %get3A_1997 = vector.shape_cast %get3A_1996 : vector<1x1x8192xf32> to vector<8192xf32>
    %sub3A_1998 = arith.constant 1.000000e+00 : f32
    %sub3A_1999 = vector.broadcast %sub3A_1998 : f32 to vector<8192xf32>
    %sub3A_2000 = arith.subf %sub3A_1999, %get3A_1997 : vector<8192xf32>
    %mul3A_2001 = arith.mulf %mul3A_1992, %sub3A_2000 : vector<8192xf32>
    %sub3A_2002 = arith.constant 1.000000e+00 : f32
    %sub3A_2003 = vector.broadcast %sub3A_2002 : f32 to vector<8192xf32>
    %sub3A_2004 = arith.subf %sub3A_2003, %get3A_1966 : vector<8192xf32>
    %sub3A_2005 = arith.constant 1.000000e+00 : f32
    %sub3A_2006 = vector.broadcast %sub3A_2005 : f32 to vector<8192xf32>
    %sub3A_2007 = arith.subf %sub3A_2006, %mul3A_2001 : vector<8192xf32>
    %mul3A_2008 = arith.mulf %sub3A_2004, %sub3A_2007 : vector<8192xf32>
    %add3A_2009 = arith.addf %get3A_1966, %mul3A_2008 : vector<8192xf32>
    %get3A_2010 = arith.constant 12 : index
    %get3A_2011 = arith.constant 0 : index
    %get3A_2012 = memref.load %arg1[%get3A_2010, %get3A_2011] : memref<16x8xf32, #tpu.memory_space<smem>>
    %get3A_2013 = arith.constant 12 : index
    %get3A_2014 = arith.constant 0 : index
    %get3A_2015 = arith.constant 0 : index
    %get3A_2016 = vector.load %arg3[%get3A_2013, %get3A_2014, %get3A_2015] : memref<16x8x8192xf32, #tpu.memory_space<vmem>>, vector<1x1x8192xf32>
    %get3A_2017 = vector.shape_cast %get3A_2016 : vector<1x1x8192xf32> to vector<8192xf32>
    %mul3A_2018 = vector.broadcast %get3A_2012 : f32 to vector<8192xf32>
    %mul3A_2019 = arith.mulf %mul3A_2018, %get3A_2017 : vector<8192xf32>
    %sub3A_2020 = arith.constant 1.000000e+00 : f32
    %sub3A_2021 = vector.broadcast %sub3A_2020 : f32 to vector<8192xf32>
    %sub3A_2022 = arith.subf %sub3A_2021, %mul3A_2019 : vector<8192xf32>
    %get3A_2023 = arith.constant 12 : index
    %get3A_2024 = arith.constant 1 : index
    %get3A_2025 = memref.load %arg1[%get3A_2023, %get3A_2024] : memref<16x8xf32, #tpu.memory_space<smem>>
    %get3A_2026 = arith.constant 12 : index
    %get3A_2027 = arith.constant 1 : index
    %get3A_2028 = arith.constant 0 : index
    %get3A_2029 = vector.load %arg3[%get3A_2026, %get3A_2027, %get3A_2028] : memref<16x8x8192xf32, #tpu.memory_space<vmem>>, vector<1x1x8192xf32>
    %get3A_2030 = vector.shape_cast %get3A_2029 : vector<1x1x8192xf32> to vector<8192xf32>
    %mul3A_2031 = vector.broadcast %get3A_2025 : f32 to vector<8192xf32>
    %mul3A_2032 = arith.mulf %mul3A_2031, %get3A_2030 : vector<8192xf32>
    %sub3A_2033 = arith.constant 1.000000e+00 : f32
    %sub3A_2034 = vector.broadcast %sub3A_2033 : f32 to vector<8192xf32>
    %sub3A_2035 = arith.subf %sub3A_2034, %mul3A_2032 : vector<8192xf32>
    %mul3A_2036 = arith.mulf %sub3A_2022, %sub3A_2035 : vector<8192xf32>
    %get3A_2037 = arith.constant 12 : index
    %get3A_2038 = arith.constant 2 : index
    %get3A_2039 = memref.load %arg1[%get3A_2037, %get3A_2038] : memref<16x8xf32, #tpu.memory_space<smem>>
    %get3A_2040 = arith.constant 12 : index
    %get3A_2041 = arith.constant 2 : index
    %get3A_2042 = arith.constant 0 : index
    %get3A_2043 = vector.load %arg3[%get3A_2040, %get3A_2041, %get3A_2042] : memref<16x8x8192xf32, #tpu.memory_space<vmem>>, vector<1x1x8192xf32>
    %get3A_2044 = vector.shape_cast %get3A_2043 : vector<1x1x8192xf32> to vector<8192xf32>
    %mul3A_2045 = vector.broadcast %get3A_2039 : f32 to vector<8192xf32>
    %mul3A_2046 = arith.mulf %mul3A_2045, %get3A_2044 : vector<8192xf32>
    %sub3A_2047 = arith.constant 1.000000e+00 : f32
    %sub3A_2048 = vector.broadcast %sub3A_2047 : f32 to vector<8192xf32>
    %sub3A_2049 = arith.subf %sub3A_2048, %mul3A_2046 : vector<8192xf32>
    %mul3A_2050 = arith.mulf %mul3A_2036, %sub3A_2049 : vector<8192xf32>
    %get3A_2051 = arith.constant 12 : index
    %get3A_2052 = arith.constant 3 : index
    %get3A_2053 = memref.load %arg1[%get3A_2051, %get3A_2052] : memref<16x8xf32, #tpu.memory_space<smem>>
    %get3A_2054 = arith.constant 12 : index
    %get3A_2055 = arith.constant 3 : index
    %get3A_2056 = arith.constant 0 : index
    %get3A_2057 = vector.load %arg3[%get3A_2054, %get3A_2055, %get3A_2056] : memref<16x8x8192xf32, #tpu.memory_space<vmem>>, vector<1x1x8192xf32>
    %get3A_2058 = vector.shape_cast %get3A_2057 : vector<1x1x8192xf32> to vector<8192xf32>
    %mul3A_2059 = vector.broadcast %get3A_2053 : f32 to vector<8192xf32>
    %mul3A_2060 = arith.mulf %mul3A_2059, %get3A_2058 : vector<8192xf32>
    %sub3A_2061 = arith.constant 1.000000e+00 : f32
    %sub3A_2062 = vector.broadcast %sub3A_2061 : f32 to vector<8192xf32>
    %sub3A_2063 = arith.subf %sub3A_2062, %mul3A_2060 : vector<8192xf32>
    %mul3A_2064 = arith.mulf %mul3A_2050, %sub3A_2063 : vector<8192xf32>
    %get3A_2065 = arith.constant 12 : index
    %get3A_2066 = arith.constant 4 : index
    %get3A_2067 = memref.load %arg1[%get3A_2065, %get3A_2066] : memref<16x8xf32, #tpu.memory_space<smem>>
    %get3A_2068 = arith.constant 12 : index
    %get3A_2069 = arith.constant 4 : index
    %get3A_2070 = arith.constant 0 : index
    %get3A_2071 = vector.load %arg3[%get3A_2068, %get3A_2069, %get3A_2070] : memref<16x8x8192xf32, #tpu.memory_space<vmem>>, vector<1x1x8192xf32>
    %get3A_2072 = vector.shape_cast %get3A_2071 : vector<1x1x8192xf32> to vector<8192xf32>
    %mul3A_2073 = vector.broadcast %get3A_2067 : f32 to vector<8192xf32>
    %mul3A_2074 = arith.mulf %mul3A_2073, %get3A_2072 : vector<8192xf32>
    %sub3A_2075 = arith.constant 1.000000e+00 : f32
    %sub3A_2076 = vector.broadcast %sub3A_2075 : f32 to vector<8192xf32>
    %sub3A_2077 = arith.subf %sub3A_2076, %mul3A_2074 : vector<8192xf32>
    %mul3A_2078 = arith.mulf %mul3A_2064, %sub3A_2077 : vector<8192xf32>
    %get3A_2079 = arith.constant 12 : index
    %get3A_2080 = arith.constant 5 : index
    %get3A_2081 = memref.load %arg1[%get3A_2079, %get3A_2080] : memref<16x8xf32, #tpu.memory_space<smem>>
    %get3A_2082 = arith.constant 12 : index
    %get3A_2083 = arith.constant 5 : index
    %get3A_2084 = arith.constant 0 : index
    %get3A_2085 = vector.load %arg3[%get3A_2082, %get3A_2083, %get3A_2084] : memref<16x8x8192xf32, #tpu.memory_space<vmem>>, vector<1x1x8192xf32>
    %get3A_2086 = vector.shape_cast %get3A_2085 : vector<1x1x8192xf32> to vector<8192xf32>
    %mul3A_2087 = vector.broadcast %get3A_2081 : f32 to vector<8192xf32>
    %mul3A_2088 = arith.mulf %mul3A_2087, %get3A_2086 : vector<8192xf32>
    %sub3A_2089 = arith.constant 1.000000e+00 : f32
    %sub3A_2090 = vector.broadcast %sub3A_2089 : f32 to vector<8192xf32>
    %sub3A_2091 = arith.subf %sub3A_2090, %mul3A_2088 : vector<8192xf32>
    %mul3A_2092 = arith.mulf %mul3A_2078, %sub3A_2091 : vector<8192xf32>
    %get3A_2093 = arith.constant 12 : index
    %get3A_2094 = arith.constant 6 : index
    %get3A_2095 = memref.load %arg1[%get3A_2093, %get3A_2094] : memref<16x8xf32, #tpu.memory_space<smem>>
    %get3A_2096 = arith.constant 12 : index
    %get3A_2097 = arith.constant 6 : index
    %get3A_2098 = arith.constant 0 : index
    %get3A_2099 = vector.load %arg3[%get3A_2096, %get3A_2097, %get3A_2098] : memref<16x8x8192xf32, #tpu.memory_space<vmem>>, vector<1x1x8192xf32>
    %get3A_2100 = vector.shape_cast %get3A_2099 : vector<1x1x8192xf32> to vector<8192xf32>
    %mul3A_2101 = vector.broadcast %get3A_2095 : f32 to vector<8192xf32>
    %mul3A_2102 = arith.mulf %mul3A_2101, %get3A_2100 : vector<8192xf32>
    %sub3A_2103 = arith.constant 1.000000e+00 : f32
    %sub3A_2104 = vector.broadcast %sub3A_2103 : f32 to vector<8192xf32>
    %sub3A_2105 = arith.subf %sub3A_2104, %mul3A_2102 : vector<8192xf32>
    %mul3A_2106 = arith.mulf %mul3A_2092, %sub3A_2105 : vector<8192xf32>
    %get3A_2107 = arith.constant 12 : index
    %get3A_2108 = arith.constant 7 : index
    %get3A_2109 = memref.load %arg1[%get3A_2107, %get3A_2108] : memref<16x8xf32, #tpu.memory_space<smem>>
    %get3A_2110 = arith.constant 12 : index
    %get3A_2111 = arith.constant 7 : index
    %get3A_2112 = arith.constant 0 : index
    %get3A_2113 = vector.load %arg3[%get3A_2110, %get3A_2111, %get3A_2112] : memref<16x8x8192xf32, #tpu.memory_space<vmem>>, vector<1x1x8192xf32>
    %get3A_2114 = vector.shape_cast %get3A_2113 : vector<1x1x8192xf32> to vector<8192xf32>
    %mul3A_2115 = vector.broadcast %get3A_2109 : f32 to vector<8192xf32>
    %mul3A_2116 = arith.mulf %mul3A_2115, %get3A_2114 : vector<8192xf32>
    %sub3A_2117 = arith.constant 1.000000e+00 : f32
    %sub3A_2118 = vector.broadcast %sub3A_2117 : f32 to vector<8192xf32>
    %sub3A_2119 = arith.subf %sub3A_2118, %mul3A_2116 : vector<8192xf32>
    %mul3A_2120 = arith.mulf %mul3A_2106, %sub3A_2119 : vector<8192xf32>
    %mul3A_2121 = arith.mulf %add3A_2009, %mul3A_2120 : vector<8192xf32>
    %swap3A_2122 = arith.constant 12 : index
    %swap3A_2123 = arith.constant 0 : index
    %swap3A_2124 = vector.load %arg5[%swap3A_2122, %swap3A_2123] : memref<16x8192xf32, #tpu.memory_space<vmem>>, vector<1x8192xf32>
    %swap3A_2125 = vector.shape_cast %swap3A_2124 : vector<1x8192xf32> to vector<8192xf32>
    %swap3A_2126 = vector.shape_cast %mul3A_2121 : vector<8192xf32> to vector<1x8192xf32>
    tpu.vector_store %arg5[%swap3A_2122, %swap3A_2123], %swap3A_2126 {strides = array<i32>} : memref<16x8192xf32, #tpu.memory_space<vmem>>, vector<1x8192xf32>,
    %get3A_2127 = arith.constant 13 : index
    %get3A_2128 = arith.constant 0 : index
    %get3A_2129 = vector.load %arg4[%get3A_2127, %get3A_2128] : memref<16x8192xf32, #tpu.memory_space<vmem>>, vector<1x8192xf32>
    %get3A_2130 = vector.shape_cast %get3A_2129 : vector<1x8192xf32> to vector<8192xf32>
    %get3A_2131 = arith.constant 13 : index
    %get3A_2132 = arith.constant 0 : index
    %get3A_2133 = arith.constant 0 : index
    %get3A_2134 = vector.load %arg2[%get3A_2131, %get3A_2132, %get3A_2133] : memref<16x4x8192xf32, #tpu.memory_space<vmem>>, vector<1x1x8192xf32>
    %get3A_2135 = vector.shape_cast %get3A_2134 : vector<1x1x8192xf32> to vector<8192xf32>
    %sub3A_2136 = arith.constant 1.000000e+00 : f32
    %sub3A_2137 = vector.broadcast %sub3A_2136 : f32 to vector<8192xf32>
    %sub3A_2138 = arith.subf %sub3A_2137, %get3A_2135 : vector<8192xf32>
    %get3A_2139 = arith.constant 13 : index
    %get3A_2140 = arith.constant 1 : index
    %get3A_2141 = arith.constant 0 : index
    %get3A_2142 = vector.load %arg2[%get3A_2139, %get3A_2140, %get3A_2141] : memref<16x4x8192xf32, #tpu.memory_space<vmem>>, vector<1x1x8192xf32>
    %get3A_2143 = vector.shape_cast %get3A_2142 : vector<1x1x8192xf32> to vector<8192xf32>
    %sub3A_2144 = arith.constant 1.000000e+00 : f32
    %sub3A_2145 = vector.broadcast %sub3A_2144 : f32 to vector<8192xf32>
    %sub3A_2146 = arith.subf %sub3A_2145, %get3A_2143 : vector<8192xf32>
    %mul3A_2147 = arith.mulf %sub3A_2138, %sub3A_2146 : vector<8192xf32>
    %get3A_2148 = arith.constant 13 : index
    %get3A_2149 = arith.constant 2 : index
    %get3A_2150 = arith.constant 0 : index
    %get3A_2151 = vector.load %arg2[%get3A_2148, %get3A_2149, %get3A_2150] : memref<16x4x8192xf32, #tpu.memory_space<vmem>>, vector<1x1x8192xf32>
    %get3A_2152 = vector.shape_cast %get3A_2151 : vector<1x1x8192xf32> to vector<8192xf32>
    %sub3A_2153 = arith.constant 1.000000e+00 : f32
    %sub3A_2154 = vector.broadcast %sub3A_2153 : f32 to vector<8192xf32>
    %sub3A_2155 = arith.subf %sub3A_2154, %get3A_2152 : vector<8192xf32>
    %mul3A_2156 = arith.mulf %mul3A_2147, %sub3A_2155 : vector<8192xf32>
    %get3A_2157 = arith.constant 13 : index
    %get3A_2158 = arith.constant 3 : index
    %get3A_2159 = arith.constant 0 : index
    %get3A_2160 = vector.load %arg2[%get3A_2157, %get3A_2158, %get3A_2159] : memref<16x4x8192xf32, #tpu.memory_space<vmem>>, vector<1x1x8192xf32>
    %get3A_2161 = vector.shape_cast %get3A_2160 : vector<1x1x8192xf32> to vector<8192xf32>
    %sub3A_2162 = arith.constant 1.000000e+00 : f32
    %sub3A_2163 = vector.broadcast %sub3A_2162 : f32 to vector<8192xf32>
    %sub3A_2164 = arith.subf %sub3A_2163, %get3A_2161 : vector<8192xf32>
    %mul3A_2165 = arith.mulf %mul3A_2156, %sub3A_2164 : vector<8192xf32>
    %sub3A_2166 = arith.constant 1.000000e+00 : f32
    %sub3A_2167 = vector.broadcast %sub3A_2166 : f32 to vector<8192xf32>
    %sub3A_2168 = arith.subf %sub3A_2167, %get3A_2130 : vector<8192xf32>
    %sub3A_2169 = arith.constant 1.000000e+00 : f32
    %sub3A_2170 = vector.broadcast %sub3A_2169 : f32 to vector<8192xf32>
    %sub3A_2171 = arith.subf %sub3A_2170, %mul3A_2165 : vector<8192xf32>
    %mul3A_2172 = arith.mulf %sub3A_2168, %sub3A_2171 : vector<8192xf32>
    %add3A_2173 = arith.addf %get3A_2130, %mul3A_2172 : vector<8192xf32>
    %get3A_2174 = arith.constant 13 : index
    %get3A_2175 = arith.constant 0 : index
    %get3A_2176 = memref.load %arg1[%get3A_2174, %get3A_2175] : memref<16x8xf32, #tpu.memory_space<smem>>
    %get3A_2177 = arith.constant 13 : index
    %get3A_2178 = arith.constant 0 : index
    %get3A_2179 = arith.constant 0 : index
    %get3A_2180 = vector.load %arg3[%get3A_2177, %get3A_2178, %get3A_2179] : memref<16x8x8192xf32, #tpu.memory_space<vmem>>, vector<1x1x8192xf32>
    %get3A_2181 = vector.shape_cast %get3A_2180 : vector<1x1x8192xf32> to vector<8192xf32>
    %mul3A_2182 = vector.broadcast %get3A_2176 : f32 to vector<8192xf32>
    %mul3A_2183 = arith.mulf %mul3A_2182, %get3A_2181 : vector<8192xf32>
    %sub3A_2184 = arith.constant 1.000000e+00 : f32
    %sub3A_2185 = vector.broadcast %sub3A_2184 : f32 to vector<8192xf32>
    %sub3A_2186 = arith.subf %sub3A_2185, %mul3A_2183 : vector<8192xf32>
    %get3A_2187 = arith.constant 13 : index
    %get3A_2188 = arith.constant 1 : index
    %get3A_2189 = memref.load %arg1[%get3A_2187, %get3A_2188] : memref<16x8xf32, #tpu.memory_space<smem>>
    %get3A_2190 = arith.constant 13 : index
    %get3A_2191 = arith.constant 1 : index
    %get3A_2192 = arith.constant 0 : index
    %get3A_2193 = vector.load %arg3[%get3A_2190, %get3A_2191, %get3A_2192] : memref<16x8x8192xf32, #tpu.memory_space<vmem>>, vector<1x1x8192xf32>
    %get3A_2194 = vector.shape_cast %get3A_2193 : vector<1x1x8192xf32> to vector<8192xf32>
    %mul3A_2195 = vector.broadcast %get3A_2189 : f32 to vector<8192xf32>
    %mul3A_2196 = arith.mulf %mul3A_2195, %get3A_2194 : vector<8192xf32>
    %sub3A_2197 = arith.constant 1.000000e+00 : f32
    %sub3A_2198 = vector.broadcast %sub3A_2197 : f32 to vector<8192xf32>
    %sub3A_2199 = arith.subf %sub3A_2198, %mul3A_2196 : vector<8192xf32>
    %mul3A_2200 = arith.mulf %sub3A_2186, %sub3A_2199 : vector<8192xf32>
    %get3A_2201 = arith.constant 13 : index
    %get3A_2202 = arith.constant 2 : index
    %get3A_2203 = memref.load %arg1[%get3A_2201, %get3A_2202] : memref<16x8xf32, #tpu.memory_space<smem>>
    %get3A_2204 = arith.constant 13 : index
    %get3A_2205 = arith.constant 2 : index
    %get3A_2206 = arith.constant 0 : index
    %get3A_2207 = vector.load %arg3[%get3A_2204, %get3A_2205, %get3A_2206] : memref<16x8x8192xf32, #tpu.memory_space<vmem>>, vector<1x1x8192xf32>
    %get3A_2208 = vector.shape_cast %get3A_2207 : vector<1x1x8192xf32> to vector<8192xf32>
    %mul3A_2209 = vector.broadcast %get3A_2203 : f32 to vector<8192xf32>
    %mul3A_2210 = arith.mulf %mul3A_2209, %get3A_2208 : vector<8192xf32>
    %sub3A_2211 = arith.constant 1.000000e+00 : f32
    %sub3A_2212 = vector.broadcast %sub3A_2211 : f32 to vector<8192xf32>
    %sub3A_2213 = arith.subf %sub3A_2212, %mul3A_2210 : vector<8192xf32>
    %mul3A_2214 = arith.mulf %mul3A_2200, %sub3A_2213 : vector<8192xf32>
    %get3A_2215 = arith.constant 13 : index
    %get3A_2216 = arith.constant 3 : index
    %get3A_2217 = memref.load %arg1[%get3A_2215, %get3A_2216] : memref<16x8xf32, #tpu.memory_space<smem>>
    %get3A_2218 = arith.constant 13 : index
    %get3A_2219 = arith.constant 3 : index
    %get3A_2220 = arith.constant 0 : index
    %get3A_2221 = vector.load %arg3[%get3A_2218, %get3A_2219, %get3A_2220] : memref<16x8x8192xf32, #tpu.memory_space<vmem>>, vector<1x1x8192xf32>
    %get3A_2222 = vector.shape_cast %get3A_2221 : vector<1x1x8192xf32> to vector<8192xf32>
    %mul3A_2223 = vector.broadcast %get3A_2217 : f32 to vector<8192xf32>
    %mul3A_2224 = arith.mulf %mul3A_2223, %get3A_2222 : vector<8192xf32>
    %sub3A_2225 = arith.constant 1.000000e+00 : f32
    %sub3A_2226 = vector.broadcast %sub3A_2225 : f32 to vector<8192xf32>
    %sub3A_2227 = arith.subf %sub3A_2226, %mul3A_2224 : vector<8192xf32>
    %mul3A_2228 = arith.mulf %mul3A_2214, %sub3A_2227 : vector<8192xf32>
    %get3A_2229 = arith.constant 13 : index
    %get3A_2230 = arith.constant 4 : index
    %get3A_2231 = memref.load %arg1[%get3A_2229, %get3A_2230] : memref<16x8xf32, #tpu.memory_space<smem>>
    %get3A_2232 = arith.constant 13 : index
    %get3A_2233 = arith.constant 4 : index
    %get3A_2234 = arith.constant 0 : index
    %get3A_2235 = vector.load %arg3[%get3A_2232, %get3A_2233, %get3A_2234] : memref<16x8x8192xf32, #tpu.memory_space<vmem>>, vector<1x1x8192xf32>
    %get3A_2236 = vector.shape_cast %get3A_2235 : vector<1x1x8192xf32> to vector<8192xf32>
    %mul3A_2237 = vector.broadcast %get3A_2231 : f32 to vector<8192xf32>
    %mul3A_2238 = arith.mulf %mul3A_2237, %get3A_2236 : vector<8192xf32>
    %sub3A_2239 = arith.constant 1.000000e+00 : f32
    %sub3A_2240 = vector.broadcast %sub3A_2239 : f32 to vector<8192xf32>
    %sub3A_2241 = arith.subf %sub3A_2240, %mul3A_2238 : vector<8192xf32>
    %mul3A_2242 = arith.mulf %mul3A_2228, %sub3A_2241 : vector<8192xf32>
    %get3A_2243 = arith.constant 13 : index
    %get3A_2244 = arith.constant 5 : index
    %get3A_2245 = memref.load %arg1[%get3A_2243, %get3A_2244] : memref<16x8xf32, #tpu.memory_space<smem>>
    %get3A_2246 = arith.constant 13 : index
    %get3A_2247 = arith.constant 5 : index
    %get3A_2248 = arith.constant 0 : index
    %get3A_2249 = vector.load %arg3[%get3A_2246, %get3A_2247, %get3A_2248] : memref<16x8x8192xf32, #tpu.memory_space<vmem>>, vector<1x1x8192xf32>
    %get3A_2250 = vector.shape_cast %get3A_2249 : vector<1x1x8192xf32> to vector<8192xf32>
    %mul3A_2251 = vector.broadcast %get3A_2245 : f32 to vector<8192xf32>
    %mul3A_2252 = arith.mulf %mul3A_2251, %get3A_2250 : vector<8192xf32>
    %sub3A_2253 = arith.constant 1.000000e+00 : f32
    %sub3A_2254 = vector.broadcast %sub3A_2253 : f32 to vector<8192xf32>
    %sub3A_2255 = arith.subf %sub3A_2254, %mul3A_2252 : vector<8192xf32>
    %mul3A_2256 = arith.mulf %mul3A_2242, %sub3A_2255 : vector<8192xf32>
    %get3A_2257 = arith.constant 13 : index
    %get3A_2258 = arith.constant 6 : index
    %get3A_2259 = memref.load %arg1[%get3A_2257, %get3A_2258] : memref<16x8xf32, #tpu.memory_space<smem>>
    %get3A_2260 = arith.constant 13 : index
    %get3A_2261 = arith.constant 6 : index
    %get3A_2262 = arith.constant 0 : index
    %get3A_2263 = vector.load %arg3[%get3A_2260, %get3A_2261, %get3A_2262] : memref<16x8x8192xf32, #tpu.memory_space<vmem>>, vector<1x1x8192xf32>
    %get3A_2264 = vector.shape_cast %get3A_2263 : vector<1x1x8192xf32> to vector<8192xf32>
    %mul3A_2265 = vector.broadcast %get3A_2259 : f32 to vector<8192xf32>
    %mul3A_2266 = arith.mulf %mul3A_2265, %get3A_2264 : vector<8192xf32>
    %sub3A_2267 = arith.constant 1.000000e+00 : f32
    %sub3A_2268 = vector.broadcast %sub3A_2267 : f32 to vector<8192xf32>
    %sub3A_2269 = arith.subf %sub3A_2268, %mul3A_2266 : vector<8192xf32>
    %mul3A_2270 = arith.mulf %mul3A_2256, %sub3A_2269 : vector<8192xf32>
    %get3A_2271 = arith.constant 13 : index
    %get3A_2272 = arith.constant 7 : index
    %get3A_2273 = memref.load %arg1[%get3A_2271, %get3A_2272] : memref<16x8xf32, #tpu.memory_space<smem>>
    %get3A_2274 = arith.constant 13 : index
    %get3A_2275 = arith.constant 7 : index
    %get3A_2276 = arith.constant 0 : index
    %get3A_2277 = vector.load %arg3[%get3A_2274, %get3A_2275, %get3A_2276] : memref<16x8x8192xf32, #tpu.memory_space<vmem>>, vector<1x1x8192xf32>
    %get3A_2278 = vector.shape_cast %get3A_2277 : vector<1x1x8192xf32> to vector<8192xf32>
    %mul3A_2279 = vector.broadcast %get3A_2273 : f32 to vector<8192xf32>
    %mul3A_2280 = arith.mulf %mul3A_2279, %get3A_2278 : vector<8192xf32>
    %sub3A_2281 = arith.constant 1.000000e+00 : f32
    %sub3A_2282 = vector.broadcast %sub3A_2281 : f32 to vector<8192xf32>
    %sub3A_2283 = arith.subf %sub3A_2282, %mul3A_2280 : vector<8192xf32>
    %mul3A_2284 = arith.mulf %mul3A_2270, %sub3A_2283 : vector<8192xf32>
    %mul3A_2285 = arith.mulf %add3A_2173, %mul3A_2284 : vector<8192xf32>
    %swap3A_2286 = arith.constant 13 : index
    %swap3A_2287 = arith.constant 0 : index
    %swap3A_2288 = vector.load %arg5[%swap3A_2286, %swap3A_2287] : memref<16x8192xf32, #tpu.memory_space<vmem>>, vector<1x8192xf32>
    %swap3A_2289 = vector.shape_cast %swap3A_2288 : vector<1x8192xf32> to vector<8192xf32>
    %swap3A_2290 = vector.shape_cast %mul3A_2285 : vector<8192xf32> to vector<1x8192xf32>
    tpu.vector_store %arg5[%swap3A_2286, %swap3A_2287], %swap3A_2290 {strides = array<i32>} : memref<16x8192xf32, #tpu.memory_space<vmem>>, vector<1x8192xf32>,
    %get3A_2291 = arith.constant 14 : index
    %get3A_2292 = arith.constant 0 : index
    %get3A_2293 = vector.load %arg4[%get3A_2291, %get3A_2292] : memref<16x8192xf32, #tpu.memory_space<vmem>>, vector<1x8192xf32>
    %get3A_2294 = vector.shape_cast %get3A_2293 : vector<1x8192xf32> to vector<8192xf32>
    %get3A_2295 = arith.constant 14 : index
    %get3A_2296 = arith.constant 0 : index
    %get3A_2297 = arith.constant 0 : index
    %get3A_2298 = vector.load %arg2[%get3A_2295, %get3A_2296, %get3A_2297] : memref<16x4x8192xf32, #tpu.memory_space<vmem>>, vector<1x1x8192xf32>
    %get3A_2299 = vector.shape_cast %get3A_2298 : vector<1x1x8192xf32> to vector<8192xf32>
    %sub3A_2300 = arith.constant 1.000000e+00 : f32
    %sub3A_2301 = vector.broadcast %sub3A_2300 : f32 to vector<8192xf32>
    %sub3A_2302 = arith.subf %sub3A_2301, %get3A_2299 : vector<8192xf32>
    %get3A_2303 = arith.constant 14 : index
    %get3A_2304 = arith.constant 1 : index
    %get3A_2305 = arith.constant 0 : index
    %get3A_2306 = vector.load %arg2[%get3A_2303, %get3A_2304, %get3A_2305] : memref<16x4x8192xf32, #tpu.memory_space<vmem>>, vector<1x1x8192xf32>
    %get3A_2307 = vector.shape_cast %get3A_2306 : vector<1x1x8192xf32> to vector<8192xf32>
    %sub3A_2308 = arith.constant 1.000000e+00 : f32
    %sub3A_2309 = vector.broadcast %sub3A_2308 : f32 to vector<8192xf32>
    %sub3A_2310 = arith.subf %sub3A_2309, %get3A_2307 : vector<8192xf32>
    %mul3A_2311 = arith.mulf %sub3A_2302, %sub3A_2310 : vector<8192xf32>
    %get3A_2312 = arith.constant 14 : index
    %get3A_2313 = arith.constant 2 : index
    %get3A_2314 = arith.constant 0 : index
    %get3A_2315 = vector.load %arg2[%get3A_2312, %get3A_2313, %get3A_2314] : memref<16x4x8192xf32, #tpu.memory_space<vmem>>, vector<1x1x8192xf32>
    %get3A_2316 = vector.shape_cast %get3A_2315 : vector<1x1x8192xf32> to vector<8192xf32>
    %sub3A_2317 = arith.constant 1.000000e+00 : f32
    %sub3A_2318 = vector.broadcast %sub3A_2317 : f32 to vector<8192xf32>
    %sub3A_2319 = arith.subf %sub3A_2318, %get3A_2316 : vector<8192xf32>
    %mul3A_2320 = arith.mulf %mul3A_2311, %sub3A_2319 : vector<8192xf32>
    %get3A_2321 = arith.constant 14 : index
    %get3A_2322 = arith.constant 3 : index
    %get3A_2323 = arith.constant 0 : index
    %get3A_2324 = vector.load %arg2[%get3A_2321, %get3A_2322, %get3A_2323] : memref<16x4x8192xf32, #tpu.memory_space<vmem>>, vector<1x1x8192xf32>
    %get3A_2325 = vector.shape_cast %get3A_2324 : vector<1x1x8192xf32> to vector<8192xf32>
    %sub3A_2326 = arith.constant 1.000000e+00 : f32
    %sub3A_2327 = vector.broadcast %sub3A_2326 : f32 to vector<8192xf32>
    %sub3A_2328 = arith.subf %sub3A_2327, %get3A_2325 : vector<8192xf32>
    %mul3A_2329 = arith.mulf %mul3A_2320, %sub3A_2328 : vector<8192xf32>
    %sub3A_2330 = arith.constant 1.000000e+00 : f32
    %sub3A_2331 = vector.broadcast %sub3A_2330 : f32 to vector<8192xf32>
    %sub3A_2332 = arith.subf %sub3A_2331, %get3A_2294 : vector<8192xf32>
    %sub3A_2333 = arith.constant 1.000000e+00 : f32
    %sub3A_2334 = vector.broadcast %sub3A_2333 : f32 to vector<8192xf32>
    %sub3A_2335 = arith.subf %sub3A_2334, %mul3A_2329 : vector<8192xf32>
    %mul3A_2336 = arith.mulf %sub3A_2332, %sub3A_2335 : vector<8192xf32>
    %add3A_2337 = arith.addf %get3A_2294, %mul3A_2336 : vector<8192xf32>
    %get3A_2338 = arith.constant 14 : index
    %get3A_2339 = arith.constant 0 : index
    %get3A_2340 = memref.load %arg1[%get3A_2338, %get3A_2339] : memref<16x8xf32, #tpu.memory_space<smem>>
    %get3A_2341 = arith.constant 14 : index
    %get3A_2342 = arith.constant 0 : index
    %get3A_2343 = arith.constant 0 : index
    %get3A_2344 = vector.load %arg3[%get3A_2341, %get3A_2342, %get3A_2343] : memref<16x8x8192xf32, #tpu.memory_space<vmem>>, vector<1x1x8192xf32>
    %get3A_2345 = vector.shape_cast %get3A_2344 : vector<1x1x8192xf32> to vector<8192xf32>
    %mul3A_2346 = vector.broadcast %get3A_2340 : f32 to vector<8192xf32>
    %mul3A_2347 = arith.mulf %mul3A_2346, %get3A_2345 : vector<8192xf32>
    %sub3A_2348 = arith.constant 1.000000e+00 : f32
    %sub3A_2349 = vector.broadcast %sub3A_2348 : f32 to vector<8192xf32>
    %sub3A_2350 = arith.subf %sub3A_2349, %mul3A_2347 : vector<8192xf32>
    %get3A_2351 = arith.constant 14 : index
    %get3A_2352 = arith.constant 1 : index
    %get3A_2353 = memref.load %arg1[%get3A_2351, %get3A_2352] : memref<16x8xf32, #tpu.memory_space<smem>>
    %get3A_2354 = arith.constant 14 : index
    %get3A_2355 = arith.constant 1 : index
    %get3A_2356 = arith.constant 0 : index
    %get3A_2357 = vector.load %arg3[%get3A_2354, %get3A_2355, %get3A_2356] : memref<16x8x8192xf32, #tpu.memory_space<vmem>>, vector<1x1x8192xf32>
    %get3A_2358 = vector.shape_cast %get3A_2357 : vector<1x1x8192xf32> to vector<8192xf32>
    %mul3A_2359 = vector.broadcast %get3A_2353 : f32 to vector<8192xf32>
    %mul3A_2360 = arith.mulf %mul3A_2359, %get3A_2358 : vector<8192xf32>
    %sub3A_2361 = arith.constant 1.000000e+00 : f32
    %sub3A_2362 = vector.broadcast %sub3A_2361 : f32 to vector<8192xf32>
    %sub3A_2363 = arith.subf %sub3A_2362, %mul3A_2360 : vector<8192xf32>
    %mul3A_2364 = arith.mulf %sub3A_2350, %sub3A_2363 : vector<8192xf32>
    %get3A_2365 = arith.constant 14 : index
    %get3A_2366 = arith.constant 2 : index
    %get3A_2367 = memref.load %arg1[%get3A_2365, %get3A_2366] : memref<16x8xf32, #tpu.memory_space<smem>>
    %get3A_2368 = arith.constant 14 : index
    %get3A_2369 = arith.constant 2 : index
    %get3A_2370 = arith.constant 0 : index
    %get3A_2371 = vector.load %arg3[%get3A_2368, %get3A_2369, %get3A_2370] : memref<16x8x8192xf32, #tpu.memory_space<vmem>>, vector<1x1x8192xf32>
    %get3A_2372 = vector.shape_cast %get3A_2371 : vector<1x1x8192xf32> to vector<8192xf32>
    %mul3A_2373 = vector.broadcast %get3A_2367 : f32 to vector<8192xf32>
    %mul3A_2374 = arith.mulf %mul3A_2373, %get3A_2372 : vector<8192xf32>
    %sub3A_2375 = arith.constant 1.000000e+00 : f32
    %sub3A_2376 = vector.broadcast %sub3A_2375 : f32 to vector<8192xf32>
    %sub3A_2377 = arith.subf %sub3A_2376, %mul3A_2374 : vector<8192xf32>
    %mul3A_2378 = arith.mulf %mul3A_2364, %sub3A_2377 : vector<8192xf32>
    %get3A_2379 = arith.constant 14 : index
    %get3A_2380 = arith.constant 3 : index
    %get3A_2381 = memref.load %arg1[%get3A_2379, %get3A_2380] : memref<16x8xf32, #tpu.memory_space<smem>>
    %get3A_2382 = arith.constant 14 : index
    %get3A_2383 = arith.constant 3 : index
    %get3A_2384 = arith.constant 0 : index
    %get3A_2385 = vector.load %arg3[%get3A_2382, %get3A_2383, %get3A_2384] : memref<16x8x8192xf32, #tpu.memory_space<vmem>>, vector<1x1x8192xf32>
    %get3A_2386 = vector.shape_cast %get3A_2385 : vector<1x1x8192xf32> to vector<8192xf32>
    %mul3A_2387 = vector.broadcast %get3A_2381 : f32 to vector<8192xf32>
    %mul3A_2388 = arith.mulf %mul3A_2387, %get3A_2386 : vector<8192xf32>
    %sub3A_2389 = arith.constant 1.000000e+00 : f32
    %sub3A_2390 = vector.broadcast %sub3A_2389 : f32 to vector<8192xf32>
    %sub3A_2391 = arith.subf %sub3A_2390, %mul3A_2388 : vector<8192xf32>
    %mul3A_2392 = arith.mulf %mul3A_2378, %sub3A_2391 : vector<8192xf32>
    %get3A_2393 = arith.constant 14 : index
    %get3A_2394 = arith.constant 4 : index
    %get3A_2395 = memref.load %arg1[%get3A_2393, %get3A_2394] : memref<16x8xf32, #tpu.memory_space<smem>>
    %get3A_2396 = arith.constant 14 : index
    %get3A_2397 = arith.constant 4 : index
    %get3A_2398 = arith.constant 0 : index
    %get3A_2399 = vector.load %arg3[%get3A_2396, %get3A_2397, %get3A_2398] : memref<16x8x8192xf32, #tpu.memory_space<vmem>>, vector<1x1x8192xf32>
    %get3A_2400 = vector.shape_cast %get3A_2399 : vector<1x1x8192xf32> to vector<8192xf32>
    %mul3A_2401 = vector.broadcast %get3A_2395 : f32 to vector<8192xf32>
    %mul3A_2402 = arith.mulf %mul3A_2401, %get3A_2400 : vector<8192xf32>
    %sub3A_2403 = arith.constant 1.000000e+00 : f32
    %sub3A_2404 = vector.broadcast %sub3A_2403 : f32 to vector<8192xf32>
    %sub3A_2405 = arith.subf %sub3A_2404, %mul3A_2402 : vector<8192xf32>
    %mul3A_2406 = arith.mulf %mul3A_2392, %sub3A_2405 : vector<8192xf32>
    %get3A_2407 = arith.constant 14 : index
    %get3A_2408 = arith.constant 5 : index
    %get3A_2409 = memref.load %arg1[%get3A_2407, %get3A_2408] : memref<16x8xf32, #tpu.memory_space<smem>>
    %get3A_2410 = arith.constant 14 : index
    %get3A_2411 = arith.constant 5 : index
    %get3A_2412 = arith.constant 0 : index
    %get3A_2413 = vector.load %arg3[%get3A_2410, %get3A_2411, %get3A_2412] : memref<16x8x8192xf32, #tpu.memory_space<vmem>>, vector<1x1x8192xf32>
    %get3A_2414 = vector.shape_cast %get3A_2413 : vector<1x1x8192xf32> to vector<8192xf32>
    %mul3A_2415 = vector.broadcast %get3A_2409 : f32 to vector<8192xf32>
    %mul3A_2416 = arith.mulf %mul3A_2415, %get3A_2414 : vector<8192xf32>
    %sub3A_2417 = arith.constant 1.000000e+00 : f32
    %sub3A_2418 = vector.broadcast %sub3A_2417 : f32 to vector<8192xf32>
    %sub3A_2419 = arith.subf %sub3A_2418, %mul3A_2416 : vector<8192xf32>
    %mul3A_2420 = arith.mulf %mul3A_2406, %sub3A_2419 : vector<8192xf32>
    %get3A_2421 = arith.constant 14 : index
    %get3A_2422 = arith.constant 6 : index
    %get3A_2423 = memref.load %arg1[%get3A_2421, %get3A_2422] : memref<16x8xf32, #tpu.memory_space<smem>>
    %get3A_2424 = arith.constant 14 : index
    %get3A_2425 = arith.constant 6 : index
    %get3A_2426 = arith.constant 0 : index
    %get3A_2427 = vector.load %arg3[%get3A_2424, %get3A_2425, %get3A_2426] : memref<16x8x8192xf32, #tpu.memory_space<vmem>>, vector<1x1x8192xf32>
    %get3A_2428 = vector.shape_cast %get3A_2427 : vector<1x1x8192xf32> to vector<8192xf32>
    %mul3A_2429 = vector.broadcast %get3A_2423 : f32 to vector<8192xf32>
    %mul3A_2430 = arith.mulf %mul3A_2429, %get3A_2428 : vector<8192xf32>
    %sub3A_2431 = arith.constant 1.000000e+00 : f32
    %sub3A_2432 = vector.broadcast %sub3A_2431 : f32 to vector<8192xf32>
    %sub3A_2433 = arith.subf %sub3A_2432, %mul3A_2430 : vector<8192xf32>
    %mul3A_2434 = arith.mulf %mul3A_2420, %sub3A_2433 : vector<8192xf32>
    %get3A_2435 = arith.constant 14 : index
    %get3A_2436 = arith.constant 7 : index
    %get3A_2437 = memref.load %arg1[%get3A_2435, %get3A_2436] : memref<16x8xf32, #tpu.memory_space<smem>>
    %get3A_2438 = arith.constant 14 : index
    %get3A_2439 = arith.constant 7 : index
    %get3A_2440 = arith.constant 0 : index
    %get3A_2441 = vector.load %arg3[%get3A_2438, %get3A_2439, %get3A_2440] : memref<16x8x8192xf32, #tpu.memory_space<vmem>>, vector<1x1x8192xf32>
    %get3A_2442 = vector.shape_cast %get3A_2441 : vector<1x1x8192xf32> to vector<8192xf32>
    %mul3A_2443 = vector.broadcast %get3A_2437 : f32 to vector<8192xf32>
    %mul3A_2444 = arith.mulf %mul3A_2443, %get3A_2442 : vector<8192xf32>
    %sub3A_2445 = arith.constant 1.000000e+00 : f32
    %sub3A_2446 = vector.broadcast %sub3A_2445 : f32 to vector<8192xf32>
    %sub3A_2447 = arith.subf %sub3A_2446, %mul3A_2444 : vector<8192xf32>
    %mul3A_2448 = arith.mulf %mul3A_2434, %sub3A_2447 : vector<8192xf32>
    %mul3A_2449 = arith.mulf %add3A_2337, %mul3A_2448 : vector<8192xf32>
    %swap3A_2450 = arith.constant 14 : index
    %swap3A_2451 = arith.constant 0 : index
    %swap3A_2452 = vector.load %arg5[%swap3A_2450, %swap3A_2451] : memref<16x8192xf32, #tpu.memory_space<vmem>>, vector<1x8192xf32>
    %swap3A_2453 = vector.shape_cast %swap3A_2452 : vector<1x8192xf32> to vector<8192xf32>
    %swap3A_2454 = vector.shape_cast %mul3A_2449 : vector<8192xf32> to vector<1x8192xf32>
    tpu.vector_store %arg5[%swap3A_2450, %swap3A_2451], %swap3A_2454 {strides = array<i32>} : memref<16x8192xf32, #tpu.memory_space<vmem>>, vector<1x8192xf32>,
    %get3A_2455 = arith.constant 15 : index
    %get3A_2456 = arith.constant 0 : index
    %get3A_2457 = vector.load %arg4[%get3A_2455, %get3A_2456] : memref<16x8192xf32, #tpu.memory_space<vmem>>, vector<1x8192xf32>
    %get3A_2458 = vector.shape_cast %get3A_2457 : vector<1x8192xf32> to vector<8192xf32>
    %get3A_2459 = arith.constant 15 : index
    %get3A_2460 = arith.constant 0 : index
    %get3A_2461 = arith.constant 0 : index
    %get3A_2462 = vector.load %arg2[%get3A_2459, %get3A_2460, %get3A_2461] : memref<16x4x8192xf32, #tpu.memory_space<vmem>>, vector<1x1x8192xf32>
    %get3A_2463 = vector.shape_cast %get3A_2462 : vector<1x1x8192xf32> to vector<8192xf32>
    %sub3A_2464 = arith.constant 1.000000e+00 : f32
    %sub3A_2465 = vector.broadcast %sub3A_2464 : f32 to vector<8192xf32>
    %sub3A_2466 = arith.subf %sub3A_2465, %get3A_2463 : vector<8192xf32>
    %get3A_2467 = arith.constant 15 : index
    %get3A_2468 = arith.constant 1 : index
    %get3A_2469 = arith.constant 0 : index
    %get3A_2470 = vector.load %arg2[%get3A_2467, %get3A_2468, %get3A_2469] : memref<16x4x8192xf32, #tpu.memory_space<vmem>>, vector<1x1x8192xf32>
    %get3A_2471 = vector.shape_cast %get3A_2470 : vector<1x1x8192xf32> to vector<8192xf32>
    %sub3A_2472 = arith.constant 1.000000e+00 : f32
    %sub3A_2473 = vector.broadcast %sub3A_2472 : f32 to vector<8192xf32>
    %sub3A_2474 = arith.subf %sub3A_2473, %get3A_2471 : vector<8192xf32>
    %mul3A_2475 = arith.mulf %sub3A_2466, %sub3A_2474 : vector<8192xf32>
    %get3A_2476 = arith.constant 15 : index
    %get3A_2477 = arith.constant 2 : index
    %get3A_2478 = arith.constant 0 : index
    %get3A_2479 = vector.load %arg2[%get3A_2476, %get3A_2477, %get3A_2478] : memref<16x4x8192xf32, #tpu.memory_space<vmem>>, vector<1x1x8192xf32>
    %get3A_2480 = vector.shape_cast %get3A_2479 : vector<1x1x8192xf32> to vector<8192xf32>
    %sub3A_2481 = arith.constant 1.000000e+00 : f32
    %sub3A_2482 = vector.broadcast %sub3A_2481 : f32 to vector<8192xf32>
    %sub3A_2483 = arith.subf %sub3A_2482, %get3A_2480 : vector<8192xf32>
    %mul3A_2484 = arith.mulf %mul3A_2475, %sub3A_2483 : vector<8192xf32>
    %get3A_2485 = arith.constant 15 : index
    %get3A_2486 = arith.constant 3 : index
    %get3A_2487 = arith.constant 0 : index
    %get3A_2488 = vector.load %arg2[%get3A_2485, %get3A_2486, %get3A_2487] : memref<16x4x8192xf32, #tpu.memory_space<vmem>>, vector<1x1x8192xf32>
    %get3A_2489 = vector.shape_cast %get3A_2488 : vector<1x1x8192xf32> to vector<8192xf32>
    %sub3A_2490 = arith.constant 1.000000e+00 : f32
    %sub3A_2491 = vector.broadcast %sub3A_2490 : f32 to vector<8192xf32>
    %sub3A_2492 = arith.subf %sub3A_2491, %get3A_2489 : vector<8192xf32>
    %mul3A_2493 = arith.mulf %mul3A_2484, %sub3A_2492 : vector<8192xf32>
    %sub3A_2494 = arith.constant 1.000000e+00 : f32
    %sub3A_2495 = vector.broadcast %sub3A_2494 : f32 to vector<8192xf32>
    %sub3A_2496 = arith.subf %sub3A_2495, %get3A_2458 : vector<8192xf32>
    %sub3A_2497 = arith.constant 1.000000e+00 : f32
    %sub3A_2498 = vector.broadcast %sub3A_2497 : f32 to vector<8192xf32>
    %sub3A_2499 = arith.subf %sub3A_2498, %mul3A_2493 : vector<8192xf32>
    %mul3A_2500 = arith.mulf %sub3A_2496, %sub3A_2499 : vector<8192xf32>
    %add3A_2501 = arith.addf %get3A_2458, %mul3A_2500 : vector<8192xf32>
    %get3A_2502 = arith.constant 15 : index
    %get3A_2503 = arith.constant 0 : index
    %get3A_2504 = memref.load %arg1[%get3A_2502, %get3A_2503] : memref<16x8xf32, #tpu.memory_space<smem>>
    %get3A_2505 = arith.constant 15 : index
    %get3A_2506 = arith.constant 0 : index
    %get3A_2507 = arith.constant 0 : index
    %get3A_2508 = vector.load %arg3[%get3A_2505, %get3A_2506, %get3A_2507] : memref<16x8x8192xf32, #tpu.memory_space<vmem>>, vector<1x1x8192xf32>
    %get3A_2509 = vector.shape_cast %get3A_2508 : vector<1x1x8192xf32> to vector<8192xf32>
    %mul3A_2510 = vector.broadcast %get3A_2504 : f32 to vector<8192xf32>
    %mul3A_2511 = arith.mulf %mul3A_2510, %get3A_2509 : vector<8192xf32>
    %sub3A_2512 = arith.constant 1.000000e+00 : f32
    %sub3A_2513 = vector.broadcast %sub3A_2512 : f32 to vector<8192xf32>
    %sub3A_2514 = arith.subf %sub3A_2513, %mul3A_2511 : vector<8192xf32>
    %get3A_2515 = arith.constant 15 : index
    %get3A_2516 = arith.constant 1 : index
    %get3A_2517 = memref.load %arg1[%get3A_2515, %get3A_2516] : memref<16x8xf32, #tpu.memory_space<smem>>
    %get3A_2518 = arith.constant 15 : index
    %get3A_2519 = arith.constant 1 : index
    %get3A_2520 = arith.constant 0 : index
    %get3A_2521 = vector.load %arg3[%get3A_2518, %get3A_2519, %get3A_2520] : memref<16x8x8192xf32, #tpu.memory_space<vmem>>, vector<1x1x8192xf32>
    %get3A_2522 = vector.shape_cast %get3A_2521 : vector<1x1x8192xf32> to vector<8192xf32>
    %mul3A_2523 = vector.broadcast %get3A_2517 : f32 to vector<8192xf32>
    %mul3A_2524 = arith.mulf %mul3A_2523, %get3A_2522 : vector<8192xf32>
    %sub3A_2525 = arith.constant 1.000000e+00 : f32
    %sub3A_2526 = vector.broadcast %sub3A_2525 : f32 to vector<8192xf32>
    %sub3A_2527 = arith.subf %sub3A_2526, %mul3A_2524 : vector<8192xf32>
    %mul3A_2528 = arith.mulf %sub3A_2514, %sub3A_2527 : vector<8192xf32>
    %get3A_2529 = arith.constant 15 : index
    %get3A_2530 = arith.constant 2 : index
    %get3A_2531 = memref.load %arg1[%get3A_2529, %get3A_2530] : memref<16x8xf32, #tpu.memory_space<smem>>
    %get3A_2532 = arith.constant 15 : index
    %get3A_2533 = arith.constant 2 : index
    %get3A_2534 = arith.constant 0 : index
    %get3A_2535 = vector.load %arg3[%get3A_2532, %get3A_2533, %get3A_2534] : memref<16x8x8192xf32, #tpu.memory_space<vmem>>, vector<1x1x8192xf32>
    %get3A_2536 = vector.shape_cast %get3A_2535 : vector<1x1x8192xf32> to vector<8192xf32>
    %mul3A_2537 = vector.broadcast %get3A_2531 : f32 to vector<8192xf32>
    %mul3A_2538 = arith.mulf %mul3A_2537, %get3A_2536 : vector<8192xf32>
    %sub3A_2539 = arith.constant 1.000000e+00 : f32
    %sub3A_2540 = vector.broadcast %sub3A_2539 : f32 to vector<8192xf32>
    %sub3A_2541 = arith.subf %sub3A_2540, %mul3A_2538 : vector<8192xf32>
    %mul3A_2542 = arith.mulf %mul3A_2528, %sub3A_2541 : vector<8192xf32>
    %get3A_2543 = arith.constant 15 : index
    %get3A_2544 = arith.constant 3 : index
    %get3A_2545 = memref.load %arg1[%get3A_2543, %get3A_2544] : memref<16x8xf32, #tpu.memory_space<smem>>
    %get3A_2546 = arith.constant 15 : index
    %get3A_2547 = arith.constant 3 : index
    %get3A_2548 = arith.constant 0 : index
    %get3A_2549 = vector.load %arg3[%get3A_2546, %get3A_2547, %get3A_2548] : memref<16x8x8192xf32, #tpu.memory_space<vmem>>, vector<1x1x8192xf32>
    %get3A_2550 = vector.shape_cast %get3A_2549 : vector<1x1x8192xf32> to vector<8192xf32>
    %mul3A_2551 = vector.broadcast %get3A_2545 : f32 to vector<8192xf32>
    %mul3A_2552 = arith.mulf %mul3A_2551, %get3A_2550 : vector<8192xf32>
    %sub3A_2553 = arith.constant 1.000000e+00 : f32
    %sub3A_2554 = vector.broadcast %sub3A_2553 : f32 to vector<8192xf32>
    %sub3A_2555 = arith.subf %sub3A_2554, %mul3A_2552 : vector<8192xf32>
    %mul3A_2556 = arith.mulf %mul3A_2542, %sub3A_2555 : vector<8192xf32>
    %get3A_2557 = arith.constant 15 : index
    %get3A_2558 = arith.constant 4 : index
    %get3A_2559 = memref.load %arg1[%get3A_2557, %get3A_2558] : memref<16x8xf32, #tpu.memory_space<smem>>
    %get3A_2560 = arith.constant 15 : index
    %get3A_2561 = arith.constant 4 : index
    %get3A_2562 = arith.constant 0 : index
    %get3A_2563 = vector.load %arg3[%get3A_2560, %get3A_2561, %get3A_2562] : memref<16x8x8192xf32, #tpu.memory_space<vmem>>, vector<1x1x8192xf32>
    %get3A_2564 = vector.shape_cast %get3A_2563 : vector<1x1x8192xf32> to vector<8192xf32>
    %mul3A_2565 = vector.broadcast %get3A_2559 : f32 to vector<8192xf32>
    %mul3A_2566 = arith.mulf %mul3A_2565, %get3A_2564 : vector<8192xf32>
    %sub3A_2567 = arith.constant 1.000000e+00 : f32
    %sub3A_2568 = vector.broadcast %sub3A_2567 : f32 to vector<8192xf32>
    %sub3A_2569 = arith.subf %sub3A_2568, %mul3A_2566 : vector<8192xf32>
    %mul3A_2570 = arith.mulf %mul3A_2556, %sub3A_2569 : vector<8192xf32>
    %get3A_2571 = arith.constant 15 : index
    %get3A_2572 = arith.constant 5 : index
    %get3A_2573 = memref.load %arg1[%get3A_2571, %get3A_2572] : memref<16x8xf32, #tpu.memory_space<smem>>
    %get3A_2574 = arith.constant 15 : index
    %get3A_2575 = arith.constant 5 : index
    %get3A_2576 = arith.constant 0 : index
    %get3A_2577 = vector.load %arg3[%get3A_2574, %get3A_2575, %get3A_2576] : memref<16x8x8192xf32, #tpu.memory_space<vmem>>, vector<1x1x8192xf32>
    %get3A_2578 = vector.shape_cast %get3A_2577 : vector<1x1x8192xf32> to vector<8192xf32>
    %mul3A_2579 = vector.broadcast %get3A_2573 : f32 to vector<8192xf32>
    %mul3A_2580 = arith.mulf %mul3A_2579, %get3A_2578 : vector<8192xf32>
    %sub3A_2581 = arith.constant 1.000000e+00 : f32
    %sub3A_2582 = vector.broadcast %sub3A_2581 : f32 to vector<8192xf32>
    %sub3A_2583 = arith.subf %sub3A_2582, %mul3A_2580 : vector<8192xf32>
    %mul3A_2584 = arith.mulf %mul3A_2570, %sub3A_2583 : vector<8192xf32>
    %get3A_2585 = arith.constant 15 : index
    %get3A_2586 = arith.constant 6 : index
    %get3A_2587 = memref.load %arg1[%get3A_2585, %get3A_2586] : memref<16x8xf32, #tpu.memory_space<smem>>
    %get3A_2588 = arith.constant 15 : index
    %get3A_2589 = arith.constant 6 : index
    %get3A_2590 = arith.constant 0 : index
    %get3A_2591 = vector.load %arg3[%get3A_2588, %get3A_2589, %get3A_2590] : memref<16x8x8192xf32, #tpu.memory_space<vmem>>, vector<1x1x8192xf32>
    %get3A_2592 = vector.shape_cast %get3A_2591 : vector<1x1x8192xf32> to vector<8192xf32>
    %mul3A_2593 = vector.broadcast %get3A_2587 : f32 to vector<8192xf32>
    %mul3A_2594 = arith.mulf %mul3A_2593, %get3A_2592 : vector<8192xf32>
    %sub3A_2595 = arith.constant 1.000000e+00 : f32
    %sub3A_2596 = vector.broadcast %sub3A_2595 : f32 to vector<8192xf32>
    %sub3A_2597 = arith.subf %sub3A_2596, %mul3A_2594 : vector<8192xf32>
    %mul3A_2598 = arith.mulf %mul3A_2584, %sub3A_2597 : vector<8192xf32>
    %get3A_2599 = arith.constant 15 : index
    %get3A_2600 = arith.constant 7 : index
    %get3A_2601 = memref.load %arg1[%get3A_2599, %get3A_2600] : memref<16x8xf32, #tpu.memory_space<smem>>
    %get3A_2602 = arith.constant 15 : index
    %get3A_2603 = arith.constant 7 : index
    %get3A_2604 = arith.constant 0 : index
    %get3A_2605 = vector.load %arg3[%get3A_2602, %get3A_2603, %get3A_2604] : memref<16x8x8192xf32, #tpu.memory_space<vmem>>, vector<1x1x8192xf32>
    %get3A_2606 = vector.shape_cast %get3A_2605 : vector<1x1x8192xf32> to vector<8192xf32>
    %mul3A_2607 = vector.broadcast %get3A_2601 : f32 to vector<8192xf32>
    %mul3A_2608 = arith.mulf %mul3A_2607, %get3A_2606 : vector<8192xf32>
    %sub3A_2609 = arith.constant 1.000000e+00 : f32
    %sub3A_2610 = vector.broadcast %sub3A_2609 : f32 to vector<8192xf32>
    %sub3A_2611 = arith.subf %sub3A_2610, %mul3A_2608 : vector<8192xf32>
    %mul3A_2612 = arith.mulf %mul3A_2598, %sub3A_2611 : vector<8192xf32>
    %mul3A_2613 = arith.mulf %add3A_2501, %mul3A_2612 : vector<8192xf32>
    %swap3A_2614 = arith.constant 15 : index
    %swap3A_2615 = arith.constant 0 : index
    %swap3A_2616 = vector.load %arg5[%swap3A_2614, %swap3A_2615] : memref<16x8192xf32, #tpu.memory_space<vmem>>, vector<1x8192xf32>
    %swap3A_2617 = vector.shape_cast %swap3A_2616 : vector<1x8192xf32> to vector<8192xf32>
    %swap3A_2618 = vector.shape_cast %mul3A_2613 : vector<8192xf32> to vector<1x8192xf32>
    tpu.vector_store %arg5[%swap3A_2614, %swap3A_2615], %swap3A_2618 {strides = array<i32>} : memref<16x8192xf32, #tpu.memory_space<vmem>>, vector<1x8192xf32>,
    return
  }
  func.func @transform_0(%arg0: i32) -> (i32, i32) {
    %add3A = arith.constant 4 : i32
    %add3A_0 = arith.addi %arg0, %add3A : i32
    %c0_i32 = arith.constant 0 : i32
    %c0_i32_1 = arith.constant 0 : i32
    return %add3A_0, %c0_i32 : i32, i32
  }
  func.func @transform_1(%arg0: i32) -> (i32, i32, i32) {
    %add3A = arith.constant 4 : i32
    %add3A_0 = arith.addi %arg0, %add3A : i32
    %c0_i32 = arith.constant 0 : i32
    %c0_i32_1 = arith.constant 0 : i32
    %c0_i32_2 = arith.constant 0 : i32
    return %add3A_0, %c0_i32, %c0_i32_1 : i32, i32, i32
  }
  func.func @transform_2(%arg0: i32) -> (i32, i32, i32) {
    %add3A = arith.constant 4 : i32
    %add3A_0 = arith.addi %arg0, %add3A : i32
    %c0_i32 = arith.constant 0 : i32
    %c0_i32_1 = arith.constant 0 : i32
    %c0_i32_2 = arith.constant 0 : i32
    return %add3A_0, %c0_i32, %c0_i32_1 : i32, i32, i32
  }
  func.func @transform_3(%arg0: i32) -> (i32, i32) {
    %add3A = arith.constant 4 : i32
    %add3A_0 = arith.addi %arg0, %add3A : i32
    %c0_i32 = arith.constant 0 : i32
    %c0_i32_1 = arith.constant 0 : i32
    return %add3A_0, %c0_i32 : i32, i32
  }
  func.func @transform_4(%arg0: i32) -> (i32, i32) {
    %c0_i32 = arith.constant 0 : i32
    %c0_i32_0 = arith.constant 0 : i32
    return %arg0, %c0_i32 : i32, i32
  }
}

</mosaic_0001>

<sc_bundles>
// kernel: kernel.4.cloned.1.call-start
scs
__scs_entry_jumppad:
0x0: {  	(pc) =	sbr.rel $0x88, $3  }
0x1: {  	(tag) =	ssettag $0x0;
	lr =	simm.s32 $0x1  }
0x2: {  	[smem:$0x3F9D] =	sst lr;
	_ =	strace $0xD0000000  }
0x3: {  	_ = 	snop  }
0x4: {  	_ = 	snop  }
0x5: {  	_ = 	snop  }
0x6: {  	_ = 	snop  }
0x7: {  	_ = 	snop  }
__scs_overlays_trampoline_lowered:
0x8: {  	[smem:$0x3FAC] =	sst s0  }
0x9: {  	[smem:$0x3FAD] =	sst s1  }
0xa: {  	[smem:$0x3FAE] =	sst s2  }
0xb: {  	[smem:$0x3FAF] =	sst s3  }
0xc: {  	[smem:$0x3FB0] =	sst s4  }
0xd: {  	[smem:$0x3FB1] =	sst s5  }
0xe: {  	[smem:$0x3FB2] =	sst s6  }
0xf: {  	[smem:$0x3FB3] =	sst s7  }
0x10: {  	[smem:$0x3FB4] =	sst s8  }
0x11: {  	[smem:$0x3FB5] =	sst s9;
	s0 =	simm.s32 @!p0 $0x0  }
0x12: {  	s1 =	sld [smem:$0x3F9B];
	s0 =	simm.s32 @p0 $0x1  }
0x13: {  	[smem:$0x3FB6] =	sst s0;
	s0 =	simm.s32 @!p1 $0x0  }
0x14: {  	s2 =	sld [smem:$0x3F9A];
	s0 =	simm.s32 @p1 $0x1  }
0x15: {  	[smem:$0x3FB7] =	sst s0;
	s0 =	simm.s32 @!p2 $0x0  }
0x16: {  	s3 =	sld [smem:$0x3FDB];
	s0 =	simm.s32 @p2 $0x1  }
0x17: {  	s4 =	simm.s32 $0x1BF5;
	[smem:$0x3FB9] =	sst s0  }
0x18: {  	s0 =	sld [smem:$0x3F9C];
	_ =	swait.ge [sflag:s4], $0x0  }
0x19: {  	s7 =	sld [smem:$0x3F9D]  }
0x1a: {  	s8 =	sadd.s32 $0xFFFFE003, lr  }
0x1b: {  	s9 =	sadd.s32 $0xFFFFFEF7, lr;
	s5 =	simm.s32 $0xFFFFFFFF;
	p2 =	slt.u32 s8, $0xFFFFF086  }
0x1c: {  	p1 =	slt.u32 s9, $0xF7A;
	s5 =	simm.s32 @!p2 $0x0  }
0x1d: {  	s5 =	simm.s32 @p1 $0x1;
	p0 =	seq.s32 s7, s2  }
0x1e: {  	s7 =	smul.u32 @!p0 $0xF7A, s2;
	p2 =	seq.s32 @!p0 s5, $0x0  }
0x1f: {  	s9 =	smul.u32 $0xF7A, s1;
	s8 =	simm.s32 @!p0 $0x1BF5;
	p2 =	por !p2, p0  }
0x20: {  	[sflag:s8] =	ssyncset.s32 @!p0 $0xFFFFF086;
	s6 =	sadd.s32 @!p0 s3, s7;
	s7 =	simm.s32 @!p0 $0x108  }
0x21: {  	s3 =	sadd.s32 s3, s9;
	s6 =	sadd.s32 @!p0 $0x88, s6;
	s7 =	simm.s32 @p2 $0x1082  }
0x22: {  	[simem:s7], [sflag:s8] =	dma.local @!p0 [hbm:s6], $0xF7A  }
0x23: {  	s9 =	sor.u32 $0xD0000000, s2;
	s6 =	simm.s32 $0x108;
	_ =	swait.ge @!p0 [sflag:s8], $0x0  }
0x24: {  	s3 =	sadd.s32 $0x88, s3;
	s6 =	simm.s32 @!p1 $0x1082;
	[sflag:s4] =	ssyncset.s32 $0xFFFFF086  }
0x25: {  	[simem:s6], [sflag:s4] =	dma.local [hbm:s3], $0xF7A  }
0x26: {  	[smem:$0x3F9D] =	sst s1;
	(tag) =	ssettag s2;
	_ =	strace s9  }
0x27: {  	s1 =	sld [smem:$0x3FAD]  }
0x28: {  	s2 =	sld [smem:$0x3FAE]  }
0x29: {  	s4 =	sld [smem:$0x3FB0]  }
0x2a: {  	p0 =	seq.s32 s5, $0x0;
	s5 =	sld [smem:$0x3FB1]  }
0x2b: {  	s6 =	sld [smem:$0x3FB2]  }
0x2c: {  	s7 =	sld [smem:$0x3FB3]  }
0x2d: {  	s3 =	simm.s32 $0x108;
	s8 =	sld [smem:$0x3FB4]  }
0x2e: {  	s3 =	simm.s32 @!p0 $0x1082;
	s9 =	sld [smem:$0x3FB5]  }
0x2f: {  	lr =	sadd.s32 s0, s3;
	s0 =	sld [smem:$0x3FAC]  }
0x30: {  	s3 =	sld [smem:$0x3FAF]  }
0x31: {  	[smem:$0x3FB8] =	sst s10  }
0x32: {  	s10 =	sld [smem:$0x3FB6];
	_ =	sdelay $0x3  }
0x33: {  	p0 =	seq.s32 s10, $0x1;
	s10 =	sld [smem:$0x3FB8];
	_ =	sdelay $0x3  }
0x34: {  	[smem:$0x3FB8] =	sst s10  }
0x35: {  	s10 =	sld [smem:$0x3FB7];
	_ =	sdelay $0x3  }
0x36: {  	p1 =	seq.s32 s10, $0x1;
	s10 =	sld [smem:$0x3FB8];
	_ =	sdelay $0x3  }
0x37: {  	[smem:$0x3FB8] =	sst s10  }
0x38: {  	s10 =	sld [smem:$0x3FB9]  }
0x39: {  	_ = 	snop;
	(pc) =	sbr.ind lr, $3  }
0x3a: {  	_ = 	snop  }
0x3b: {  	_ = 	snop  }
0x3c: {  	p2 =	seq.s32 s10, $0x1;
	s10 =	sld [smem:$0x3FB8]  }
0x3d: {  	_ =	shalt  }
0x3e: {  	_ =	shalt  }
0x3f: {  	_ =	shalt  }
0x40: {  	_ =	shalt  }
0x41: {  	_ =	shalt  }
0x42: {  	_ =	shalt  }
0x43: {  	_ =	shalt  }
0x44: {  	_ =	shalt  }
0x45: {  	_ =	shalt  }
0x46: {  	_ =	shalt  }
0x47: {  	_ =	shalt  }
0x48: {  	_ =	shalt  }
0x49: {  	_ =	shalt  }
0x4a: {  	_ =	shalt  }
0x4b: {  	_ =	shalt  }
0x4c: {  	_ =	shalt  }
0x4d: {  	_ =	shalt  }
0x4e: {  	_ =	shalt  }
0x4f: {  	_ =	shalt  }
0x50: {  	_ =	shalt  }
0x51: {  	_ =	shalt  }
0x52: {  	_ =	shalt  }
0x53: {  	_ =	shalt  }
0x54: {  	_ =	shalt  }
0x55: {  	_ =	shalt  }
0x56: {  	_ =	shalt  }
0x57: {  	_ =	shalt  }
0x58: {  	_ =	shalt  }
0x59: {  	_ =	shalt  }
0x5a: {  	_ =	shalt  }
0x5b: {  	_ =	shalt  }
0x5c: {  	_ =	shalt  }
0x5d: {  	_ =	shalt  }
0x5e: {  	_ =	shalt  }
0x5f: {  	_ =	shalt  }
0x60: {  	_ =	shalt  }
0x61: {  	_ =	shalt  }
0x62: {  	_ =	shalt  }
0x63: {  	_ =	shalt  }
0x64: {  	_ =	shalt  }
0x65: {  	_ =	shalt  }
0x66: {  	_ =	shalt  }
0x67: {  	_ =	shalt  }
0x68: {  	_ =	shalt  }
0x69: {  	_ =	shalt  }
0x6a: {  	_ =	shalt  }
0x6b: {  	_ =	shalt  }
0x6c: {  	_ =	shalt  }
0x6d: {  	_ =	shalt  }
0x6e: {  	_ =	shalt  }
0x6f: {  	_ =	shalt  }
0x70: {  	_ =	shalt  }
0x71: {  	_ =	shalt  }
0x72: {  	_ =	shalt  }
0x73: {  	_ =	shalt  }
0x74: {  	_ =	shalt  }
0x75: {  	_ =	shalt  }
0x76: {  	_ =	shalt  }
0x77: {  	_ =	shalt  }
0x78: {  	_ =	shalt  }
0x79: {  	_ =	shalt  }
0x7a: {  	_ =	shalt  }
0x7b: {  	_ =	shalt  }
0x7c: {  	_ =	shalt  }
0x7d: {  	_ =	shalt  }
0x7e: {  	_ =	shalt  }
0x7f: {  	_ =	shalt  }
0x80: {  	_ =	shalt  }
0x81: {  	_ =	shalt  }
0x82: {  	_ =	shalt  }
0x83: {  	_ =	shalt  }
0x84: {  	_ =	shalt  }
0x85: {  	_ =	shalt  }
0x86: {  	_ =	shalt  }
0x87: {  	_ =	shalt  }
.Lfunc_end0:
.L_simem_size_0:
called_computation_lowered:
.L_overlay_start_0:
0x88: {  	s2 =	sld [smem:$0x3FD9]  }
0x89: {  	s3 =	sld [smem:$0x3FFE];
	_ =	sdelay $0x1  }
0x8a: {  	s1 =	srdreg.scid  }
0x8b: {  	s0 =	sand.u32 $0x1, s1  }
0x8c: {  	s17 =	sshll.u32 s0, $0xA;
	s2 =	sadd.s32 s3, s2  }
0x8d: {  	s2 =	sadd.s32 s2, s17  }
0x8e: {  	[smem:$0x3FC4] =	sst s2  }
0x8f: {  	_ = 	snop  }
0x90: {  	s2 =	sld [smem:$0x3FC9]  }
0x91: {  	s18 =	sld [smem:$0x3FC7]  }
0x92: {  	s4 =	sld [smem:$0x3FC6]  }
0x93: {  	s5 =	sld [smem:$0x3FD0];
	(tm) =	ssettm $0x1  }
0x94: {  	s6 =	sld [smem:$0x3FFB];
	_ =	sdelay $0x3  }
0x95: {  	_ =	strace s6  }
0x96: {  	s6 =	sld [smem:$0x3FFC];
	_ =	sdelay $0x3  }
0x97: {  	_ =	strace s6  }
0x98: {  	s6 =	sld [smem:$0x3FFD];
	_ =	sdelay $0x3  }
0x99: {  	_ =	strace s6  }
0x9a: {  	_ =	strace $0x8FFFFFFF  }
0x9b: {  	s19 =	sld [smem:$0x3FDB];
	_ =	sdelay $0x1  }
0x9c: {  	s7 =	simm.s32 $_scs_section_size  }
0x9d: {  	s8 =	simm.s32 $_size__tile_overlayer_lowered;
	s9 =	simm.s32 $_tile_overlayer_lowered  }
0x9e: {  	s22 =	simm.s32 $0x1BFF;
	s21 =	sshll.u32 s9, $0x1;
	s6 =	sadd.s32 s7, s19  }
0x9f: {  	s10 =	simm.s32 $0x0;
	s20 =	sshll.u32 s8, $0x1;
	s8 =	sadd.s32 s21, s6  }
0xa0: {  	[timem:s10], [sflag:s22] =	dma.local [hbm:s8], s20  }
0xa1: {  	_ =	swait.ge [sflag:s22], s20  }
0xa2: {  	s7 =	ssub.s32 $0x0, s20;
	[sflag:s22] =	ssyncset.done $0x0  }
0xa3: {  	[sflag:s22] =	ssyncadd.s32 s7;
	_ =	sdelay $0x1  }
0xa4: {  	s23 =	simm.s32 $0x1B8B  }
0xa5: {  	_ =	swait.ge [sflag:s23], $0x1  }
0xa6: {  	[sflag:s23] =	ssyncset.done $0x0  }
0xa7: {  	s25 =	simm.s32 $0x1B8E;
	s24 =	sld [smem:$0x3FFE];
	[sflag:s23] =	ssyncadd.s32 $0xFFFFFFFF  }
0xa8: {  	s26 =	simm.s32 $execute0_lowered;
	[smem:$0x3FD2] =	sst s25  }
0xa9: {  	s8 =	sshll.u32 s26, $0x1;
	_ =	strace $0x80000046;
	[dreg:$0x1] =	wrdreg $0xFFFFFFFF  }
0xaa: {  	s28 =	simm.s32 $_size_execute0_lowered;
	s6 =	sadd.s32 s6, s8;
	[dreg:$0x0] =	wrdreg $0x0  }
0xab: {  	s8 =	sshll.u32 s28, $0x1;
	[dreg:$0x2] =	wrdreg s6  }
0xac: {  	[dreg:$0x3] =	wrdreg s8  }
0xad: {  	[dreg:$0x4] =	wrdreg $0xC0  }
0xae: {  	_ =	task [dreg:s10], $0x5FFFF  }
0xaf: {  	[dreg:$0x1] =	wrdreg $0xFFFFFFFF  }
0xb0: {  	[dreg:$0x0] =	wrdreg $0x60  }
0xb1: {  	[dreg:$0x2] =	wrdreg s2  }
0xb2: {  	[dreg:$0x3] =	wrdreg s5  }
0xb3: {  	[dreg:$0x4] =	wrdreg s18  }
0xb4: {  	[dreg:$0x5] =	wrdreg s4  }
0xb5: {  	[dreg:$0x6] =	wrdreg s24  }
0xb6: {  	[dreg:$0x7] =	wrdreg $0x9  }
0xb7: {  	_ =	task.clear_ibuf [dreg:s10], $0x8FFFF;
	_ =	strace $0x90000046  }
0xb8: {  	s29 =	simm.s32 $0x9;
	_ =	strace $0x80000048  }
0xb9: {  	_ =	swait.ge [sflag:s29], $0x1  }
0xba: {  	[sflag:s29] =	ssyncadd.s32 $0xFFFFFFFF  }
0xbb: {  	_ =	strace $0x90000048  }
0xbc: {  	_ =	sfence  }
0xbd: {  	s30 =	sld [smem:$0x0];
	_ =	sdelay $0x2  }
0xbe: {  	s31 =	sshll.u32 s1, $0xD;
	s1 =	sshrl.u32 s1, $0x2  }
0xbf: {  	s3 =	sand.u32 $0x4000, s31;
	s1 =	sadd.s32 s1, s30  }
0xc0: {  	s0 =	sor.u32 s3, s0;
	s1 =	sshll.u32 s1, $0x11  }
0xc1: {  	s0 =	sor.u32 s1, s0  }
0xc2: {  	s0 =	sadd.s32 $0x8F2B, s0  }
0xc3: {  	[sflag:s0] =	ssyncadd.remote.s32 $0x1  }
0xc4: {  	_ =	sfence.sel $0xFFFF  }
0xc5: {  	[dreg:$0x0] =	wrdreg $0xFFFFFFFF;
	(pc) =	sbr.abs _section_cstart, $3  }
0xc6: {  	[dreg:$0x1] =	wrdreg $0xFFFFFFFF  }
0xc7: {  	_ =	task.clear_ibuf [dreg:s10], $0x2FFFF;
	_ =	strace $0x9FFFFFFF  }
0xc8: {  	(tm) =	ssettm $0x7FFFFFFF  }
0xc9: {  	_ =	shalt  }
tec
execute0_lowered:
.L_overlay_start_1:
0x0: {  	(tag) =	ssettag $0x1  }
0x1: {  	s8 =	rddreg [dreg:$0x0]  }
0x2: {  	s11 =	rddreg [dreg:$0x1]  }
0x3: {  	s9 =	rddreg [dreg:$0x2]  }
0x4: {  	s10 =	rddreg [dreg:$0x3]  }
0x5: {  	s3 =	rddreg [dreg:$0x4]  }
0x6: {  	s0 =	rddreg [dreg:$0x5];
	s2 =	simm.s32 $0x0;
	s4 =	srdreg.scid  }
0x7: {  	s1 =	stileid.u32;
	s18 =	simm.s32 $0x1A000;
	s19 =	simm.s32 $0x1A400  }
0x8: {  	s20 =	simm.s32 $0x0;
	[smem:$0x7FF] =	sst s2;
	s4 =	sand.u32 $0x1, s4  }
0x9: {  	s5 =	sshll.u32 s1, $0x2;
	s12 =	sadd.s32 $0x800, s3;
	s6 =	sshll.u32 s4, $0x1  }
0xa: {  	_ =	strace $0x80000047;
	s24 =	ssub.s32 $0x2, s4;
	s25 =	sor.u32 s6, s5  }
0xb: {  	s26 =	sshrl.u32 s24, $0x1;
	s7 =	sshll.u32 s25, $0xD;
	s6 =	sshll.u32 s25, $0x7  }
0xc: {  	s13 =	ssub.s32 s24, s26;
	s28 =	sshll.u32 s25, $0xC;
	s14 =	sor.u32 $0x1, s25  }
0xd: {  	s29 =	sor.u32 s6, s7;
	s3 =	sadd.s32 s8, s28;
	s4 =	sadd.s32 s9, s7  }
0xe: {  	s16 =	sshll.u32 s14, $0x7;
	s6 =	sadd.s32 s11, s6;
	s30 =	sshll.u32 s14, $0xC  }
0xf: {  	s14 =	sshll.u32 s14, $0xD;
	s13 =	smax.u32 s13, $0x1;
	s5 =	sand.u32 $0x70300, s29  }
0x10: {  	s17 =	sor.u32 s7, s16;
	s8 =	sadd.s32 s8, s30;
	s9 =	sadd.s32 s9, s14  }
0x11: {  	s11 =	sadd.s32 s11, s16;
	s14 =	simm.s32 $0x1;
	s15 =	sshrl.u32 s5, $0x3  }
0x12: {  	s16 =	simm.s32 $0x80;
	s17 =	sand.u32 $0x70380, s17;
	s5 =	sadd.s32 s10, s15  }
0x13: {  	s7 =	sadd.s32 s12, s15;
	s31 =	sshrl.u32 s17, $0x3;
	s15 =	simm.s32 $0x8000  }
0x14: {  	s17 =	simm.s32 $0x400;
	s10 =	sadd.s32 s10, s31;
	s12 =	sadd.s32 s12, s31  }
.LBB2_1:
0x15: {  	[tilespmem:s2], [sflag:$0x1] =	stream.linear.gather [hbm4b:s3+s2], $0x8000, $0x38;
	[tilespmem:$0x1C400] =	vst v63  }
0x16: {  	_ =	swait.ge [sflag:s14], $0x8000  }
0x17: {  	[sflag:s14] =	ssyncset.done $0x0  }
0x18: {  	[sflag:s14] =	ssyncadd.s32 $0xFFFF8000  }
0x19: {  	[tilespmem:s15], [sflag:$0x1] =	stream.linear.gather [hbm4b:s4+s2], $0x10000, $0x38;
	[tilespmem:$0x1C400] =	vst v63  }
0x1a: {  	_ =	swait.ge [sflag:s14], $0x10000  }
0x1b: {  	[sflag:s14] =	ssyncset.done $0x0  }
0x1c: {  	s21 =	simm.s32 $0x18000;
	[sflag:s14] =	ssyncadd.s32 $0xFFFF0000  }
0x1d: {  	[tilespmem:s21], [sflag:$0x1] =	stream.strided.gather [hbm4b:s5+s16], $0x2000, s17, s16, $0x38;
	[tilespmem:$0x1C400] =	vst v63  }
0x1e: {  	_ =	swait.ge [sflag:s14], $0x2000  }
0x1f: {  	[sflag:s14] =	ssyncset.done $0x0  }
0x20: {  	[sflag:s14] =	ssyncadd.s32 $0xFFFFE000  }
0x21: {  	[tilespmem:s18], [sflag:$0x1] =	stream.linear.gather [hbm4b:s6+s2], $0x400, $0x38;
	[tilespmem:$0x1C400] =	vst v63  }
0x22: {  	_ =	swait.ge [sflag:s14], $0x400  }
0x23: {  	[sflag:s14] =	ssyncset.done $0x0  }
0x24: {  	[sflag:s14] =	ssyncadd.s32 $0xFFFFFC00  }
0x25: {  	v6 =	vld [tilespmem:$0x1A000]  }
0x26: {  	v7 =	vld [tilespmem:$0x1A080]  }
0x27: {  	v4 =	vld [tilespmem:$0x1A100]  }
0x28: {  	s22 =	simm.s32 $0x0;
	v3 =	vld [tilespmem:$0x1A180]  }
0x29: {  	s23 =	sand.u32 $0x70, s2;
	s24 =	simm.s32 $0x0;
	s22 =	sand.u32 $0x3FFFFE00, s22;
	v2 =	vld [tilespmem:$0x1A200]  }
0x2a: {  	s24 =	sand.u32 $0x3FFFFC00, s24;
	s22 =	sor.u32 s23, s22;
	v0 =	vld [tilespmem:$0x1A280]  }
0x2b: {  	s23 =	sor.u32 s23, s24;
	v8 =	vld [tilespmem:s22+$0x100]  }
0x2c: {  	v5 =	vld [tilespmem:s23+$0x8000]  }
0x2d: {  	v9 =	vld [tilespmem:s23+$0x8080]  }
0x2e: {  	v10 =	vld [tilespmem:s22+$0x0]  }
0x2f: {  	v11 =	vld [tilespmem:s23+$0x8100]  }
0x30: {  	v12 =	vld [tilespmem:s22+$0x80]  }
0x31: {  	v13 =	vld [tilespmem:s23+$0x8180]  }
0x32: {  	v14 =	vld [tilespmem:s23+$0x8200];
	v5 =	vmul.f32 v5, v6;
	v9 =	vmul.f32 v9, v7  }
0x33: {  	v15 =	vld [tilespmem:s22+$0x180]  }
0x34: {  	v17 =	vld [tilespmem:s23+$0x8280];
	v11 =	vmul.f32 v11, v4;
	v16 =	vsub.f32 $1.000000000e+00, v5;
	v9 =	vsub.f32 $1.000000000e+00, v9  }
0x35: {  	v1 =	vld [tilespmem:$0x1A300];
	v10 =	vsub.f32 $1.000000000e+00, v10;
	v12 =	vsub.f32 $1.000000000e+00, v12  }
0x36: {  	v53 =	vld [tilespmem:s23+$0x8300];
	v13 =	vmul.f32 v13, v3;
	v11 =	vsub.f32 $1.000000000e+00, v11;
	v9 =	vmul.f32 v9, v16  }
0x37: {  	v18 =	vld [tilespmem:s21+$0x0];
	v8 =	vsub.f32 $1.000000000e+00, v8;
	v14 =	vmul.f32 v14, v2  }
0x38: {  	v55 =	vld [tilespmem:s23+$0x8380];
	v10 =	vmul.f32 v12, v10;
	v54 =	vsub.f32 $1.000000000e+00, v13;
	v9 =	vmul.f32 v11, v9  }
0x39: {  	v56 =	vsub.f32 $1.000000000e+00, v15;
	v57 =	vmul.f32 v17, v0;
	v5 =	vld [tilespmem:$0x1A380]  }
0x3a: {  	v58 =	vsub.f32 $1.000000000e+00, v14;
	v8 =	vmul.f32 v8, v10;
	v9 =	vmul.f32 v54, v9  }
0x3b: {  	v59 =	vmul.f32 v53, v1  }
0x3c: {  	v60 =	vsub.f32 $1.000000000e+00, v57;
	v8 =	vmul.f32 v56, v8;
	v9 =	vmul.f32 v58, v9  }
0x3d: {  	v61 =	vsub.f32 $1.000000000e+00, v18;
	v62 =	vsub.f32 $1.000000000e+00, v59  }
0x3e: {  	v12 =	vmul.f32 v55, v5;
	v8 =	vsub.f32 $1.000000000e+00, v8;
	v9 =	vmul.f32 v60, v9;
	_ =	sdelay $0x1  }
0x3f: {  	v63 =	vsub.f32 $1.000000000e+00, v12;
	v8 =	vmul.f32 v8, v61;
	v9 =	vmul.f32 v62, v9;
	_ =	sdelay $0x1  }
0x40: {  	v8 =	vadd.f32 v8, v18;
	v9 =	vmul.f32 v63, v9  }
0x41: {  	s31 =	simm.s32 $0x80  }
0x42: {  	s30 =	simm.s32 $0x40;
	s28 =	sand.u32 $0x3FFFFC00, s31;
	s23 =	simm.s32 $0x10;
	v8 =	vmul.f32 v9, v8  }
0x43: {  	s22 =	sand.u32 $0x3FFFFE00, s30;
	s26 =	sand.u32 $0x70, s23  }
0x44: {  	s24 =	simm.s32 $0x2;
	s25 =	sor.u32 s26, s22;
	s22 =	simm.s32 $0x1A400;
	[tilespmem:s19+$0x0] =	vst v8  }
.LBB2_2:
0x45: {  	p0 =	sne.s32 s24, $0x1FF;
	v8 =	vld [tilespmem:s25+$0x100];
	s26 =	sor.u32 s26, s28  }
0x46: {  	v9 =	vld [tilespmem:s26+$0x8000]  }
0x47: {  	v10 =	vld [tilespmem:s26+$0x8080]  }
0x48: {  	v11 =	vld [tilespmem:s25+$0x0]  }
0x49: {  	v12 =	vld [tilespmem:s26+$0x8100]  }
0x4a: {  	v13 =	vld [tilespmem:s25+$0x80]  }
0x4b: {  	v14 =	vld [tilespmem:s26+$0x8180]  }
0x4c: {  	v9 =	vmul.f32 v9, v6;
	v10 =	vmul.f32 v10, v7;
	v15 =	vld [tilespmem:s26+$0x8200]  }
0x4d: {  	v16 =	vld [tilespmem:s25+$0x180]  }
0x4e: {  	v9 =	vsub.f32 $1.000000000e+00, v9;
	v10 =	vsub.f32 $1.000000000e+00, v10;
	v12 =	vmul.f32 v12, v4;
	v17 =	vld [tilespmem:s26+$0x8280]  }
0x4f: {  	v11 =	vsub.f32 $1.000000000e+00, v11;
	v13 =	vsub.f32 $1.000000000e+00, v13  }
0x50: {  	s21 =	sadd.s32 $0x10, s21;
	v9 =	vmul.f32 v10, v9;
	v10 =	vsub.f32 $1.000000000e+00, v12;
	v12 =	vmul.f32 v14, v3;
	v14 =	vld [tilespmem:s26+$0x8300]  }
0x51: {  	v8 =	vsub.f32 $1.000000000e+00, v8;
	v18 =	vld [tilespmem:s21+$0x0];
	v15 =	vmul.f32 v15, v2  }
0x52: {  	v11 =	vmul.f32 v13, v11;
	v9 =	vmul.f32 v10, v9;
	v10 =	vsub.f32 $1.000000000e+00, v12;
	v12 =	vld [tilespmem:s26+$0x8380]  }
0x53: {  	v13 =	vsub.f32 $1.000000000e+00, v16;
	v16 =	vmul.f32 v17, v0  }
0x54: {  	v8 =	vmul.f32 v8, v11;
	v9 =	vmul.f32 v10, v9;
	v10 =	vsub.f32 $1.000000000e+00, v15  }
0x55: {  	v11 =	vmul.f32 v14, v1  }
0x56: {  	v8 =	vmul.f32 v13, v8;
	v9 =	vmul.f32 v10, v9;
	v10 =	vsub.f32 $1.000000000e+00, v16  }
0x57: {  	v13 =	vsub.f32 $1.000000000e+00, v18;
	v12 =	vmul.f32 v12, v5  }
0x58: {  	v8 =	vsub.f32 $1.000000000e+00, v8;
	v9 =	vmul.f32 v10, v9;
	v10 =	vsub.f32 $1.000000000e+00, v11;
	_ =	sdelay $0x1  }
0x59: {  	v8 =	vmul.f32 v8, v13;
	v9 =	vmul.f32 v10, v9;
	v10 =	vsub.f32 $1.000000000e+00, v12;
	_ =	sdelay $0x1  }
.Ltmp0:
0x5a: {  	v8 =	vadd.f32 v8, v18;
	v9 =	vmul.f32 v10, v9;
	(pc) =	sbr.rel @p0 .LBB2_2-.Ltmp0, $4  }
0x5b: {  	_ = 	snop  }
0x5c: {  	s23 =	sadd.s32 $0x10, s23;
	s22 =	sadd.s32 $0x10, s22;
	s25 =	sshll.u32 s24, $0x6;
	v8 =	vmul.f32 v9, v8  }
0x5d: {  	s28 =	sshll.u32 s24, $0x7;
	s25 =	sand.u32 $0x3FFFFE00, s25;
	s26 =	sand.u32 $0x70, s23  }
0x5e: {  	s28 =	sand.u32 $0x3FFFFC00, s28;
	s24 =	sadd.s32 $0x1, s24;
	s25 =	sor.u32 s26, s25;
	[tilespmem:s22+$0x0] =	vst v8  }
0x5f: {  	s23 =	sor.u32 s26, s28  }
0x60: {  	v9 =	vld [tilespmem:s23+$0x8000]  }
0x61: {  	v10 =	vld [tilespmem:s23+$0x8080]  }
0x62: {  	v11 =	vld [tilespmem:s25+$0x0]  }
0x63: {  	v12 =	vld [tilespmem:s23+$0x8100]  }
0x64: {  	v13 =	vld [tilespmem:s25+$0x80]  }
0x65: {  	v14 =	vld [tilespmem:s23+$0x8180]  }
0x66: {  	v8 =	vld [tilespmem:s25+$0x100];
	v6 =	vmul.f32 v9, v6;
	v7 =	vmul.f32 v10, v7  }
0x67: {  	v42 =	vld [tilespmem:s23+$0x8200]  }
0x68: {  	v43 =	vld [tilespmem:s25+$0x180];
	v4 =	vmul.f32 v12, v4;
	v6 =	vsub.f32 $1.000000000e+00, v6;
	v7 =	vsub.f32 $1.000000000e+00, v7  }
0x69: {  	v44 =	vld [tilespmem:s23+$0x8280];
	v11 =	vsub.f32 $1.000000000e+00, v11;
	v13 =	vsub.f32 $1.000000000e+00, v13  }
0x6a: {  	v3 =	vmul.f32 v14, v3;
	v4 =	vsub.f32 $1.000000000e+00, v4;
	v6 =	vmul.f32 v7, v6  }
0x6b: {  	s21 =	sadd.s32 $0x10, s21;
	v8 =	vsub.f32 $1.000000000e+00, v8;
	v46 =	vmul.f32 v13, v11;
	v7 =	vld [tilespmem:s23+$0x8300]  }
0x6c: {  	v45 =	vld [tilespmem:s21+$0x0];
	v2 =	vmul.f32 v42, v2;
	v3 =	vsub.f32 $1.000000000e+00, v3;
	v4 =	vmul.f32 v4, v6  }
0x6d: {  	v10 =	vsub.f32 $1.000000000e+00, v43;
	v8 =	vmul.f32 v8, v46;
	v6 =	vld [tilespmem:s23+$0x8380]  }
0x6e: {  	v0 =	vmul.f32 v44, v0;
	v2 =	vsub.f32 $1.000000000e+00, v2;
	v3 =	vmul.f32 v3, v4  }
0x6f: {  	v4 =	vmul.f32 v10, v8  }
0x70: {  	v0 =	vsub.f32 $1.000000000e+00, v0;
	v1 =	vmul.f32 v7, v1;
	v2 =	vmul.f32 v2, v3  }
0x71: {  	v3 =	vsub.f32 $1.000000000e+00, v45;
	v4 =	vsub.f32 $1.000000000e+00, v4  }
0x72: {  	v5 =	vmul.f32 v6, v5;
	v1 =	vsub.f32 $1.000000000e+00, v1;
	v0 =	vmul.f32 v0, v2;
	_ =	sdelay $0x1  }
0x73: {  	v2 =	vmul.f32 v4, v3;
	v0 =	vmul.f32 v1, v0;
	v1 =	vsub.f32 $1.000000000e+00, v5;
	_ =	sdelay $0x1  }
0x74: {  	v2 =	vadd.f32 v2, v45;
	v0 =	vmul.f32 v1, v0;
	_ =	sdelay $0x1  }
0x75: {  	v0 =	vmul.f32 v0, v2  }
0x76: {  	s26 =	sadd.s32 $0x10, s22  }
0x77: {  	s21 =	simm.s32 $0x1A400;
	[tilespmem:s26+$0x0] =	vst v0  }
0x78: {  	[hbm4b:s7+s16] =	stream.strided.scatter [tilespmem:s21], [sflag:$0x1], $0x2000, s17, s16, $0x38;
	[tilespmem:$0x1C400] =	vst v63  }
0x79: {  	_ =	swait.ge [sflag:s14], $0x2000  }
0x7a: {  	[sflag:s14] =	ssyncset.done $0x0  }
0x7b: {  	s29 =	simm.s32 $0x0;
	[sflag:s14] =	ssyncadd.s32 $0xFFFFE000  }
0x7c: {  	[tilespmem:s29], [sflag:$0x1] =	stream.linear.gather [hbm4b:s8+s29], $0x8000, $0x38;
	[tilespmem:$0x1C400] =	vst v63  }
0x7d: {  	_ =	swait.ge [sflag:s14], $0x8000  }
0x7e: {  	[sflag:s14] =	ssyncset.done $0x0  }
0x7f: {  	[sflag:s14] =	ssyncadd.s32 $0xFFFF8000  }
0x80: {  	[tilespmem:s15], [sflag:$0x1] =	stream.linear.gather [hbm4b:s9+s29], $0x10000, $0x38;
	[tilespmem:$0x1C400] =	vst v63  }
0x81: {  	_ =	swait.ge [sflag:s14], $0x10000  }
0x82: {  	[sflag:s14] =	ssyncset.done $0x0  }
0x83: {  	s22 =	simm.s32 $0x18000;
	[sflag:s14] =	ssyncadd.s32 $0xFFFF0000  }
0x84: {  	[tilespmem:s22], [sflag:$0x1] =	stream.strided.gather [hbm4b:s10+s16], $0x2000, s17, s16, $0x38;
	[tilespmem:$0x1C400] =	vst v63  }
0x85: {  	_ =	swait.ge [sflag:s14], $0x2000  }
0x86: {  	[sflag:s14] =	ssyncset.done $0x0  }
0x87: {  	[sflag:s14] =	ssyncadd.s32 $0xFFFFE000  }
0x88: {  	[tilespmem:s18], [sflag:$0x1] =	stream.linear.gather [hbm4b:s11+s29], $0x400, $0x38;
	[tilespmem:$0x1C400] =	vst v63  }
0x89: {  	_ =	swait.ge [sflag:s14], $0x400  }
0x8a: {  	[sflag:s14] =	ssyncset.done $0x0  }
0x8b: {  	[sflag:s14] =	ssyncadd.s32 $0xFFFFFC00  }
0x8c: {  	v6 =	vld [tilespmem:$0x1A000]  }
0x8d: {  	v7 =	vld [tilespmem:$0x1A080]  }
0x8e: {  	v4 =	vld [tilespmem:$0x1A100]  }
0x8f: {  	s24 =	simm.s32 $0x0;
	v3 =	vld [tilespmem:$0x1A180]  }
0x90: {  	s30 =	simm.s32 $0x0;
	s24 =	sand.u32 $0x3FFFFE00, s24;
	s23 =	sand.u32 $0x70, s29;
	v2 =	vld [tilespmem:$0x1A200]  }
0x91: {  	s25 =	sand.u32 $0x3FFFFC00, s30;
	s24 =	sor.u32 s23, s24;
	v0 =	vld [tilespmem:$0x1A280]  }
0x92: {  	s23 =	sor.u32 s23, s25;
	v8 =	vld [tilespmem:s24+$0x100]  }
0x93: {  	v5 =	vld [tilespmem:s23+$0x8000]  }
0x94: {  	v47 =	vld [tilespmem:s23+$0x8080]  }
0x95: {  	v48 =	vld [tilespmem:s24+$0x0]  }
0x96: {  	v49 =	vld [tilespmem:s23+$0x8100]  }
0x97: {  	v50 =	vld [tilespmem:s24+$0x80]  }
0x98: {  	v51 =	vld [tilespmem:s23+$0x8180]  }
0x99: {  	v52 =	vld [tilespmem:s23+$0x8200];
	v5 =	vmul.f32 v5, v6;
	v9 =	vmul.f32 v47, v7  }
0x9a: {  	v15 =	vld [tilespmem:s24+$0x180]  }
0x9b: {  	v17 =	vld [tilespmem:s23+$0x8280];
	v11 =	vmul.f32 v49, v4;
	v16 =	vsub.f32 $1.000000000e+00, v5;
	v9 =	vsub.f32 $1.000000000e+00, v9  }
0x9c: {  	v1 =	vld [tilespmem:$0x1A300];
	v10 =	vsub.f32 $1.000000000e+00, v48;
	v12 =	vsub.f32 $1.000000000e+00, v50  }
0x9d: {  	v53 =	vld [tilespmem:s23+$0x8300];
	v13 =	vmul.f32 v51, v3;
	v11 =	vsub.f32 $1.000000000e+00, v11;
	v9 =	vmul.f32 v9, v16  }
0x9e: {  	v18 =	vld [tilespmem:s22+$0x0];
	v8 =	vsub.f32 $1.000000000e+00, v8;
	v14 =	vmul.f32 v52, v2  }
0x9f: {  	v55 =	vld [tilespmem:s23+$0x8380];
	v10 =	vmul.f32 v12, v10;
	v54 =	vsub.f32 $1.000000000e+00, v13;
	v9 =	vmul.f32 v11, v9  }
0xa0: {  	v56 =	vsub.f32 $1.000000000e+00, v15;
	v57 =	vmul.f32 v17, v0;
	v5 =	vld [tilespmem:$0x1A380]  }
0xa1: {  	v58 =	vsub.f32 $1.000000000e+00, v14;
	v8 =	vmul.f32 v8, v10;
	v9 =	vmul.f32 v54, v9  }
0xa2: {  	v59 =	vmul.f32 v53, v1  }
0xa3: {  	v60 =	vsub.f32 $1.000000000e+00, v57;
	v8 =	vmul.f32 v56, v8;
	v9 =	vmul.f32 v58, v9  }
0xa4: {  	v61 =	vsub.f32 $1.000000000e+00, v18;
	v62 =	vsub.f32 $1.000000000e+00, v59  }
0xa5: {  	v12 =	vmul.f32 v55, v5;
	v8 =	vsub.f32 $1.000000000e+00, v8;
	v9 =	vmul.f32 v60, v9;
	_ =	sdelay $0x1  }
0xa6: {  	v63 =	vsub.f32 $1.000000000e+00, v12;
	v8 =	vmul.f32 v8, v61;
	v9 =	vmul.f32 v62, v9;
	_ =	sdelay $0x1  }
0xa7: {  	v8 =	vadd.f32 v8, v18;
	v9 =	vmul.f32 v63, v9;
	_ =	sdelay $0x1  }
0xa8: {  	s31 =	simm.s32 $0x40;
	s23 =	simm.s32 $0x10;
	v8 =	vmul.f32 v9, v8  }
0xa9: {  	s28 =	simm.s32 $0x80;
	s24 =	sand.u32 $0x3FFFFE00, s31;
	s26 =	sand.u32 $0x70, s23  }
0xaa: {  	s28 =	sand.u32 $0x3FFFFC00, s28;
	s25 =	sor.u32 s26, s24;
	s24 =	simm.s32 $0x2;
	[tilespmem:s21+$0x0] =	vst v8  }
.LBB2_4:
0xab: {  	p0 =	sne.s32 s24, $0x1FF;
	v8 =	vld [tilespmem:s25+$0x100];
	s26 =	sor.u32 s26, s28  }
0xac: {  	v9 =	vld [tilespmem:s26+$0x8000]  }
0xad: {  	v10 =	vld [tilespmem:s26+$0x8080]  }
0xae: {  	v11 =	vld [tilespmem:s25+$0x0]  }
0xaf: {  	v12 =	vld [tilespmem:s26+$0x8100]  }
0xb0: {  	v13 =	vld [tilespmem:s25+$0x80]  }
0xb1: {  	v14 =	vld [tilespmem:s26+$0x8180]  }
0xb2: {  	v9 =	vmul.f32 v9, v6;
	v10 =	vmul.f32 v10, v7;
	v15 =	vld [tilespmem:s26+$0x8200]  }
0xb3: {  	v16 =	vld [tilespmem:s25+$0x180]  }
0xb4: {  	v9 =	vsub.f32 $1.000000000e+00, v9;
	v10 =	vsub.f32 $1.000000000e+00, v10;
	v12 =	vmul.f32 v12, v4;
	v17 =	vld [tilespmem:s26+$0x8280]  }
0xb5: {  	v11 =	vsub.f32 $1.000000000e+00, v11;
	v13 =	vsub.f32 $1.000000000e+00, v13  }
0xb6: {  	s22 =	sadd.s32 $0x10, s22;
	v9 =	vmul.f32 v10, v9;
	v10 =	vsub.f32 $1.000000000e+00, v12;
	v12 =	vmul.f32 v14, v3;
	v14 =	vld [tilespmem:s26+$0x8300]  }
0xb7: {  	v8 =	vsub.f32 $1.000000000e+00, v8;
	v18 =	vld [tilespmem:s22+$0x0];
	v15 =	vmul.f32 v15, v2  }
0xb8: {  	v11 =	vmul.f32 v13, v11;
	v9 =	vmul.f32 v10, v9;
	v10 =	vsub.f32 $1.000000000e+00, v12;
	v12 =	vld [tilespmem:s26+$0x8380]  }
0xb9: {  	v13 =	vsub.f32 $1.000000000e+00, v16;
	v16 =	vmul.f32 v17, v0  }
0xba: {  	v8 =	vmul.f32 v8, v11;
	v9 =	vmul.f32 v10, v9;
	v10 =	vsub.f32 $1.000000000e+00, v15  }
0xbb: {  	v11 =	vmul.f32 v14, v1  }
0xbc: {  	v8 =	vmul.f32 v13, v8;
	v9 =	vmul.f32 v10, v9;
	v10 =	vsub.f32 $1.000000000e+00, v16  }
0xbd: {  	v13 =	vsub.f32 $1.000000000e+00, v18;
	v12 =	vmul.f32 v12, v5  }
0xbe: {  	v8 =	vsub.f32 $1.000000000e+00, v8;
	v9 =	vmul.f32 v10, v9;
	v10 =	vsub.f32 $1.000000000e+00, v11;
	_ =	sdelay $0x1  }
0xbf: {  	v8 =	vmul.f32 v8, v13;
	v9 =	vmul.f32 v10, v9;
	v10 =	vsub.f32 $1.000000000e+00, v12;
	_ =	sdelay $0x1  }
.Ltmp1:
0xc0: {  	v8 =	vadd.f32 v8, v18;
	v9 =	vmul.f32 v10, v9;
	(pc) =	sbr.rel @p0 .LBB2_4-.Ltmp1, $4  }
0xc1: {  	_ = 	snop  }
0xc2: {  	s23 =	sadd.s32 $0x10, s23;
	s21 =	sadd.s32 $0x10, s21;
	s25 =	sshll.u32 s24, $0x6;
	v8 =	vmul.f32 v9, v8  }
0xc3: {  	s28 =	sshll.u32 s24, $0x7;
	s25 =	sand.u32 $0x3FFFFE00, s25;
	s26 =	sand.u32 $0x70, s23  }
0xc4: {  	s28 =	sand.u32 $0x3FFFFC00, s28;
	s24 =	sadd.s32 $0x1, s24;
	s25 =	sor.u32 s26, s25;
	[tilespmem:s21+$0x0] =	vst v8  }
0xc5: {  	v8 =	vld [tilespmem:s25+$0x100];
	s23 =	sor.u32 s26, s28  }
0xc6: {  	v9 =	vld [tilespmem:s23+$0x8000]  }
0xc7: {  	v10 =	vld [tilespmem:s23+$0x8080]  }
0xc8: {  	v11 =	vld [tilespmem:s25+$0x0]  }
0xc9: {  	v12 =	vld [tilespmem:s23+$0x8100]  }
0xca: {  	v13 =	vld [tilespmem:s25+$0x80]  }
0xcb: {  	v14 =	vld [tilespmem:s23+$0x8180]  }
0xcc: {  	v53 =	vld [tilespmem:s23+$0x8200];
	v6 =	vmul.f32 v9, v6;
	v7 =	vmul.f32 v10, v7  }
0xcd: {  	v54 =	vld [tilespmem:s25+$0x180]  }
0xce: {  	v55 =	vld [tilespmem:s23+$0x8280];
	v4 =	vmul.f32 v12, v4;
	v6 =	vsub.f32 $1.000000000e+00, v6;
	v7 =	vsub.f32 $1.000000000e+00, v7  }
0xcf: {  	v11 =	vsub.f32 $1.000000000e+00, v11;
	v13 =	vsub.f32 $1.000000000e+00, v13  }
0xd0: {  	s22 =	sadd.s32 $0x10, s22;
	v56 =	vld [tilespmem:s23+$0x8300];
	v3 =	vmul.f32 v14, v3;
	v4 =	vsub.f32 $1.000000000e+00, v4;
	v6 =	vmul.f32 v7, v6  }
0xd1: {  	v57 =	vld [tilespmem:s22+$0x0];
	v8 =	vsub.f32 $1.000000000e+00, v8;
	v2 =	vmul.f32 v53, v2  }
0xd2: {  	v59 =	vld [tilespmem:s23+$0x8380];
	v58 =	vmul.f32 v13, v11;
	v3 =	vsub.f32 $1.000000000e+00, v3;
	v4 =	vmul.f32 v4, v6  }
0xd3: {  	v10 =	vsub.f32 $1.000000000e+00, v54;
	v0 =	vmul.f32 v55, v0  }
0xd4: {  	v2 =	vsub.f32 $1.000000000e+00, v2;
	v8 =	vmul.f32 v8, v58;
	v3 =	vmul.f32 v3, v4  }
0xd5: {  	v1 =	vmul.f32 v56, v1  }
0xd6: {  	v0 =	vsub.f32 $1.000000000e+00, v0;
	v60 =	vmul.f32 v10, v8;
	v2 =	vmul.f32 v2, v3  }
0xd7: {  	v61 =	vsub.f32 $1.000000000e+00, v57;
	v5 =	vmul.f32 v59, v5  }
0xd8: {  	v1 =	vsub.f32 $1.000000000e+00, v1;
	v4 =	vsub.f32 $1.000000000e+00, v60;
	v0 =	vmul.f32 v0, v2;
	_ =	sdelay $0x1  }
0xd9: {  	v63 =	vsub.f32 $1.000000000e+00, v5;
	v62 =	vmul.f32 v4, v61;
	v0 =	vmul.f32 v1, v0;
	_ =	sdelay $0x1  }
0xda: {  	v2 =	vadd.f32 v62, v57;
	v0 =	vmul.f32 v63, v0;
	_ =	sdelay $0x1  }
0xdb: {  	s20 =	sadd.s32 $0x1, s20;
	v0 =	vmul.f32 v0, v2  }
0xdc: {  	s21 =	sadd.s32 $0x10, s21;
	p0 =	sne.s32 s20, s13  }
.Ltmp2:
0xdd: {  	[tilespmem:s21+$0x0] =	vst v0;
	(pc) =	sbr.rel @p0 .LBB2_1-.Ltmp2, $4  }
0xde: {  	[hbm4b:s12+s16] =	stream.strided.scatter [tilespmem:s19], [sflag:$0x1], $0x2000, s17, s16, $0x38;
	[tilespmem:$0x1C400] =	vst v63  }
0xdf: {  	_ =	swait.ge [sflag:s14], $0x2000  }
0xe0: {  	[sflag:s14] =	ssyncset.done $0x0  }
0xe1: {  	[sflag:s14] =	ssyncadd.s32 $0xFFFFE000  }
0xe2: {  	_ =	sfence.sel $0x180000  }
0xe3: {  	[bflag:$0x0] =	sbarrier.arrive $0xFFFF  }
0xe4: {  	p0 =	sne.s32 s1, $0x0;
	_ =	strace $0x90000047  }
0xe5: {  	s0 =	sadd.s32 @!p0 $0x100000, s0;
	[bflag:$0x2] =	sbarrier.arrive $0xFFFF  }
0xe6: {  	[sflag:s0] =	ssyncadd.tile.s32 @!p0 $0x1;
	_ =	shalt  }
.Lfunc_end2:
_tile_overlayer_lowered:
.L_overlay_start_2:
0xe7: {  	(tag) =	ssettag $0x2  }
0xe8: {  	s0 =	rddreg [dreg:$0x0];
	s2 =	stileid.u32  }
0xe9: {  	s1 =	rddreg [dreg:$0x1];
	p0 =	sne.s32 s2, $0x0  }
0xea: {  	s3 =	rddreg [dreg:$0x2];
	[bflag:$0x3] =	sbarrier.arrive $0xFFFF;
	s2 =	simm.s32 @!p0 $0x1C01  }
0xeb: {  	[timem:s3], [sflag:s2] =	dma.local @!p0 [hbm:s0], s1  }
0xec: {  	s0 =	simm.s32 @!p0 $0x1  }
0xed: {  	_ =	swait.ge @!p0 [sflag:s0], s1  }
0xee: {  	s1 =	ssub.s32 @!p0 $0x0, s1;
	[sflag:s0] =	ssyncset.done @!p0 $0x0  }
0xef: {  	[sflag:s0] =	ssyncadd.s32 @!p0 s1  }
0xf0: {  	[bflag:$0x3] =	sbarrier.arrive $0xFFFF  }
0xf1: {  	_ =	shalt  }

</sc_bundles>
